<compile_context>
chip_gen: v7x
topology: tpu7x:2x2x1
jax: 0.10.2.dev20260603
libtpu: 0.0.44.dev20260713+nightly
codegen_flags: <defaults>
</compile_context>

<pallas_src>
import functools

import jax
import jax.numpy as jnp
from jax import lax
from jax.experimental import pallas as pl
from jax.experimental.pallas import tpu as pltpu
from jax.experimental.pallas import tpu_sc as plsc

N = 10000
H = 32
K = 15
C_IN = 128
C_OUT = 128
KP_EXTENT = 0.12

NW = 32
PER_W = (N * H) // NW
G = 80
NCHUNK = PER_W // G


def _sc_gather(x, s_pad, idx3):
    mesh = plsc.VectorSubcoreMesh(core_axis_name="c", subcore_axis_name="s")

    @functools.partial(
        pl.kernel,
        mesh=mesh,
        out_type=(
            jax.ShapeDtypeStruct((N * H, C_IN), jnp.float32),
            jax.ShapeDtypeStruct((N * H, 16), jnp.float32),
        ),
        scratch_types=[
            pltpu.VMEM((NCHUNK, G), jnp.int32),
            pltpu.VMEM((2, G, C_IN), jnp.float32),
            pltpu.VMEM((2, G, 16), jnp.float32),
        ] + [pltpu.SemaphoreType.DMA] * 8,
        compiler_params=pltpu.CompilerParams(use_tc_tiling_on_sc=False),
    )
    def k(x_hbm, s_hbm, idx_hbm, nx_hbm, snb_hbm, idx_v, xbuf, sbuf,
          gx0, gx1, gs0, gs1, wx0, wx1, ws0, ws1):
        wid = lax.axis_index("s") * 2 + lax.axis_index("c")
        base = wid * PER_W
        gx = (gx0, gx1)
        gs = (gs0, gs1)
        wx = (wx0, wx1)
        ws = (ws0, ws1)
        pltpu.sync_copy(idx_hbm.at[wid], idx_v)

        def g_start(c, slot):
            pltpu.async_copy(x_hbm.at[idx_v.at[c]], xbuf.at[slot], gx[slot])
            pltpu.async_copy(s_hbm.at[idx_v.at[c]], sbuf.at[slot], gs[slot])

        def g_wait(c, slot):
            pltpu.make_async_copy(
                x_hbm.at[idx_v.at[c]], xbuf.at[slot], gx[slot]).wait()
            pltpu.make_async_copy(
                s_hbm.at[idx_v.at[c]], sbuf.at[slot], gs[slot]).wait()

        def w_start(c, slot):
            row0 = base + c * G
            pltpu.async_copy(xbuf.at[slot], nx_hbm.at[pl.ds(row0, G)],
                             wx[slot])
            pltpu.async_copy(sbuf.at[slot], snb_hbm.at[pl.ds(row0, G)],
                             ws[slot])

        def w_wait(c, slot):
            row0 = base + c * G
            pltpu.make_async_copy(
                xbuf.at[slot], nx_hbm.at[pl.ds(row0, G)], wx[slot]).wait()
            pltpu.make_async_copy(
                sbuf.at[slot], snb_hbm.at[pl.ds(row0, G)], ws[slot]).wait()

        g_start(0, 0)
        g_start(1, 1)

        def body(i, carry):
            c0, c1 = 2 * i, 2 * i + 1
            g_wait(c0, 0)
            w_start(c0, 0)
            g_wait(c1, 1)
            w_start(c1, 1)
            w_wait(c0, 0)
            g_start(c0 + 2, 0)

            @pl.when(i < (NCHUNK - 1) // 2 - 1)
            def _():
                w_wait(c1, 1)
                g_start(c1 + 2, 1)
            return carry

        lax.fori_loop(0, (NCHUNK - 1) // 2, body, 0)
        g_wait(NCHUNK - 1, 0)
        w_wait(NCHUNK - 2, 1)
        w_start(NCHUNK - 1, 0)
        w_wait(NCHUNK - 1, 0)

    return k(x, s_pad, idx3)


B = 400
NBLK = N // B
GRP = 8
NGRP = B // GRP


def _tc_body(nx_ref, snb_ref, q_ref, kpt_ref, w2_ref, mask_ref, out_ref):
    qp = q_ref[...]
    ks = kpt_ref[...]
    snb = snb_ref[...]
    nx = nx_ref[...]

    qrep = jnp.broadcast_to(qp[:, None, :], (B, H, 16)).reshape(B * H, 16)
    dif = snb - qrep
    difT = jnp.transpose(dif, (1, 0))
    dx, dy, dz = difT[0:1], difT[1:2], difT[2:3]
    dn = dx * dx + dy * dy + dz * dz
    cross = ks[:, 0:1] * dx + ks[:, 1:2] * dy + ks[:, 2:3] * dz
    d2 = jnp.maximum(dn - 2.0 * cross + ks[:, 3:4], 0.0)
    wt = jnp.maximum(1.0 - jnp.sqrt(d2) * (1.0 / KP_EXTENT),
                     0.0).astype(jnp.bfloat16)
    nxb = nx.astype(jnp.bfloat16)
    mask = mask_ref[...]

    wf_parts = []
    for g in range(NGRP):
        wt_g = wt[:, g * GRP * H : (g + 1) * GRP * H]
        lhs = jnp.broadcast_to(wt_g[:, None, :], (16, GRP, GRP * H))
        lhs = lhs.reshape(16 * GRP, GRP * H) * mask
        rhs = nxb[g * GRP * H : (g + 1) * GRP * H, :]
        r_g = lax.dot_general(
            lhs, rhs, (((1,), (0,)), ((), ())),
            preferred_element_type=jnp.float32,
        )
        wf_parts.append(jnp.concatenate(
            [r_g[k * GRP : (k + 1) * GRP, :] for k in range(16)], axis=1))
    wf = jnp.concatenate(wf_parts, axis=0)

    out = lax.dot_general(
        wf, w2_ref[...],
        (((1,), (0,)), ((), ())),
        preferred_element_type=jnp.float32,
    )

    nsum = jnp.sum(nx.reshape(B, H, C_IN), axis=2)
    cnt = jnp.sum((nsum > 0.0).astype(jnp.float32), axis=1, keepdims=True)
    out_ref[...] = out / jnp.maximum(cnt, 1.0)


def _tc_conv(nx, snb, q_pts, kpt, w2, mask):
    return pl.pallas_call(
        _tc_body,
        grid=(NBLK,),
        in_specs=[
            pl.BlockSpec((B * H, C_IN), lambda i: (i, 0)),
            pl.BlockSpec((B * H, 16), lambda i: (i, 0)),
            pl.BlockSpec((B, 16), lambda i: (i, 0)),
            pl.BlockSpec((16, 4), lambda i: (0, 0)),
            pl.BlockSpec((16 * C_IN, C_OUT), lambda i: (0, 0)),
            pl.BlockSpec((16 * GRP, GRP * H), lambda i: (0, 0)),
        ],
        out_specs=pl.BlockSpec((B, C_OUT), lambda i: (i, 0)),
        out_shape=jax.ShapeDtypeStruct((N, C_OUT), jnp.float32),
    )(nx, snb, q_pts, kpt, w2, mask)


def kernel(q_pts, s_pts, neighb_inds, x, weights, kernel_points):
    s_pad = jnp.pad(s_pts, ((0, 0), (0, 16 - 3)))
    kp16 = jnp.concatenate(
        [kernel_points, jnp.full((1, 3), 1000.0, jnp.float32)], axis=0)
    kpt = jnp.concatenate(
        [kp16, jnp.sum(kp16 * kp16, axis=1, keepdims=True)], axis=1)
    q_pad = jnp.pad(q_pts, ((0, 0), (0, 16 - 3)))
    w2 = jnp.concatenate(
        [weights, jnp.zeros((1, C_IN, C_OUT), jnp.float32)], axis=0
    ).reshape(16 * C_IN, C_OUT)
    rb = (jnp.arange(16 * GRP) % GRP)[:, None]
    cb = (jnp.arange(GRP * H) // H)[None, :]
    mask = (rb == cb).astype(jnp.bfloat16)

    nx, snb = _sc_gather(x, s_pad, neighb_inds.reshape(NW, NCHUNK, G))
    return _tc_conv(nx, snb, q_pad, kpt, w2, mask)

# --- scband reference (transcript-rebuilt; emitter-appended) ---
"""Pipeline reference for scband-kpconv-24790551232572 (READ-ONLY COPY).

The authoritative reference and input builder live on the scoring server;
editing this copy changes nothing except your own understanding.
"""

import jax, jax.numpy as jnp
import numpy as np

N = 10000
H = 32
K = 15
C_IN = 128
C_OUT = 128
P_DIM = 3
RADIUS = 0.1
KP_EXTENT = 0.12


def _make_kernel_points():
    # Deterministic stand-in for load_kernels(): K points in a ball of radius RADIUS,
    # with the first point fixed at the center (fixed_kernel_points='center').
    rng = np.random.default_rng(42)
    pts = rng.uniform(-1.0, 1.0, size=(K, P_DIM)).astype(np.float32)
    norms = np.linalg.norm(pts, axis=1, keepdims=True) + 1e-6
    radii = rng.uniform(0.3, 1.0, size=(K, 1)).astype(np.float32)
    pts = pts / norms * radii
    pts[0, :] = 0.0
    return jnp.asarray(pts * RADIUS, dtype=jnp.float32)


def setup_inputs(seed: int = 0) -> dict:
    key = jax.random.key(seed)
    k1, k2, k3, k4, k5 = jax.random.split(key, 5)
    q_pts = jax.random.uniform(k1, (N, P_DIM), dtype=jnp.float32)
    s_pts = jax.random.uniform(k2, (N, P_DIM), dtype=jnp.float32)
    neighb_inds = jax.random.randint(k3, (N, H), 0, N, dtype=jnp.int32)
    x = jax.random.normal(k4, (N, C_IN), dtype=jnp.float32)
    weights = jax.random.normal(k5, (K, C_IN, C_OUT), dtype=jnp.float32) * 0.05
    kernel_points = _make_kernel_points()
    return {"q_pts": q_pts, "s_pts": s_pts, "neighb_inds": neighb_inds,
            "x": x, "weights": weights, "kernel_points": kernel_points}


def reference(q_pts, s_pts, neighb_inds, x, weights, kernel_points):
    # Add a fake point in the last row for shadow neighbors
    s_pts_pad = jnp.concatenate([s_pts, jnp.full((1, P_DIM), 1e6, dtype=s_pts.dtype)], axis=0)
    # Gather neighbor points: [N, H, p_dim], center on query points
    neighbors = jnp.take(s_pts_pad, neighb_inds, axis=0) - q_pts[:, None, :]
    # Differences to each kernel point: [N, H, K, p_dim]
    differences = neighbors[:, :, None, :] - kernel_points[None, None, :, :]
    sq_distances = jnp.sum(differences ** 2, axis=3)  # [N, H, K]
    # Linear influence weights
    all_weights = jnp.clip(1.0 - jnp.sqrt(sq_distances) / KP_EXTENT, 0.0, None)
    all_weights = jnp.transpose(all_weights, (0, 2, 1))  # [N, K, H]
    # Add zero feature row for shadow neighbors, then gather neighbor features
    x_pad = jnp.concatenate([x, jnp.zeros((1, C_IN), dtype=x.dtype)], axis=0)
    neighb_x = jnp.take(x_pad, neighb_inds, axis=0)  # [N, H, C_in]
    # Weighted features per kernel point: [N, K, C_in]
    weighted_features = jnp.matmul(all_weights, neighb_x)
    weighted_features = jnp.transpose(weighted_features, (1, 0, 2))  # [K, N, C_in]
    # Apply per-kernel-point weight matrices: [K, N, C_out]
    kernel_outputs = jnp.matmul(weighted_features, weights)
    output_features = jnp.sum(kernel_outputs, axis=0)  # [N, C_out]
    # Density normalization (PREDATOR KPConv)
    neighbor_features_sum = jnp.sum(neighb_x, axis=-1)  # [N, H]
    neighbor_num = jnp.sum((neighbor_features_sum > 0.0).astype(jnp.float32), axis=-1)
    neighbor_num = jnp.maximum(neighbor_num, 1.0)
    return output_features / neighbor_num[:, None]

if __name__ == "__main__":
    import jax
    _d = setup_inputs()
    print(jax.jit(kernel)(*tuple(_d.values())))

</pallas_src>

<mosaic_0001>
#map = affine_map<(d0, d1) -> (0, 0)>
#map1 = affine_map<(d0, d1) -> (0, 0, 0)>
module attributes {stable_mosaic.version = 14 : i64} {
  func.func @k(%arg0: i32, %arg1: i32, %arg2: memref<10000x128xf32, #tpu.memory_space<hbm>>, %arg3: memref<10000x16xf32, #tpu.memory_space<hbm>>, %arg4: memref<32x125x80xi32, #tpu.memory_space<hbm>>, %arg5: memref<320000x128xf32, #tpu.memory_space<hbm>>, %arg6: memref<320000x16xf32, #tpu.memory_space<hbm>>, %arg7: memref<125x80xi32, #tpu.memory_space<vmem>>, %arg8: memref<2x80x128xf32, #tpu.memory_space<vmem>>, %arg9: memref<2x80x16xf32, #tpu.memory_space<vmem>>, %arg10: memref<!tpu.dma_semaphore, #tpu.memory_space<semaphore_mem>>, %arg11: memref<!tpu.dma_semaphore, #tpu.memory_space<semaphore_mem>>, %arg12: memref<!tpu.dma_semaphore, #tpu.memory_space<semaphore_mem>>, %arg13: memref<!tpu.dma_semaphore, #tpu.memory_space<semaphore_mem>>, %arg14: memref<!tpu.dma_semaphore, #tpu.memory_space<semaphore_mem>>, %arg15: memref<!tpu.dma_semaphore, #tpu.memory_space<semaphore_mem>>, %arg16: memref<!tpu.dma_semaphore, #tpu.memory_space<semaphore_mem>>, %arg17: memref<!tpu.dma_semaphore, #tpu.memory_space<semaphore_mem>>) attributes {dimension_semantics = [#tpu.dimension_semantics<core_parallel>, #tpu.dimension_semantics<subcore_parallel>], iteration_bounds = array<i64: 2, 16>, scalar_prefetch = 0 : i64, scratch_operands = 11 : i64, tpu.core_type = #tpu.core_type<sc_vector_subcore>, window_params = [{transform_indices = #map}, {transform_indices = #map}, {transform_indices = #map1}, {transform_indices = #map}, {transform_indices = #map}]} {
    %mul3A = arith.constant 2 : i32
    %mul3A_0 = arith.muli %arg1, %mul3A : i32
    %add3A = arith.addi %mul3A_0, %arg0 : i32
    %mul3A_1 = arith.constant 10000 : i32
    %mul3A_2 = arith.muli %add3A, %mul3A_1 : i32
    "tpu.region"() ({
      %run_scoped3A = tpu.sem_alloc : memref<!tpu.dma_semaphore, #tpu.memory_space<semaphore_mem>>
      %dma_start3A_162 = arith.constant 0 : i32
      %dma_start3A_163 = arith.constant 0 : i32
      %dma_start3A_164 = tpu.memref_slice %arg4[%add3A, %dma_start3A_162, %dma_start3A_163] : memref<32x125x80xi32, #tpu.memory_space<hbm>> -> memref<1x125x80xi32, #tpu.memory_space<hbm>>
      %dma_start3A_165 = tpu.memref_squeeze %dma_start3A_164 : memref<1x125x80xi32, #tpu.memory_space<hbm>> -> memref<125x80xi32, #tpu.memory_space<hbm>>
      %dma_start3A_166 = arith.constant 0 : i32
      %dma_start3A_167 = arith.constant 0 : i32
      %dma_start3A_168 = tpu.memref_slice %arg4[%add3A, %dma_start3A_166, %dma_start3A_167] : memref<32x125x80xi32, #tpu.memory_space<hbm>> -> memref<1x125x80xi32, #tpu.memory_space<hbm>>
      %dma_start3A_169 = tpu.memref_squeeze %dma_start3A_168 : memref<1x125x80xi32, #tpu.memory_space<hbm>> -> memref<125x80xi32, #tpu.memory_space<hbm>>
      tpu.enqueue_dma source(%dma_start3A_169 : memref<125x80xi32, #tpu.memory_space<hbm>>) target(%arg7 : memref<125x80xi32, #tpu.memory_space<vmem>>) target_semaphore(%run_scoped3A : memref<!tpu.dma_semaphore, #tpu.memory_space<semaphore_mem>>)
      %dma_wait3A_170 = arith.constant 0 : i32
      %dma_wait3A_171 = arith.constant 0 : i32
      %dma_wait3A_172 = tpu.memref_slice %arg4[%add3A, %dma_wait3A_170, %dma_wait3A_171] : memref<32x125x80xi32, #tpu.memory_space<hbm>> -> memref<1x125x80xi32, #tpu.memory_space<hbm>>
      %dma_wait3A_173 = tpu.memref_squeeze %dma_wait3A_172 : memref<1x125x80xi32, #tpu.memory_space<hbm>> -> memref<125x80xi32, #tpu.memory_space<hbm>>
      %dma_wait3A_174 = arith.constant 0 : i32
      %dma_wait3A_175 = arith.constant 0 : i32
      %dma_wait3A_176 = tpu.memref_slice %arg4[%add3A, %dma_wait3A_174, %dma_wait3A_175] : memref<32x125x80xi32, #tpu.memory_space<hbm>> -> memref<1x125x80xi32, #tpu.memory_space<hbm>>
      %dma_wait3A_177 = tpu.memref_squeeze %dma_wait3A_176 : memref<1x125x80xi32, #tpu.memory_space<hbm>> -> memref<125x80xi32, #tpu.memory_space<hbm>>
      tpu.wait_dma2 semaphore(%run_scoped3A : memref<!tpu.dma_semaphore, #tpu.memory_space<semaphore_mem>>) src(%dma_wait3A_177 : memref<125x80xi32, #tpu.memory_space<hbm>>) dst(%arg7 : memref<125x80xi32, #tpu.memory_space<vmem>>)
      tpu.yield
    }) : () -> ()
    %dma_start3A = arith.constant 0 : i32
    %dma_start3A_3 = arith.constant 0 : i32
    %dma_start3A_4 = arith.constant 0 : i32
    %dma_start3A_5 = arith.constant 0 : i32
    %dma_start3A_6 = tpu.memref_slice %arg8[%dma_start3A_3, %dma_start3A_4, %dma_start3A_5] : memref<2x80x128xf32, #tpu.memory_space<vmem>> -> memref<1x80x128xf32, #tpu.memory_space<vmem>>
    %dma_start3A_7 = tpu.memref_squeeze %dma_start3A_6 : memref<1x80x128xf32, #tpu.memory_space<vmem>> -> memref<80x128xf32, #tpu.memory_space<vmem>>
    %dma_start3A_8 = arith.constant 0 : i32
    %dma_start3A_9 = tpu.memref_slice %arg7[%dma_start3A, %dma_start3A_8] : memref<125x80xi32, #tpu.memory_space<vmem>> -> memref<1x80xi32, #tpu.memory_space<vmem>>
    %dma_start3A_10 = tpu.memref_squeeze %dma_start3A_9 : memref<1x80xi32, #tpu.memory_space<vmem>> -> memref<80xi32, #tpu.memory_space<vmem>>
    %dma_start3A_11 = arith.constant 0 : i32
    %dma_start3A_12 = arith.constant 0 : i32
    %dma_start3A_13 = tpu.memref_slice %arg2[%dma_start3A_11, %dma_start3A_12] : memref<10000x128xf32, #tpu.memory_space<hbm>> -> memref<10000x128xf32, #tpu.memory_space<hbm>>
    tpu.enqueue_indirect_dma source(%dma_start3A_13 : memref<10000x128xf32, #tpu.memory_space<hbm>>) target(%dma_start3A_7 : memref<80x128xf32, #tpu.memory_space<vmem>>) offsets(%dma_start3A_10 : memref<80xi32, #tpu.memory_space<vmem>>) semaphore(%arg10 : memref<!tpu.dma_semaphore, #tpu.memory_space<semaphore_mem>>)
    %dma_start3A_14 = arith.constant 0 : i32
    %dma_start3A_15 = arith.constant 0 : i32
    %dma_start3A_16 = arith.constant 0 : i32
    %dma_start3A_17 = arith.constant 0 : i32
    %dma_start3A_18 = tpu.memref_slice %arg9[%dma_start3A_15, %dma_start3A_16, %dma_start3A_17] : memref<2x80x16xf32, #tpu.memory_space<vmem>> -> memref<1x80x16xf32, #tpu.memory_space<vmem>>
    %dma_start3A_19 = tpu.memref_squeeze %dma_start3A_18 : memref<1x80x16xf32, #tpu.memory_space<vmem>> -> memref<80x16xf32, #tpu.memory_space<vmem>>
    %dma_start3A_20 = arith.constant 0 : i32
    %dma_start3A_21 = tpu.memref_slice %arg7[%dma_start3A_14, %dma_start3A_20] : memref<125x80xi32, #tpu.memory_space<vmem>> -> memref<1x80xi32, #tpu.memory_space<vmem>>
    %dma_start3A_22 = tpu.memref_squeeze %dma_start3A_21 : memref<1x80xi32, #tpu.memory_space<vmem>> -> memref<80xi32, #tpu.memory_space<vmem>>
    %dma_start3A_23 = arith.constant 0 : i32
    %dma_start3A_24 = arith.constant 0 : i32
    %dma_start3A_25 = tpu.memref_slice %arg3[%dma_start3A_23, %dma_start3A_24] : memref<10000x16xf32, #tpu.memory_space<hbm>> -> memref<10000x16xf32, #tpu.memory_space<hbm>>
    tpu.enqueue_indirect_dma source(%dma_start3A_25 : memref<10000x16xf32, #tpu.memory_space<hbm>>) target(%dma_start3A_19 : memref<80x16xf32, #tpu.memory_space<vmem>>) offsets(%dma_start3A_22 : memref<80xi32, #tpu.memory_space<vmem>>) semaphore(%arg12 : memref<!tpu.dma_semaphore, #tpu.memory_space<semaphore_mem>>)
    %dma_start3A_26 = arith.constant 1 : i32
    %dma_start3A_27 = arith.constant 1 : i32
    %dma_start3A_28 = arith.constant 0 : i32
    %dma_start3A_29 = arith.constant 0 : i32
    %dma_start3A_30 = tpu.memref_slice %arg8[%dma_start3A_27, %dma_start3A_28, %dma_start3A_29] : memref<2x80x128xf32, #tpu.memory_space<vmem>> -> memref<1x80x128xf32, #tpu.memory_space<vmem>>
    %dma_start3A_31 = tpu.memref_squeeze %dma_start3A_30 : memref<1x80x128xf32, #tpu.memory_space<vmem>> -> memref<80x128xf32, #tpu.memory_space<vmem>>
    %dma_start3A_32 = arith.constant 0 : i32
    %dma_start3A_33 = tpu.memref_slice %arg7[%dma_start3A_26, %dma_start3A_32] : memref<125x80xi32, #tpu.memory_space<vmem>> -> memref<1x80xi32, #tpu.memory_space<vmem>>
    %dma_start3A_34 = tpu.memref_squeeze %dma_start3A_33 : memref<1x80xi32, #tpu.memory_space<vmem>> -> memref<80xi32, #tpu.memory_space<vmem>>
    %dma_start3A_35 = arith.constant 0 : i32
    %dma_start3A_36 = arith.constant 0 : i32
    %dma_start3A_37 = tpu.memref_slice %arg2[%dma_start3A_35, %dma_start3A_36] : memref<10000x128xf32, #tpu.memory_space<hbm>> -> memref<10000x128xf32, #tpu.memory_space<hbm>>
    tpu.enqueue_indirect_dma source(%dma_start3A_37 : memref<10000x128xf32, #tpu.memory_space<hbm>>) target(%dma_start3A_31 : memref<80x128xf32, #tpu.memory_space<vmem>>) offsets(%dma_start3A_34 : memref<80xi32, #tpu.memory_space<vmem>>) semaphore(%arg11 : memref<!tpu.dma_semaphore, #tpu.memory_space<semaphore_mem>>)
    %dma_start3A_38 = arith.constant 1 : i32
    %dma_start3A_39 = arith.constant 1 : i32
    %dma_start3A_40 = arith.constant 0 : i32
    %dma_start3A_41 = arith.constant 0 : i32
    %dma_start3A_42 = tpu.memref_slice %arg9[%dma_start3A_39, %dma_start3A_40, %dma_start3A_41] : memref<2x80x16xf32, #tpu.memory_space<vmem>> -> memref<1x80x16xf32, #tpu.memory_space<vmem>>
    %dma_start3A_43 = tpu.memref_squeeze %dma_start3A_42 : memref<1x80x16xf32, #tpu.memory_space<vmem>> -> memref<80x16xf32, #tpu.memory_space<vmem>>
    %dma_start3A_44 = arith.constant 0 : i32
    %dma_start3A_45 = tpu.memref_slice %arg7[%dma_start3A_38, %dma_start3A_44] : memref<125x80xi32, #tpu.memory_space<vmem>> -> memref<1x80xi32, #tpu.memory_space<vmem>>
    %dma_start3A_46 = tpu.memref_squeeze %dma_start3A_45 : memref<1x80xi32, #tpu.memory_space<vmem>> -> memref<80xi32, #tpu.memory_space<vmem>>
    %dma_start3A_47 = arith.constant 0 : i32
    %dma_start3A_48 = arith.constant 0 : i32
    %dma_start3A_49 = tpu.memref_slice %arg3[%dma_start3A_47, %dma_start3A_48] : memref<10000x16xf32, #tpu.memory_space<hbm>> -> memref<10000x16xf32, #tpu.memory_space<hbm>>
    tpu.enqueue_indirect_dma source(%dma_start3A_49 : memref<10000x16xf32, #tpu.memory_space<hbm>>) target(%dma_start3A_43 : memref<80x16xf32, #tpu.memory_space<vmem>>) offsets(%dma_start3A_46 : memref<80xi32, #tpu.memory_space<vmem>>) semaphore(%arg13 : memref<!tpu.dma_semaphore, #tpu.memory_space<semaphore_mem>>)
    %scan3A = arith.constant 0 : i32
    %scan3A_50 = arith.constant 0 : i32
    %scan3A_51 = arith.constant 62 : i32
    %scan3A_52 = arith.addi %scan3A_50, %scan3A_51 : i32
    %scan3A_53 = arith.constant 1 : i32
    scf.for %scan3A_162 = %scan3A_50 to %scan3A_52 step %scan3A_53  : i32 {
      %mul3A_163 = arith.constant 2 : i32
      %mul3A_164 = arith.muli %mul3A_163, %scan3A_162 : i32
      %mul3A_165 = arith.constant 2 : i32
      %mul3A_166 = arith.muli %mul3A_165, %scan3A_162 : i32
      %add3A_167 = arith.constant 1 : i32
      %add3A_168 = arith.addi %mul3A_166, %add3A_167 : i32
      %dma_wait3A_169 = arith.constant 0 : i32
      %dma_wait3A_170 = arith.constant 0 : i32
      %dma_wait3A_171 = arith.constant 0 : i32
      %dma_wait3A_172 = tpu.memref_slice %arg8[%dma_wait3A_169, %dma_wait3A_170, %dma_wait3A_171] : memref<2x80x128xf32, #tpu.memory_space<vmem>> -> memref<1x80x128xf32, #tpu.memory_space<vmem>>
      %dma_wait3A_173 = tpu.memref_squeeze %dma_wait3A_172 : memref<1x80x128xf32, #tpu.memory_space<vmem>> -> memref<80x128xf32, #tpu.memory_space<vmem>>
      %dma_wait3A_174 = arith.constant 0 : i32
      %dma_wait3A_175 = tpu.memref_slice %arg7[%mul3A_164, %dma_wait3A_174] : memref<125x80xi32, #tpu.memory_space<vmem>> -> memref<1x80xi32, #tpu.memory_space<vmem>>
      %dma_wait3A_176 = tpu.memref_squeeze %dma_wait3A_175 : memref<1x80xi32, #tpu.memory_space<vmem>> -> memref<80xi32, #tpu.memory_space<vmem>>
      %dma_wait3A_177 = arith.constant 0 : i32
      %dma_wait3A_178 = arith.constant 0 : i32
      %dma_wait3A_179 = tpu.memref_slice %arg2[%dma_wait3A_177, %dma_wait3A_178] : memref<10000x128xf32, #tpu.memory_space<hbm>> -> memref<10000x128xf32, #tpu.memory_space<hbm>>
      tpu.wait_indirect_dma semaphore(%arg10 : memref<!tpu.dma_semaphore, #tpu.memory_space<semaphore_mem>>) src(%dma_wait3A_179 : memref<10000x128xf32, #tpu.memory_space<hbm>>) dst(%dma_wait3A_173 : memref<80x128xf32, #tpu.memory_space<vmem>>)
      %dma_wait3A_180 = arith.constant 0 : i32
      %dma_wait3A_181 = arith.constant 0 : i32
      %dma_wait3A_182 = arith.constant 0 : i32
      %dma_wait3A_183 = tpu.memref_slice %arg9[%dma_wait3A_180, %dma_wait3A_181, %dma_wait3A_182] : memref<2x80x16xf32, #tpu.memory_space<vmem>> -> memref<1x80x16xf32, #tpu.memory_space<vmem>>
      %dma_wait3A_184 = tpu.memref_squeeze %dma_wait3A_183 : memref<1x80x16xf32, #tpu.memory_space<vmem>> -> memref<80x16xf32, #tpu.memory_space<vmem>>
      %dma_wait3A_185 = arith.constant 0 : i32
      %dma_wait3A_186 = tpu.memref_slice %arg7[%mul3A_164, %dma_wait3A_185] : memref<125x80xi32, #tpu.memory_space<vmem>> -> memref<1x80xi32, #tpu.memory_space<vmem>>
      %dma_wait3A_187 = tpu.memref_squeeze %dma_wait3A_186 : memref<1x80xi32, #tpu.memory_space<vmem>> -> memref<80xi32, #tpu.memory_space<vmem>>
      %dma_wait3A_188 = arith.constant 0 : i32
      %dma_wait3A_189 = arith.constant 0 : i32
      %dma_wait3A_190 = tpu.memref_slice %arg3[%dma_wait3A_188, %dma_wait3A_189] : memref<10000x16xf32, #tpu.memory_space<hbm>> -> memref<10000x16xf32, #tpu.memory_space<hbm>>
      tpu.wait_indirect_dma semaphore(%arg12 : memref<!tpu.dma_semaphore, #tpu.memory_space<semaphore_mem>>) src(%dma_wait3A_190 : memref<10000x16xf32, #tpu.memory_space<hbm>>) dst(%dma_wait3A_184 : memref<80x16xf32, #tpu.memory_space<vmem>>)
      %mul3A_191 = arith.constant 80 : i32
      %mul3A_192 = arith.muli %mul3A_164, %mul3A_191 : i32
      %add3A_193 = arith.addi %mul3A_2, %mul3A_192 : i32
      %dma_start3A_194 = arith.constant 0 : i32
      %dma_start3A_195 = arith.constant 0 : i32
      %dma_start3A_196 = arith.constant 0 : i32
      %dma_start3A_197 = tpu.memref_slice %arg8[%dma_start3A_194, %dma_start3A_195, %dma_start3A_196] : memref<2x80x128xf32, #tpu.memory_space<vmem>> -> memref<1x80x128xf32, #tpu.memory_space<vmem>>
      %dma_start3A_198 = tpu.memref_squeeze %dma_start3A_197 : memref<1x80x128xf32, #tpu.memory_space<vmem>> -> memref<80x128xf32, #tpu.memory_space<vmem>>
      %dma_start3A_199 = arith.constant 0 : i32
      %dma_start3A_200 = tpu.memref_slice %arg5[%add3A_193, %dma_start3A_199] : memref<320000x128xf32, #tpu.memory_space<hbm>> -> memref<80x128xf32, #tpu.memory_space<hbm>>
      %dma_start3A_201 = arith.constant 0 : i32
      %dma_start3A_202 = tpu.memref_slice %arg5[%add3A_193, %dma_start3A_201] : memref<320000x128xf32, #tpu.memory_space<hbm>> -> memref<80x128xf32, #tpu.memory_space<hbm>>
      %dma_start3A_203 = arith.constant 0 : i32
      %dma_start3A_204 = arith.constant 0 : i32
      %dma_start3A_205 = tpu.memref_slice %arg8[%dma_start3A_194, %dma_start3A_203, %dma_start3A_204] : memref<2x80x128xf32, #tpu.memory_space<vmem>> -> memref<1x80x128xf32, #tpu.memory_space<vmem>>
      %dma_start3A_206 = tpu.memref_squeeze %dma_start3A_205 : memref<1x80x128xf32, #tpu.memory_space<vmem>> -> memref<80x128xf32, #tpu.memory_space<vmem>>
      tpu.enqueue_dma source(%dma_start3A_206 : memref<80x128xf32, #tpu.memory_space<vmem>>) target(%dma_start3A_202 : memref<80x128xf32, #tpu.memory_space<hbm>>) target_semaphore(%arg14 : memref<!tpu.dma_semaphore, #tpu.memory_space<semaphore_mem>>)
      %dma_start3A_207 = arith.constant 0 : i32
      %dma_start3A_208 = arith.constant 0 : i32
      %dma_start3A_209 = arith.constant 0 : i32
      %dma_start3A_210 = tpu.memref_slice %arg9[%dma_start3A_207, %dma_start3A_208, %dma_start3A_209] : memref<2x80x16xf32, #tpu.memory_space<vmem>> -> memref<1x80x16xf32, #tpu.memory_space<vmem>>
      %dma_start3A_211 = tpu.memref_squeeze %dma_start3A_210 : memref<1x80x16xf32, #tpu.memory_space<vmem>> -> memref<80x16xf32, #tpu.memory_space<vmem>>
      %dma_start3A_212 = arith.constant 0 : i32
      %dma_start3A_213 = tpu.memref_slice %arg6[%add3A_193, %dma_start3A_212] : memref<320000x16xf32, #tpu.memory_space<hbm>> -> memref<80x16xf32, #tpu.memory_space<hbm>>
      %dma_start3A_214 = arith.constant 0 : i32
      %dma_start3A_215 = tpu.memref_slice %arg6[%add3A_193, %dma_start3A_214] : memref<320000x16xf32, #tpu.memory_space<hbm>> -> memref<80x16xf32, #tpu.memory_space<hbm>>
      %dma_start3A_216 = arith.constant 0 : i32
      %dma_start3A_217 = arith.constant 0 : i32
      %dma_start3A_218 = tpu.memref_slice %arg9[%dma_start3A_207, %dma_start3A_216, %dma_start3A_217] : memref<2x80x16xf32, #tpu.memory_space<vmem>> -> memref<1x80x16xf32, #tpu.memory_space<vmem>>
      %dma_start3A_219 = tpu.memref_squeeze %dma_start3A_218 : memref<1x80x16xf32, #tpu.memory_space<vmem>> -> memref<80x16xf32, #tpu.memory_space<vmem>>
      tpu.enqueue_dma source(%dma_start3A_219 : memref<80x16xf32, #tpu.memory_space<vmem>>) target(%dma_start3A_215 : memref<80x16xf32, #tpu.memory_space<hbm>>) target_semaphore(%arg16 : memref<!tpu.dma_semaphore, #tpu.memory_space<semaphore_mem>>)
      %dma_wait3A_220 = arith.constant 1 : i32
      %dma_wait3A_221 = arith.constant 0 : i32
      %dma_wait3A_222 = arith.constant 0 : i32
      %dma_wait3A_223 = tpu.memref_slice %arg8[%dma_wait3A_220, %dma_wait3A_221, %dma_wait3A_222] : memref<2x80x128xf32, #tpu.memory_space<vmem>> -> memref<1x80x128xf32, #tpu.memory_space<vmem>>
      %dma_wait3A_224 = tpu.memref_squeeze %dma_wait3A_223 : memref<1x80x128xf32, #tpu.memory_space<vmem>> -> memref<80x128xf32, #tpu.memory_space<vmem>>
      %dma_wait3A_225 = arith.constant 0 : i32
      %dma_wait3A_226 = tpu.memref_slice %arg7[%add3A_168, %dma_wait3A_225] : memref<125x80xi32, #tpu.memory_space<vmem>> -> memref<1x80xi32, #tpu.memory_space<vmem>>
      %dma_wait3A_227 = tpu.memref_squeeze %dma_wait3A_226 : memref<1x80xi32, #tpu.memory_space<vmem>> -> memref<80xi32, #tpu.memory_space<vmem>>
      %dma_wait3A_228 = arith.constant 0 : i32
      %dma_wait3A_229 = arith.constant 0 : i32
      %dma_wait3A_230 = tpu.memref_slice %arg2[%dma_wait3A_228, %dma_wait3A_229] : memref<10000x128xf32, #tpu.memory_space<hbm>> -> memref<10000x128xf32, #tpu.memory_space<hbm>>
      tpu.wait_indirect_dma semaphore(%arg11 : memref<!tpu.dma_semaphore, #tpu.memory_space<semaphore_mem>>) src(%dma_wait3A_230 : memref<10000x128xf32, #tpu.memory_space<hbm>>) dst(%dma_wait3A_224 : memref<80x128xf32, #tpu.memory_space<vmem>>)
      %dma_wait3A_231 = arith.constant 1 : i32
      %dma_wait3A_232 = arith.constant 0 : i32
      %dma_wait3A_233 = arith.constant 0 : i32
      %dma_wait3A_234 = tpu.memref_slice %arg9[%dma_wait3A_231, %dma_wait3A_232, %dma_wait3A_233] : memref<2x80x16xf32, #tpu.memory_space<vmem>> -> memref<1x80x16xf32, #tpu.memory_space<vmem>>
      %dma_wait3A_235 = tpu.memref_squeeze %dma_wait3A_234 : memref<1x80x16xf32, #tpu.memory_space<vmem>> -> memref<80x16xf32, #tpu.memory_space<vmem>>
      %dma_wait3A_236 = arith.constant 0 : i32
      %dma_wait3A_237 = tpu.memref_slice %arg7[%add3A_168, %dma_wait3A_236] : memref<125x80xi32, #tpu.memory_space<vmem>> -> memref<1x80xi32, #tpu.memory_space<vmem>>
      %dma_wait3A_238 = tpu.memref_squeeze %dma_wait3A_237 : memref<1x80xi32, #tpu.memory_space<vmem>> -> memref<80xi32, #tpu.memory_space<vmem>>
      %dma_wait3A_239 = arith.constant 0 : i32
      %dma_wait3A_240 = arith.constant 0 : i32
      %dma_wait3A_241 = tpu.memref_slice %arg3[%dma_wait3A_239, %dma_wait3A_240] : memref<10000x16xf32, #tpu.memory_space<hbm>> -> memref<10000x16xf32, #tpu.memory_space<hbm>>
      tpu.wait_indirect_dma semaphore(%arg13 : memref<!tpu.dma_semaphore, #tpu.memory_space<semaphore_mem>>) src(%dma_wait3A_241 : memref<10000x16xf32, #tpu.memory_space<hbm>>) dst(%dma_wait3A_235 : memref<80x16xf32, #tpu.memory_space<vmem>>)
      %mul3A_242 = arith.constant 80 : i32
      %mul3A_243 = arith.muli %add3A_168, %mul3A_242 : i32
      %add3A_244 = arith.addi %mul3A_2, %mul3A_243 : i32
      %dma_start3A_245 = arith.constant 1 : i32
      %dma_start3A_246 = arith.constant 0 : i32
      %dma_start3A_247 = arith.constant 0 : i32
      %dma_start3A_248 = tpu.memref_slice %arg8[%dma_start3A_245, %dma_start3A_246, %dma_start3A_247] : memref<2x80x128xf32, #tpu.memory_space<vmem>> -> memref<1x80x128xf32, #tpu.memory_space<vmem>>
      %dma_start3A_249 = tpu.memref_squeeze %dma_start3A_248 : memref<1x80x128xf32, #tpu.memory_space<vmem>> -> memref<80x128xf32, #tpu.memory_space<vmem>>
      %dma_start3A_250 = arith.constant 0 : i32
      %dma_start3A_251 = tpu.memref_slice %arg5[%add3A_244, %dma_start3A_250] : memref<320000x128xf32, #tpu.memory_space<hbm>> -> memref<80x128xf32, #tpu.memory_space<hbm>>
      %dma_start3A_252 = arith.constant 0 : i32
      %dma_start3A_253 = tpu.memref_slice %arg5[%add3A_244, %dma_start3A_252] : memref<320000x128xf32, #tpu.memory_space<hbm>> -> memref<80x128xf32, #tpu.memory_space<hbm>>
      %dma_start3A_254 = arith.constant 0 : i32
      %dma_start3A_255 = arith.constant 0 : i32
      %dma_start3A_256 = tpu.memref_slice %arg8[%dma_start3A_245, %dma_start3A_254, %dma_start3A_255] : memref<2x80x128xf32, #tpu.memory_space<vmem>> -> memref<1x80x128xf32, #tpu.memory_space<vmem>>
      %dma_start3A_257 = tpu.memref_squeeze %dma_start3A_256 : memref<1x80x128xf32, #tpu.memory_space<vmem>> -> memref<80x128xf32, #tpu.memory_space<vmem>>
      tpu.enqueue_dma source(%dma_start3A_257 : memref<80x128xf32, #tpu.memory_space<vmem>>) target(%dma_start3A_253 : memref<80x128xf32, #tpu.memory_space<hbm>>) target_semaphore(%arg15 : memref<!tpu.dma_semaphore, #tpu.memory_space<semaphore_mem>>)
      %dma_start3A_258 = arith.constant 1 : i32
      %dma_start3A_259 = arith.constant 0 : i32
      %dma_start3A_260 = arith.constant 0 : i32
      %dma_start3A_261 = tpu.memref_slice %arg9[%dma_start3A_258, %dma_start3A_259, %dma_start3A_260] : memref<2x80x16xf32, #tpu.memory_space<vmem>> -> memref<1x80x16xf32, #tpu.memory_space<vmem>>
      %dma_start3A_262 = tpu.memref_squeeze %dma_start3A_261 : memref<1x80x16xf32, #tpu.memory_space<vmem>> -> memref<80x16xf32, #tpu.memory_space<vmem>>
      %dma_start3A_263 = arith.constant 0 : i32
      %dma_start3A_264 = tpu.memref_slice %arg6[%add3A_244, %dma_start3A_263] : memref<320000x16xf32, #tpu.memory_space<hbm>> -> memref<80x16xf32, #tpu.memory_space<hbm>>
      %dma_start3A_265 = arith.constant 0 : i32
      %dma_start3A_266 = tpu.memref_slice %arg6[%add3A_244, %dma_start3A_265] : memref<320000x16xf32, #tpu.memory_space<hbm>> -> memref<80x16xf32, #tpu.memory_space<hbm>>
      %dma_start3A_267 = arith.constant 0 : i32
      %dma_start3A_268 = arith.constant 0 : i32
      %dma_start3A_269 = tpu.memref_slice %arg9[%dma_start3A_258, %dma_start3A_267, %dma_start3A_268] : memref<2x80x16xf32, #tpu.memory_space<vmem>> -> memref<1x80x16xf32, #tpu.memory_space<vmem>>
      %dma_start3A_270 = tpu.memref_squeeze %dma_start3A_269 : memref<1x80x16xf32, #tpu.memory_space<vmem>> -> memref<80x16xf32, #tpu.memory_space<vmem>>
      tpu.enqueue_dma source(%dma_start3A_270 : memref<80x16xf32, #tpu.memory_space<vmem>>) target(%dma_start3A_266 : memref<80x16xf32, #tpu.memory_space<hbm>>) target_semaphore(%arg17 : memref<!tpu.dma_semaphore, #tpu.memory_space<semaphore_mem>>)
      %mul3A_271 = arith.constant 80 : i32
      %mul3A_272 = arith.muli %mul3A_164, %mul3A_271 : i32
      %add3A_273 = arith.addi %mul3A_2, %mul3A_272 : i32
      %dma_wait3A_274 = arith.constant 0 : i32
      %dma_wait3A_275 = arith.constant 0 : i32
      %dma_wait3A_276 = arith.constant 0 : i32
      %dma_wait3A_277 = tpu.memref_slice %arg8[%dma_wait3A_274, %dma_wait3A_275, %dma_wait3A_276] : memref<2x80x128xf32, #tpu.memory_space<vmem>> -> memref<1x80x128xf32, #tpu.memory_space<vmem>>
      %dma_wait3A_278 = tpu.memref_squeeze %dma_wait3A_277 : memref<1x80x128xf32, #tpu.memory_space<vmem>> -> memref<80x128xf32, #tpu.memory_space<vmem>>
      %dma_wait3A_279 = arith.constant 0 : i32
      %dma_wait3A_280 = tpu.memref_slice %arg5[%add3A_273, %dma_wait3A_279] : memref<320000x128xf32, #tpu.memory_space<hbm>> -> memref<80x128xf32, #tpu.memory_space<hbm>>
      %dma_wait3A_281 = arith.constant 0 : i32
      %dma_wait3A_282 = tpu.memref_slice %arg5[%add3A_273, %dma_wait3A_281] : memref<320000x128xf32, #tpu.memory_space<hbm>> -> memref<80x128xf32, #tpu.memory_space<hbm>>
      %dma_wait3A_283 = arith.constant 0 : i32
      %dma_wait3A_284 = arith.constant 0 : i32
      %dma_wait3A_285 = tpu.memref_slice %arg8[%dma_wait3A_274, %dma_wait3A_283, %dma_wait3A_284] : memref<2x80x128xf32, #tpu.memory_space<vmem>> -> memref<1x80x128xf32, #tpu.memory_space<vmem>>
      %dma_wait3A_286 = tpu.memref_squeeze %dma_wait3A_285 : memref<1x80x128xf32, #tpu.memory_space<vmem>> -> memref<80x128xf32, #tpu.memory_space<vmem>>
      tpu.wait_dma2 semaphore(%arg14 : memref<!tpu.dma_semaphore, #tpu.memory_space<semaphore_mem>>) src(%dma_wait3A_286 : memref<80x128xf32, #tpu.memory_space<vmem>>) dst(%dma_wait3A_282 : memref<80x128xf32, #tpu.memory_space<hbm>>)
      %dma_wait3A_287 = arith.constant 0 : i32
      %dma_wait3A_288 = arith.constant 0 : i32
      %dma_wait3A_289 = arith.constant 0 : i32
      %dma_wait3A_290 = tpu.memref_slice %arg9[%dma_wait3A_287, %dma_wait3A_288, %dma_wait3A_289] : memref<2x80x16xf32, #tpu.memory_space<vmem>> -> memref<1x80x16xf32, #tpu.memory_space<vmem>>
      %dma_wait3A_291 = tpu.memref_squeeze %dma_wait3A_290 : memref<1x80x16xf32, #tpu.memory_space<vmem>> -> memref<80x16xf32, #tpu.memory_space<vmem>>
      %dma_wait3A_292 = arith.constant 0 : i32
      %dma_wait3A_293 = tpu.memref_slice %arg6[%add3A_273, %dma_wait3A_292] : memref<320000x16xf32, #tpu.memory_space<hbm>> -> memref<80x16xf32, #tpu.memory_space<hbm>>
      %dma_wait3A_294 = arith.constant 0 : i32
      %dma_wait3A_295 = tpu.memref_slice %arg6[%add3A_273, %dma_wait3A_294] : memref<320000x16xf32, #tpu.memory_space<hbm>> -> memref<80x16xf32, #tpu.memory_space<hbm>>
      %dma_wait3A_296 = arith.constant 0 : i32
      %dma_wait3A_297 = arith.constant 0 : i32
      %dma_wait3A_298 = tpu.memref_slice %arg9[%dma_wait3A_287, %dma_wait3A_296, %dma_wait3A_297] : memref<2x80x16xf32, #tpu.memory_space<vmem>> -> memref<1x80x16xf32, #tpu.memory_space<vmem>>
      %dma_wait3A_299 = tpu.memref_squeeze %dma_wait3A_298 : memref<1x80x16xf32, #tpu.memory_space<vmem>> -> memref<80x16xf32, #tpu.memory_space<vmem>>
      tpu.wait_dma2 semaphore(%arg16 : memref<!tpu.dma_semaphore, #tpu.memory_space<semaphore_mem>>) src(%dma_wait3A_299 : memref<80x16xf32, #tpu.memory_space<vmem>>) dst(%dma_wait3A_295 : memref<80x16xf32, #tpu.memory_space<hbm>>)
      %add3A_300 = arith.constant 2 : i32
      %add3A_301 = arith.addi %mul3A_164, %add3A_300 : i32
      %dma_start3A_302 = arith.constant 0 : i32
      %dma_start3A_303 = arith.constant 0 : i32
      %dma_start3A_304 = arith.constant 0 : i32
      %dma_start3A_305 = tpu.memref_slice %arg8[%dma_start3A_302, %dma_start3A_303, %dma_start3A_304] : memref<2x80x128xf32, #tpu.memory_space<vmem>> -> memref<1x80x128xf32, #tpu.memory_space<vmem>>
      %dma_start3A_306 = tpu.memref_squeeze %dma_start3A_305 : memref<1x80x128xf32, #tpu.memory_space<vmem>> -> memref<80x128xf32, #tpu.memory_space<vmem>>
      %dma_start3A_307 = arith.constant 0 : i32
      %dma_start3A_308 = tpu.memref_slice %arg7[%add3A_301, %dma_start3A_307] : memref<125x80xi32, #tpu.memory_space<vmem>> -> memref<1x80xi32, #tpu.memory_space<vmem>>
      %dma_start3A_309 = tpu.memref_squeeze %dma_start3A_308 : memref<1x80xi32, #tpu.memory_space<vmem>> -> memref<80xi32, #tpu.memory_space<vmem>>
      %dma_start3A_310 = arith.constant 0 : i32
      %dma_start3A_311 = arith.constant 0 : i32
      %dma_start3A_312 = tpu.memref_slice %arg2[%dma_start3A_310, %dma_start3A_311] : memref<10000x128xf32, #tpu.memory_space<hbm>> -> memref<10000x128xf32, #tpu.memory_space<hbm>>
      tpu.enqueue_indirect_dma source(%dma_start3A_312 : memref<10000x128xf32, #tpu.memory_space<hbm>>) target(%dma_start3A_306 : memref<80x128xf32, #tpu.memory_space<vmem>>) offsets(%dma_start3A_309 : memref<80xi32, #tpu.memory_space<vmem>>) semaphore(%arg10 : memref<!tpu.dma_semaphore, #tpu.memory_space<semaphore_mem>>)
      %dma_start3A_313 = arith.constant 0 : i32
      %dma_start3A_314 = arith.constant 0 : i32
      %dma_start3A_315 = arith.constant 0 : i32
      %dma_start3A_316 = tpu.memref_slice %arg9[%dma_start3A_313, %dma_start3A_314, %dma_start3A_315] : memref<2x80x16xf32, #tpu.memory_space<vmem>> -> memref<1x80x16xf32, #tpu.memory_space<vmem>>
      %dma_start3A_317 = tpu.memref_squeeze %dma_start3A_316 : memref<1x80x16xf32, #tpu.memory_space<vmem>> -> memref<80x16xf32, #tpu.memory_space<vmem>>
      %dma_start3A_318 = arith.constant 0 : i32
      %dma_start3A_319 = tpu.memref_slice %arg7[%add3A_301, %dma_start3A_318] : memref<125x80xi32, #tpu.memory_space<vmem>> -> memref<1x80xi32, #tpu.memory_space<vmem>>
      %dma_start3A_320 = tpu.memref_squeeze %dma_start3A_319 : memref<1x80xi32, #tpu.memory_space<vmem>> -> memref<80xi32, #tpu.memory_space<vmem>>
      %dma_start3A_321 = arith.constant 0 : i32
      %dma_start3A_322 = arith.constant 0 : i32
      %dma_start3A_323 = tpu.memref_slice %arg3[%dma_start3A_321, %dma_start3A_322] : memref<10000x16xf32, #tpu.memory_space<hbm>> -> memref<10000x16xf32, #tpu.memory_space<hbm>>
      tpu.enqueue_indirect_dma source(%dma_start3A_323 : memref<10000x16xf32, #tpu.memory_space<hbm>>) target(%dma_start3A_317 : memref<80x16xf32, #tpu.memory_space<vmem>>) offsets(%dma_start3A_320 : memref<80xi32, #tpu.memory_space<vmem>>) semaphore(%arg12 : memref<!tpu.dma_semaphore, #tpu.memory_space<semaphore_mem>>)
      %lt3A = arith.constant 61 : i32
      %lt3A_324 = arith.cmpi slt, %scan3A_162, %lt3A : i32
      %convert_element_type3A = arith.extui %lt3A_324 : i1 to i32
      %cond3A = arith.constant 0 : i32
      %cond3A_325 = arith.cmpi ne, %convert_element_type3A, %cond3A : i32
      scf.if %cond3A_325 {
        %mul3A_326 = arith.constant 80 : i32
        %mul3A_327 = arith.muli %add3A_168, %mul3A_326 : i32
        %add3A_328 = arith.addi %mul3A_2, %mul3A_327 : i32
        %dma_wait3A_329 = arith.constant 1 : i32
        %dma_wait3A_330 = arith.constant 0 : i32
        %dma_wait3A_331 = arith.constant 0 : i32
        %dma_wait3A_332 = tpu.memref_slice %arg8[%dma_wait3A_329, %dma_wait3A_330, %dma_wait3A_331] : memref<2x80x128xf32, #tpu.memory_space<vmem>> -> memref<1x80x128xf32, #tpu.memory_space<vmem>>
        %dma_wait3A_333 = tpu.memref_squeeze %dma_wait3A_332 : memref<1x80x128xf32, #tpu.memory_space<vmem>> -> memref<80x128xf32, #tpu.memory_space<vmem>>
        %dma_wait3A_334 = arith.constant 0 : i32
        %dma_wait3A_335 = tpu.memref_slice %arg5[%add3A_328, %dma_wait3A_334] : memref<320000x128xf32, #tpu.memory_space<hbm>> -> memref<80x128xf32, #tpu.memory_space<hbm>>
        %dma_wait3A_336 = arith.constant 0 : i32
        %dma_wait3A_337 = tpu.memref_slice %arg5[%add3A_328, %dma_wait3A_336] : memref<320000x128xf32, #tpu.memory_space<hbm>> -> memref<80x128xf32, #tpu.memory_space<hbm>>
        %dma_wait3A_338 = arith.constant 0 : i32
        %dma_wait3A_339 = arith.constant 0 : i32
        %dma_wait3A_340 = tpu.memref_slice %arg8[%dma_wait3A_329, %dma_wait3A_338, %dma_wait3A_339] : memref<2x80x128xf32, #tpu.memory_space<vmem>> -> memref<1x80x128xf32, #tpu.memory_space<vmem>>
        %dma_wait3A_341 = tpu.memref_squeeze %dma_wait3A_340 : memref<1x80x128xf32, #tpu.memory_space<vmem>> -> memref<80x128xf32, #tpu.memory_space<vmem>>
        tpu.wait_dma2 semaphore(%arg15 : memref<!tpu.dma_semaphore, #tpu.memory_space<semaphore_mem>>) src(%dma_wait3A_341 : memref<80x128xf32, #tpu.memory_space<vmem>>) dst(%dma_wait3A_337 : memref<80x128xf32, #tpu.memory_space<hbm>>)
        %dma_wait3A_342 = arith.constant 1 : i32
        %dma_wait3A_343 = arith.constant 0 : i32
        %dma_wait3A_344 = arith.constant 0 : i32
        %dma_wait3A_345 = tpu.memref_slice %arg9[%dma_wait3A_342, %dma_wait3A_343, %dma_wait3A_344] : memref<2x80x16xf32, #tpu.memory_space<vmem>> -> memref<1x80x16xf32, #tpu.memory_space<vmem>>
        %dma_wait3A_346 = tpu.memref_squeeze %dma_wait3A_345 : memref<1x80x16xf32, #tpu.memory_space<vmem>> -> memref<80x16xf32, #tpu.memory_space<vmem>>
        %dma_wait3A_347 = arith.constant 0 : i32
        %dma_wait3A_348 = tpu.memref_slice %arg6[%add3A_328, %dma_wait3A_347] : memref<320000x16xf32, #tpu.memory_space<hbm>> -> memref<80x16xf32, #tpu.memory_space<hbm>>
        %dma_wait3A_349 = arith.constant 0 : i32
        %dma_wait3A_350 = tpu.memref_slice %arg6[%add3A_328, %dma_wait3A_349] : memref<320000x16xf32, #tpu.memory_space<hbm>> -> memref<80x16xf32, #tpu.memory_space<hbm>>
        %dma_wait3A_351 = arith.constant 0 : i32
        %dma_wait3A_352 = arith.constant 0 : i32
        %dma_wait3A_353 = tpu.memref_slice %arg9[%dma_wait3A_342, %dma_wait3A_351, %dma_wait3A_352] : memref<2x80x16xf32, #tpu.memory_space<vmem>> -> memref<1x80x16xf32, #tpu.memory_space<vmem>>
        %dma_wait3A_354 = tpu.memref_squeeze %dma_wait3A_353 : memref<1x80x16xf32, #tpu.memory_space<vmem>> -> memref<80x16xf32, #tpu.memory_space<vmem>>
        tpu.wait_dma2 semaphore(%arg17 : memref<!tpu.dma_semaphore, #tpu.memory_space<semaphore_mem>>) src(%dma_wait3A_354 : memref<80x16xf32, #tpu.memory_space<vmem>>) dst(%dma_wait3A_350 : memref<80x16xf32, #tpu.memory_space<hbm>>)
        %add3A_355 = arith.constant 2 : i32
        %add3A_356 = arith.addi %add3A_168, %add3A_355 : i32
        %dma_start3A_357 = arith.constant 1 : i32
        %dma_start3A_358 = arith.constant 0 : i32
        %dma_start3A_359 = arith.constant 0 : i32
        %dma_start3A_360 = tpu.memref_slice %arg8[%dma_start3A_357, %dma_start3A_358, %dma_start3A_359] : memref<2x80x128xf32, #tpu.memory_space<vmem>> -> memref<1x80x128xf32, #tpu.memory_space<vmem>>
        %dma_start3A_361 = tpu.memref_squeeze %dma_start3A_360 : memref<1x80x128xf32, #tpu.memory_space<vmem>> -> memref<80x128xf32, #tpu.memory_space<vmem>>
        %dma_start3A_362 = arith.constant 0 : i32
        %dma_start3A_363 = tpu.memref_slice %arg7[%add3A_356, %dma_start3A_362] : memref<125x80xi32, #tpu.memory_space<vmem>> -> memref<1x80xi32, #tpu.memory_space<vmem>>
        %dma_start3A_364 = tpu.memref_squeeze %dma_start3A_363 : memref<1x80xi32, #tpu.memory_space<vmem>> -> memref<80xi32, #tpu.memory_space<vmem>>
        %dma_start3A_365 = arith.constant 0 : i32
        %dma_start3A_366 = arith.constant 0 : i32
        %dma_start3A_367 = tpu.memref_slice %arg2[%dma_start3A_365, %dma_start3A_366] : memref<10000x128xf32, #tpu.memory_space<hbm>> -> memref<10000x128xf32, #tpu.memory_space<hbm>>
        tpu.enqueue_indirect_dma source(%dma_start3A_367 : memref<10000x128xf32, #tpu.memory_space<hbm>>) target(%dma_start3A_361 : memref<80x128xf32, #tpu.memory_space<vmem>>) offsets(%dma_start3A_364 : memref<80xi32, #tpu.memory_space<vmem>>) semaphore(%arg11 : memref<!tpu.dma_semaphore, #tpu.memory_space<semaphore_mem>>)
        %dma_start3A_368 = arith.constant 1 : i32
        %dma_start3A_369 = arith.constant 0 : i32
        %dma_start3A_370 = arith.constant 0 : i32
        %dma_start3A_371 = tpu.memref_slice %arg9[%dma_start3A_368, %dma_start3A_369, %dma_start3A_370] : memref<2x80x16xf32, #tpu.memory_space<vmem>> -> memref<1x80x16xf32, #tpu.memory_space<vmem>>
        %dma_start3A_372 = tpu.memref_squeeze %dma_start3A_371 : memref<1x80x16xf32, #tpu.memory_space<vmem>> -> memref<80x16xf32, #tpu.memory_space<vmem>>
        %dma_start3A_373 = arith.constant 0 : i32
        %dma_start3A_374 = tpu.memref_slice %arg7[%add3A_356, %dma_start3A_373] : memref<125x80xi32, #tpu.memory_space<vmem>> -> memref<1x80xi32, #tpu.memory_space<vmem>>
        %dma_start3A_375 = tpu.memref_squeeze %dma_start3A_374 : memref<1x80xi32, #tpu.memory_space<vmem>> -> memref<80xi32, #tpu.memory_space<vmem>>
        %dma_start3A_376 = arith.constant 0 : i32
        %dma_start3A_377 = arith.constant 0 : i32
        %dma_start3A_378 = tpu.memref_slice %arg3[%dma_start3A_376, %dma_start3A_377] : memref<10000x16xf32, #tpu.memory_space<hbm>> -> memref<10000x16xf32, #tpu.memory_space<hbm>>
        tpu.enqueue_indirect_dma source(%dma_start3A_378 : memref<10000x16xf32, #tpu.memory_space<hbm>>) target(%dma_start3A_372 : memref<80x16xf32, #tpu.memory_space<vmem>>) offsets(%dma_start3A_375 : memref<80xi32, #tpu.memory_space<vmem>>) semaphore(%arg13 : memref<!tpu.dma_semaphore, #tpu.memory_space<semaphore_mem>>)
      } else {
      }
    }
    %scan3A_54 = arith.constant 62 : i32
    %dma_wait3A = arith.constant 124 : i32
    %dma_wait3A_55 = arith.constant 0 : i32
    %dma_wait3A_56 = arith.constant 0 : i32
    %dma_wait3A_57 = arith.constant 0 : i32
    %dma_wait3A_58 = tpu.memref_slice %arg8[%dma_wait3A_55, %dma_wait3A_56, %dma_wait3A_57] : memref<2x80x128xf32, #tpu.memory_space<vmem>> -> memref<1x80x128xf32, #tpu.memory_space<vmem>>
    %dma_wait3A_59 = tpu.memref_squeeze %dma_wait3A_58 : memref<1x80x128xf32, #tpu.memory_space<vmem>> -> memref<80x128xf32, #tpu.memory_space<vmem>>
    %dma_wait3A_60 = arith.constant 0 : i32
    %dma_wait3A_61 = tpu.memref_slice %arg7[%dma_wait3A, %dma_wait3A_60] : memref<125x80xi32, #tpu.memory_space<vmem>> -> memref<1x80xi32, #tpu.memory_space<vmem>>
    %dma_wait3A_62 = tpu.memref_squeeze %dma_wait3A_61 : memref<1x80xi32, #tpu.memory_space<vmem>> -> memref<80xi32, #tpu.memory_space<vmem>>
    %dma_wait3A_63 = arith.constant 0 : i32
    %dma_wait3A_64 = arith.constant 0 : i32
    %dma_wait3A_65 = tpu.memref_slice %arg2[%dma_wait3A_63, %dma_wait3A_64] : memref<10000x128xf32, #tpu.memory_space<hbm>> -> memref<10000x128xf32, #tpu.memory_space<hbm>>
    tpu.wait_indirect_dma semaphore(%arg10 : memref<!tpu.dma_semaphore, #tpu.memory_space<semaphore_mem>>) src(%dma_wait3A_65 : memref<10000x128xf32, #tpu.memory_space<hbm>>) dst(%dma_wait3A_59 : memref<80x128xf32, #tpu.memory_space<vmem>>)
    %dma_wait3A_66 = arith.constant 124 : i32
    %dma_wait3A_67 = arith.constant 0 : i32
    %dma_wait3A_68 = arith.constant 0 : i32
    %dma_wait3A_69 = arith.constant 0 : i32
    %dma_wait3A_70 = tpu.memref_slice %arg9[%dma_wait3A_67, %dma_wait3A_68, %dma_wait3A_69] : memref<2x80x16xf32, #tpu.memory_space<vmem>> -> memref<1x80x16xf32, #tpu.memory_space<vmem>>
    %dma_wait3A_71 = tpu.memref_squeeze %dma_wait3A_70 : memref<1x80x16xf32, #tpu.memory_space<vmem>> -> memref<80x16xf32, #tpu.memory_space<vmem>>
    %dma_wait3A_72 = arith.constant 0 : i32
    %dma_wait3A_73 = tpu.memref_slice %arg7[%dma_wait3A_66, %dma_wait3A_72] : memref<125x80xi32, #tpu.memory_space<vmem>> -> memref<1x80xi32, #tpu.memory_space<vmem>>
    %dma_wait3A_74 = tpu.memref_squeeze %dma_wait3A_73 : memref<1x80xi32, #tpu.memory_space<vmem>> -> memref<80xi32, #tpu.memory_space<vmem>>
    %dma_wait3A_75 = arith.constant 0 : i32
    %dma_wait3A_76 = arith.constant 0 : i32
    %dma_wait3A_77 = tpu.memref_slice %arg3[%dma_wait3A_75, %dma_wait3A_76] : memref<10000x16xf32, #tpu.memory_space<hbm>> -> memref<10000x16xf32, #tpu.memory_space<hbm>>
    tpu.wait_indirect_dma semaphore(%arg12 : memref<!tpu.dma_semaphore, #tpu.memory_space<semaphore_mem>>) src(%dma_wait3A_77 : memref<10000x16xf32, #tpu.memory_space<hbm>>) dst(%dma_wait3A_71 : memref<80x16xf32, #tpu.memory_space<vmem>>)
    %add3A_78 = arith.constant 9840 : i32
    %add3A_79 = arith.addi %mul3A_2, %add3A_78 : i32
    %dma_wait3A_80 = arith.constant 1 : i32
    %dma_wait3A_81 = arith.constant 0 : i32
    %dma_wait3A_82 = arith.constant 0 : i32
    %dma_wait3A_83 = tpu.memref_slice %arg8[%dma_wait3A_80, %dma_wait3A_81, %dma_wait3A_82] : memref<2x80x128xf32, #tpu.memory_space<vmem>> -> memref<1x80x128xf32, #tpu.memory_space<vmem>>
    %dma_wait3A_84 = tpu.memref_squeeze %dma_wait3A_83 : memref<1x80x128xf32, #tpu.memory_space<vmem>> -> memref<80x128xf32, #tpu.memory_space<vmem>>
    %dma_wait3A_85 = arith.constant 0 : i32
    %dma_wait3A_86 = tpu.memref_slice %arg5[%add3A_79, %dma_wait3A_85] : memref<320000x128xf32, #tpu.memory_space<hbm>> -> memref<80x128xf32, #tpu.memory_space<hbm>>
    %dma_wait3A_87 = arith.constant 0 : i32
    %dma_wait3A_88 = tpu.memref_slice %arg5[%add3A_79, %dma_wait3A_87] : memref<320000x128xf32, #tpu.memory_space<hbm>> -> memref<80x128xf32, #tpu.memory_space<hbm>>
    %dma_wait3A_89 = arith.constant 0 : i32
    %dma_wait3A_90 = arith.constant 0 : i32
    %dma_wait3A_91 = tpu.memref_slice %arg8[%dma_wait3A_80, %dma_wait3A_89, %dma_wait3A_90] : memref<2x80x128xf32, #tpu.memory_space<vmem>> -> memref<1x80x128xf32, #tpu.memory_space<vmem>>
    %dma_wait3A_92 = tpu.memref_squeeze %dma_wait3A_91 : memref<1x80x128xf32, #tpu.memory_space<vmem>> -> memref<80x128xf32, #tpu.memory_space<vmem>>
    tpu.wait_dma2 semaphore(%arg15 : memref<!tpu.dma_semaphore, #tpu.memory_space<semaphore_mem>>) src(%dma_wait3A_92 : memref<80x128xf32, #tpu.memory_space<vmem>>) dst(%dma_wait3A_88 : memref<80x128xf32, #tpu.memory_space<hbm>>)
    %dma_wait3A_93 = arith.constant 1 : i32
    %dma_wait3A_94 = arith.constant 0 : i32
    %dma_wait3A_95 = arith.constant 0 : i32
    %dma_wait3A_96 = tpu.memref_slice %arg9[%dma_wait3A_93, %dma_wait3A_94, %dma_wait3A_95] : memref<2x80x16xf32, #tpu.memory_space<vmem>> -> memref<1x80x16xf32, #tpu.memory_space<vmem>>
    %dma_wait3A_97 = tpu.memref_squeeze %dma_wait3A_96 : memref<1x80x16xf32, #tpu.memory_space<vmem>> -> memref<80x16xf32, #tpu.memory_space<vmem>>
    %dma_wait3A_98 = arith.constant 0 : i32
    %dma_wait3A_99 = tpu.memref_slice %arg6[%add3A_79, %dma_wait3A_98] : memref<320000x16xf32, #tpu.memory_space<hbm>> -> memref<80x16xf32, #tpu.memory_space<hbm>>
    %dma_wait3A_100 = arith.constant 0 : i32
    %dma_wait3A_101 = tpu.memref_slice %arg6[%add3A_79, %dma_wait3A_100] : memref<320000x16xf32, #tpu.memory_space<hbm>> -> memref<80x16xf32, #tpu.memory_space<hbm>>
    %dma_wait3A_102 = arith.constant 0 : i32
    %dma_wait3A_103 = arith.constant 0 : i32
    %dma_wait3A_104 = tpu.memref_slice %arg9[%dma_wait3A_93, %dma_wait3A_102, %dma_wait3A_103] : memref<2x80x16xf32, #tpu.memory_space<vmem>> -> memref<1x80x16xf32, #tpu.memory_space<vmem>>
    %dma_wait3A_105 = tpu.memref_squeeze %dma_wait3A_104 : memref<1x80x16xf32, #tpu.memory_space<vmem>> -> memref<80x16xf32, #tpu.memory_space<vmem>>
    tpu.wait_dma2 semaphore(%arg17 : memref<!tpu.dma_semaphore, #tpu.memory_space<semaphore_mem>>) src(%dma_wait3A_105 : memref<80x16xf32, #tpu.memory_space<vmem>>) dst(%dma_wait3A_101 : memref<80x16xf32, #tpu.memory_space<hbm>>)
    %add3A_106 = arith.constant 9920 : i32
    %add3A_107 = arith.addi %mul3A_2, %add3A_106 : i32
    %dma_start3A_108 = arith.constant 0 : i32
    %dma_start3A_109 = arith.constant 0 : i32
    %dma_start3A_110 = arith.constant 0 : i32
    %dma_start3A_111 = tpu.memref_slice %arg8[%dma_start3A_108, %dma_start3A_109, %dma_start3A_110] : memref<2x80x128xf32, #tpu.memory_space<vmem>> -> memref<1x80x128xf32, #tpu.memory_space<vmem>>
    %dma_start3A_112 = tpu.memref_squeeze %dma_start3A_111 : memref<1x80x128xf32, #tpu.memory_space<vmem>> -> memref<80x128xf32, #tpu.memory_space<vmem>>
    %dma_start3A_113 = arith.constant 0 : i32
    %dma_start3A_114 = tpu.memref_slice %arg5[%add3A_107, %dma_start3A_113] : memref<320000x128xf32, #tpu.memory_space<hbm>> -> memref<80x128xf32, #tpu.memory_space<hbm>>
    %dma_start3A_115 = arith.constant 0 : i32
    %dma_start3A_116 = tpu.memref_slice %arg5[%add3A_107, %dma_start3A_115] : memref<320000x128xf32, #tpu.memory_space<hbm>> -> memref<80x128xf32, #tpu.memory_space<hbm>>
    %dma_start3A_117 = arith.constant 0 : i32
    %dma_start3A_118 = arith.constant 0 : i32
    %dma_start3A_119 = tpu.memref_slice %arg8[%dma_start3A_108, %dma_start3A_117, %dma_start3A_118] : memref<2x80x128xf32, #tpu.memory_space<vmem>> -> memref<1x80x128xf32, #tpu.memory_space<vmem>>
    %dma_start3A_120 = tpu.memref_squeeze %dma_start3A_119 : memref<1x80x128xf32, #tpu.memory_space<vmem>> -> memref<80x128xf32, #tpu.memory_space<vmem>>
    tpu.enqueue_dma source(%dma_start3A_120 : memref<80x128xf32, #tpu.memory_space<vmem>>) target(%dma_start3A_116 : memref<80x128xf32, #tpu.memory_space<hbm>>) target_semaphore(%arg14 : memref<!tpu.dma_semaphore, #tpu.memory_space<semaphore_mem>>)
    %dma_start3A_121 = arith.constant 0 : i32
    %dma_start3A_122 = arith.constant 0 : i32
    %dma_start3A_123 = arith.constant 0 : i32
    %dma_start3A_124 = tpu.memref_slice %arg9[%dma_start3A_121, %dma_start3A_122, %dma_start3A_123] : memref<2x80x16xf32, #tpu.memory_space<vmem>> -> memref<1x80x16xf32, #tpu.memory_space<vmem>>
    %dma_start3A_125 = tpu.memref_squeeze %dma_start3A_124 : memref<1x80x16xf32, #tpu.memory_space<vmem>> -> memref<80x16xf32, #tpu.memory_space<vmem>>
    %dma_start3A_126 = arith.constant 0 : i32
    %dma_start3A_127 = tpu.memref_slice %arg6[%add3A_107, %dma_start3A_126] : memref<320000x16xf32, #tpu.memory_space<hbm>> -> memref<80x16xf32, #tpu.memory_space<hbm>>
    %dma_start3A_128 = arith.constant 0 : i32
    %dma_start3A_129 = tpu.memref_slice %arg6[%add3A_107, %dma_start3A_128] : memref<320000x16xf32, #tpu.memory_space<hbm>> -> memref<80x16xf32, #tpu.memory_space<hbm>>
    %dma_start3A_130 = arith.constant 0 : i32
    %dma_start3A_131 = arith.constant 0 : i32
    %dma_start3A_132 = tpu.memref_slice %arg9[%dma_start3A_121, %dma_start3A_130, %dma_start3A_131] : memref<2x80x16xf32, #tpu.memory_space<vmem>> -> memref<1x80x16xf32, #tpu.memory_space<vmem>>
    %dma_start3A_133 = tpu.memref_squeeze %dma_start3A_132 : memref<1x80x16xf32, #tpu.memory_space<vmem>> -> memref<80x16xf32, #tpu.memory_space<vmem>>
    tpu.enqueue_dma source(%dma_start3A_133 : memref<80x16xf32, #tpu.memory_space<vmem>>) target(%dma_start3A_129 : memref<80x16xf32, #tpu.memory_space<hbm>>) target_semaphore(%arg16 : memref<!tpu.dma_semaphore, #tpu.memory_space<semaphore_mem>>)
    %add3A_134 = arith.constant 9920 : i32
    %add3A_135 = arith.addi %mul3A_2, %add3A_134 : i32
    %dma_wait3A_136 = arith.constant 0 : i32
    %dma_wait3A_137 = arith.constant 0 : i32
    %dma_wait3A_138 = arith.constant 0 : i32
    %dma_wait3A_139 = tpu.memref_slice %arg8[%dma_wait3A_136, %dma_wait3A_137, %dma_wait3A_138] : memref<2x80x128xf32, #tpu.memory_space<vmem>> -> memref<1x80x128xf32, #tpu.memory_space<vmem>>
    %dma_wait3A_140 = tpu.memref_squeeze %dma_wait3A_139 : memref<1x80x128xf32, #tpu.memory_space<vmem>> -> memref<80x128xf32, #tpu.memory_space<vmem>>
    %dma_wait3A_141 = arith.constant 0 : i32
    %dma_wait3A_142 = tpu.memref_slice %arg5[%add3A_135, %dma_wait3A_141] : memref<320000x128xf32, #tpu.memory_space<hbm>> -> memref<80x128xf32, #tpu.memory_space<hbm>>
    %dma_wait3A_143 = arith.constant 0 : i32
    %dma_wait3A_144 = tpu.memref_slice %arg5[%add3A_135, %dma_wait3A_143] : memref<320000x128xf32, #tpu.memory_space<hbm>> -> memref<80x128xf32, #tpu.memory_space<hbm>>
    %dma_wait3A_145 = arith.constant 0 : i32
    %dma_wait3A_146 = arith.constant 0 : i32
    %dma_wait3A_147 = tpu.memref_slice %arg8[%dma_wait3A_136, %dma_wait3A_145, %dma_wait3A_146] : memref<2x80x128xf32, #tpu.memory_space<vmem>> -> memref<1x80x128xf32, #tpu.memory_space<vmem>>
    %dma_wait3A_148 = tpu.memref_squeeze %dma_wait3A_147 : memref<1x80x128xf32, #tpu.memory_space<vmem>> -> memref<80x128xf32, #tpu.memory_space<vmem>>
    tpu.wait_dma2 semaphore(%arg14 : memref<!tpu.dma_semaphore, #tpu.memory_space<semaphore_mem>>) src(%dma_wait3A_148 : memref<80x128xf32, #tpu.memory_space<vmem>>) dst(%dma_wait3A_144 : memref<80x128xf32, #tpu.memory_space<hbm>>)
    %dma_wait3A_149 = arith.constant 0 : i32
    %dma_wait3A_150 = arith.constant 0 : i32
    %dma_wait3A_151 = arith.constant 0 : i32
    %dma_wait3A_152 = tpu.memref_slice %arg9[%dma_wait3A_149, %dma_wait3A_150, %dma_wait3A_151] : memref<2x80x16xf32, #tpu.memory_space<vmem>> -> memref<1x80x16xf32, #tpu.memory_space<vmem>>
    %dma_wait3A_153 = tpu.memref_squeeze %dma_wait3A_152 : memref<1x80x16xf32, #tpu.memory_space<vmem>> -> memref<80x16xf32, #tpu.memory_space<vmem>>
    %dma_wait3A_154 = arith.constant 0 : i32
    %dma_wait3A_155 = tpu.memref_slice %arg6[%add3A_135, %dma_wait3A_154] : memref<320000x16xf32, #tpu.memory_space<hbm>> -> memref<80x16xf32, #tpu.memory_space<hbm>>
    %dma_wait3A_156 = arith.constant 0 : i32
    %dma_wait3A_157 = tpu.memref_slice %arg6[%add3A_135, %dma_wait3A_156] : memref<320000x16xf32, #tpu.memory_space<hbm>> -> memref<80x16xf32, #tpu.memory_space<hbm>>
    %dma_wait3A_158 = arith.constant 0 : i32
    %dma_wait3A_159 = arith.constant 0 : i32
    %dma_wait3A_160 = tpu.memref_slice %arg9[%dma_wait3A_149, %dma_wait3A_158, %dma_wait3A_159] : memref<2x80x16xf32, #tpu.memory_space<vmem>> -> memref<1x80x16xf32, #tpu.memory_space<vmem>>
    %dma_wait3A_161 = tpu.memref_squeeze %dma_wait3A_160 : memref<1x80x16xf32, #tpu.memory_space<vmem>> -> memref<80x16xf32, #tpu.memory_space<vmem>>
    tpu.wait_dma2 semaphore(%arg16 : memref<!tpu.dma_semaphore, #tpu.memory_space<semaphore_mem>>) src(%dma_wait3A_161 : memref<80x16xf32, #tpu.memory_space<vmem>>) dst(%dma_wait3A_157 : memref<80x16xf32, #tpu.memory_space<hbm>>)
    return
  }
}

module attributes {stable_mosaic.version = 14 : i64} {
  func.func @_tc_body(%arg0: i32, %arg1: memref<12800x128xf32, #tpu.memory_space<vmem>>, %arg2: memref<12800x16xf32, #tpu.memory_space<vmem>>, %arg3: memref<400x16xf32, #tpu.memory_space<vmem>>, %arg4: memref<16x4xf32, #tpu.memory_space<vmem>>, %arg5: memref<2048x128xf32, #tpu.memory_space<vmem>>, %arg6: memref<128x256xbf16, #tpu.memory_space<vmem>>, %arg7: memref<400x128xf32, #tpu.memory_space<vmem>>) attributes {dimension_semantics = [#tpu.dimension_semantics<arbitrary>], iteration_bounds = array<i64: 25>, scalar_prefetch = 0 : i64, scratch_operands = 0 : i64, tpu.core_type = #tpu.core_type<tc>, window_params = [{transform_indices = @transform_0, window_bounds = array<i64: 12800, 128>}, {transform_indices = @transform_1, window_bounds = array<i64: 12800, 16>}, {transform_indices = @transform_2, window_bounds = array<i64: 400, 16>}, {pipeline_mode = #tpu.pipeline_mode<synchronous>, transform_indices = @transform_3, window_bounds = array<i64: 16, 4>}, {pipeline_mode = #tpu.pipeline_mode<synchronous>, transform_indices = @transform_4, window_bounds = array<i64: 2048, 128>}, {pipeline_mode = #tpu.pipeline_mode<synchronous>, transform_indices = @transform_5, window_bounds = array<i64: 128, 256>}, {transform_indices = @transform_6, window_bounds = array<i64: 400, 128>}]} {
    %get3A = arith.constant 0 : index
    %get3A_0 = arith.constant 0 : index
    %get3A_1 = vector.load %arg3[%get3A, %get3A_0] : memref<400x16xf32, #tpu.memory_space<vmem>>, vector<400x16xf32>
    %get3A_2 = arith.constant 0 : index
    %get3A_3 = arith.constant 0 : index
    %get3A_4 = vector.load %arg4[%get3A_2, %get3A_3] : memref<16x4xf32, #tpu.memory_space<vmem>>, vector<16x4xf32>
    %get3A_5 = arith.constant 0 : index
    %get3A_6 = arith.constant 0 : index
    %get3A_7 = vector.load %arg2[%get3A_5, %get3A_6] : memref<12800x16xf32, #tpu.memory_space<vmem>>, vector<12800x16xf32>
    %get3A_8 = arith.constant 0 : index
    %get3A_9 = arith.constant 0 : index
    %get3A_10 = vector.load %arg1[%get3A_8, %get3A_9] : memref<12800x128xf32, #tpu.memory_space<vmem>>, vector<12800x128xf32>
    %broadcast_in_dim3A = vector.shape_cast %get3A_1 : vector<400x16xf32> to vector<400x1x16xf32>
    %broadcast_in_dim3A_11 = vector.shape_cast %broadcast_in_dim3A : vector<400x1x16xf32> to vector<400x1x16xf32>
    %broadcast_in_dim3A_12 = vector.broadcast %broadcast_in_dim3A_11 : vector<400x1x16xf32> to vector<400x32x16xf32>
    %reshape3A = vector.shape_cast %broadcast_in_dim3A_12 : vector<400x32x16xf32> to vector<12800x16xf32>
    %sub3A = arith.subf %get3A_7, %reshape3A : vector<12800x16xf32>
    %transpose3A = tpu.transpose %sub3A, [1, 0] : vector<12800x16xf32> -> vector<16x12800xf32>
    %slice3A = vector.extract_strided_slice %transpose3A {offsets = [0, 0], sizes = [1, 12800], strides = [1, 1]} : vector<16x12800xf32> to vector<1x12800xf32>
    %slice3A_13 = vector.extract_strided_slice %transpose3A {offsets = [1, 0], sizes = [1, 12800], strides = [1, 1]} : vector<16x12800xf32> to vector<1x12800xf32>
    %slice3A_14 = vector.extract_strided_slice %transpose3A {offsets = [2, 0], sizes = [1, 12800], strides = [1, 1]} : vector<16x12800xf32> to vector<1x12800xf32>
    %mul3A = arith.mulf %slice3A, %slice3A : vector<1x12800xf32>
    %mul3A_15 = arith.mulf %slice3A_13, %slice3A_13 : vector<1x12800xf32>
    %add3A = arith.addf %mul3A, %mul3A_15 : vector<1x12800xf32>
    %mul3A_16 = arith.mulf %slice3A_14, %slice3A_14 : vector<1x12800xf32>
    %add3A_17 = arith.addf %add3A, %mul3A_16 : vector<1x12800xf32>
    %slice3A_18 = vector.extract_strided_slice %get3A_4 {offsets = [0, 0], sizes = [16, 1], strides = [1, 1]} : vector<16x4xf32> to vector<16x1xf32>
    %mul3A_19 = vector.broadcast %slice3A_18 : vector<16x1xf32> to vector<16x12800xf32>
    %mul3A_20 = vector.broadcast %slice3A : vector<1x12800xf32> to vector<16x12800xf32>
    %mul3A_21 = arith.mulf %mul3A_19, %mul3A_20 : vector<16x12800xf32>
    %slice3A_22 = vector.extract_strided_slice %get3A_4 {offsets = [0, 1], sizes = [16, 1], strides = [1, 1]} : vector<16x4xf32> to vector<16x1xf32>
    %mul3A_23 = vector.broadcast %slice3A_22 : vector<16x1xf32> to vector<16x12800xf32>
    %mul3A_24 = vector.broadcast %slice3A_13 : vector<1x12800xf32> to vector<16x12800xf32>
    %mul3A_25 = arith.mulf %mul3A_23, %mul3A_24 : vector<16x12800xf32>
    %add3A_26 = arith.addf %mul3A_21, %mul3A_25 : vector<16x12800xf32>
    %slice3A_27 = vector.extract_strided_slice %get3A_4 {offsets = [0, 2], sizes = [16, 1], strides = [1, 1]} : vector<16x4xf32> to vector<16x1xf32>
    %mul3A_28 = vector.broadcast %slice3A_27 : vector<16x1xf32> to vector<16x12800xf32>
    %mul3A_29 = vector.broadcast %slice3A_14 : vector<1x12800xf32> to vector<16x12800xf32>
    %mul3A_30 = arith.mulf %mul3A_28, %mul3A_29 : vector<16x12800xf32>
    %add3A_31 = arith.addf %add3A_26, %mul3A_30 : vector<16x12800xf32>
    %mul3A_32 = arith.constant 2.000000e+00 : f32
    %mul3A_33 = vector.broadcast %mul3A_32 : f32 to vector<16x12800xf32>
    %mul3A_34 = arith.mulf %mul3A_33, %add3A_31 : vector<16x12800xf32>
    %sub3A_35 = vector.broadcast %add3A_17 : vector<1x12800xf32> to vector<16x12800xf32>
    %sub3A_36 = arith.subf %sub3A_35, %mul3A_34 : vector<16x12800xf32>
    %slice3A_37 = vector.extract_strided_slice %get3A_4 {offsets = [0, 3], sizes = [16, 1], strides = [1, 1]} : vector<16x4xf32> to vector<16x1xf32>
    %add3A_38 = vector.broadcast %slice3A_37 : vector<16x1xf32> to vector<16x12800xf32>
    %add3A_39 = arith.addf %sub3A_36, %add3A_38 : vector<16x12800xf32>
    %max3A = arith.constant 0.000000e+00 : f32
    %max3A_40 = vector.broadcast %max3A : f32 to vector<16x12800xf32>
    %max3A_41 = arith.maximumf %add3A_39, %max3A_40 : vector<16x12800xf32>
    %sqrt3A = math.sqrt %max3A_41 : vector<16x12800xf32>
    %mul3A_42 = arith.constant 8.33333301 : f32
    %mul3A_43 = vector.broadcast %mul3A_42 : f32 to vector<16x12800xf32>
    %mul3A_44 = arith.mulf %sqrt3A, %mul3A_43 : vector<16x12800xf32>
    %sub3A_45 = arith.constant 1.000000e+00 : f32
    %sub3A_46 = vector.broadcast %sub3A_45 : f32 to vector<16x12800xf32>
    %sub3A_47 = arith.subf %sub3A_46, %mul3A_44 : vector<16x12800xf32>
    %max3A_48 = arith.constant 0.000000e+00 : f32
    %max3A_49 = vector.broadcast %max3A_48 : f32 to vector<16x12800xf32>
    %max3A_50 = arith.maximumf %sub3A_47, %max3A_49 : vector<16x12800xf32>
    %convert_element_type3A = arith.truncf %max3A_50 : vector<16x12800xf32> to vector<16x12800xbf16>
    %convert_element_type3A_51 = arith.truncf %get3A_10 : vector<12800x128xf32> to vector<12800x128xbf16>
    %get3A_52 = arith.constant 0 : index
    %get3A_53 = arith.constant 0 : index
    %get3A_54 = vector.load %arg6[%get3A_52, %get3A_53] : memref<128x256xbf16, #tpu.memory_space<vmem>>, vector<128x256xbf16>
    %slice3A_55 = vector.extract_strided_slice %convert_element_type3A {offsets = [0, 0], sizes = [16, 256], strides = [1, 1]} : vector<16x12800xbf16> to vector<16x256xbf16>
    %broadcast_in_dim3A_56 = vector.shape_cast %slice3A_55 : vector<16x256xbf16> to vector<16x1x256xbf16>
    %broadcast_in_dim3A_57 = vector.shape_cast %broadcast_in_dim3A_56 : vector<16x1x256xbf16> to vector<16x1x256xbf16>
    %broadcast_in_dim3A_58 = vector.broadcast %broadcast_in_dim3A_57 : vector<16x1x256xbf16> to vector<16x8x256xbf16>
    %reshape3A_59 = vector.shape_cast %broadcast_in_dim3A_58 : vector<16x8x256xbf16> to vector<128x256xbf16>
    %mul3A_60 = arith.mulf %reshape3A_59, %get3A_54 : vector<128x256xbf16>
    %slice3A_61 = vector.extract_strided_slice %convert_element_type3A_51 {offsets = [0, 0], sizes = [256, 128], strides = [1, 1]} : vector<12800x128xbf16> to vector<256x128xbf16>
    %dot_general3A = arith.constant dense<0.000000e+00> : vector<128x128xf32>
    %dot_general3A_62 = tpu.matmul %mul3A_60, %slice3A_61, %dot_general3A {dimension_numbers = #tpu.dot_dimension_numbers<[1], [0], [0], [1], [0, 0, 1, 1], [], []>, transpose_lhs_hint = false} : vector<128x256xbf16>, vector<256x128xbf16>, vector<128x128xf32> -> vector<128x128xf32>
    %slice3A_63 = vector.extract_strided_slice %dot_general3A_62 {offsets = [0, 0], sizes = [8, 128], strides = [1, 1]} : vector<128x128xf32> to vector<8x128xf32>
    %slice3A_64 = vector.extract_strided_slice %dot_general3A_62 {offsets = [8, 0], sizes = [8, 128], strides = [1, 1]} : vector<128x128xf32> to vector<8x128xf32>
    %slice3A_65 = vector.extract_strided_slice %dot_general3A_62 {offsets = [16, 0], sizes = [8, 128], strides = [1, 1]} : vector<128x128xf32> to vector<8x128xf32>
    %slice3A_66 = vector.extract_strided_slice %dot_general3A_62 {offsets = [24, 0], sizes = [8, 128], strides = [1, 1]} : vector<128x128xf32> to vector<8x128xf32>
    %slice3A_67 = vector.extract_strided_slice %dot_general3A_62 {offsets = [32, 0], sizes = [8, 128], strides = [1, 1]} : vector<128x128xf32> to vector<8x128xf32>
    %slice3A_68 = vector.extract_strided_slice %dot_general3A_62 {offsets = [40, 0], sizes = [8, 128], strides = [1, 1]} : vector<128x128xf32> to vector<8x128xf32>
    %slice3A_69 = vector.extract_strided_slice %dot_general3A_62 {offsets = [48, 0], sizes = [8, 128], strides = [1, 1]} : vector<128x128xf32> to vector<8x128xf32>
    %slice3A_70 = vector.extract_strided_slice %dot_general3A_62 {offsets = [56, 0], sizes = [8, 128], strides = [1, 1]} : vector<128x128xf32> to vector<8x128xf32>
    %slice3A_71 = vector.extract_strided_slice %dot_general3A_62 {offsets = [64, 0], sizes = [8, 128], strides = [1, 1]} : vector<128x128xf32> to vector<8x128xf32>
    %slice3A_72 = vector.extract_strided_slice %dot_general3A_62 {offsets = [72, 0], sizes = [8, 128], strides = [1, 1]} : vector<128x128xf32> to vector<8x128xf32>
    %slice3A_73 = vector.extract_strided_slice %dot_general3A_62 {offsets = [80, 0], sizes = [8, 128], strides = [1, 1]} : vector<128x128xf32> to vector<8x128xf32>
    %slice3A_74 = vector.extract_strided_slice %dot_general3A_62 {offsets = [88, 0], sizes = [8, 128], strides = [1, 1]} : vector<128x128xf32> to vector<8x128xf32>
    %slice3A_75 = vector.extract_strided_slice %dot_general3A_62 {offsets = [96, 0], sizes = [8, 128], strides = [1, 1]} : vector<128x128xf32> to vector<8x128xf32>
    %slice3A_76 = vector.extract_strided_slice %dot_general3A_62 {offsets = [104, 0], sizes = [8, 128], strides = [1, 1]} : vector<128x128xf32> to vector<8x128xf32>
    %slice3A_77 = vector.extract_strided_slice %dot_general3A_62 {offsets = [112, 0], sizes = [8, 128], strides = [1, 1]} : vector<128x128xf32> to vector<8x128xf32>
    %slice3A_78 = vector.extract_strided_slice %dot_general3A_62 {offsets = [120, 0], sizes = [8, 128], strides = [1, 1]} : vector<128x128xf32> to vector<8x128xf32>
    %concatenate3A = tpu.concatenate %slice3A_63, %slice3A_64, %slice3A_65, %slice3A_66, %slice3A_67, %slice3A_68, %slice3A_69, %slice3A_70, %slice3A_71, %slice3A_72, %slice3A_73, %slice3A_74, %slice3A_75, %slice3A_76, %slice3A_77, %slice3A_78 in 1 : vector<8x128xf32>, vector<8x128xf32>, vector<8x128xf32>, vector<8x128xf32>, vector<8x128xf32>, vector<8x128xf32>, vector<8x128xf32>, vector<8x128xf32>, vector<8x128xf32>, vector<8x128xf32>, vector<8x128xf32>, vector<8x128xf32>, vector<8x128xf32>, vector<8x128xf32>, vector<8x128xf32>, vector<8x128xf32> -> vector<8x2048xf32>
    %slice3A_79 = vector.extract_strided_slice %convert_element_type3A {offsets = [0, 256], sizes = [16, 256], strides = [1, 1]} : vector<16x12800xbf16> to vector<16x256xbf16>
    %broadcast_in_dim3A_80 = vector.shape_cast %slice3A_79 : vector<16x256xbf16> to vector<16x1x256xbf16>
    %broadcast_in_dim3A_81 = vector.shape_cast %broadcast_in_dim3A_80 : vector<16x1x256xbf16> to vector<16x1x256xbf16>
    %broadcast_in_dim3A_82 = vector.broadcast %broadcast_in_dim3A_81 : vector<16x1x256xbf16> to vector<16x8x256xbf16>
    %reshape3A_83 = vector.shape_cast %broadcast_in_dim3A_82 : vector<16x8x256xbf16> to vector<128x256xbf16>
    %mul3A_84 = arith.mulf %reshape3A_83, %get3A_54 : vector<128x256xbf16>
    %slice3A_85 = vector.extract_strided_slice %convert_element_type3A_51 {offsets = [256, 0], sizes = [256, 128], strides = [1, 1]} : vector<12800x128xbf16> to vector<256x128xbf16>
    %dot_general3A_86 = arith.constant dense<0.000000e+00> : vector<128x128xf32>
    %dot_general3A_87 = tpu.matmul %mul3A_84, %slice3A_85, %dot_general3A_86 {dimension_numbers = #tpu.dot_dimension_numbers<[1], [0], [0], [1], [0, 0, 1, 1], [], []>, transpose_lhs_hint = false} : vector<128x256xbf16>, vector<256x128xbf16>, vector<128x128xf32> -> vector<128x128xf32>
    %slice3A_88 = vector.extract_strided_slice %dot_general3A_87 {offsets = [0, 0], sizes = [8, 128], strides = [1, 1]} : vector<128x128xf32> to vector<8x128xf32>
    %slice3A_89 = vector.extract_strided_slice %dot_general3A_87 {offsets = [8, 0], sizes = [8, 128], strides = [1, 1]} : vector<128x128xf32> to vector<8x128xf32>
    %slice3A_90 = vector.extract_strided_slice %dot_general3A_87 {offsets = [16, 0], sizes = [8, 128], strides = [1, 1]} : vector<128x128xf32> to vector<8x128xf32>
    %slice3A_91 = vector.extract_strided_slice %dot_general3A_87 {offsets = [24, 0], sizes = [8, 128], strides = [1, 1]} : vector<128x128xf32> to vector<8x128xf32>
    %slice3A_92 = vector.extract_strided_slice %dot_general3A_87 {offsets = [32, 0], sizes = [8, 128], strides = [1, 1]} : vector<128x128xf32> to vector<8x128xf32>
    %slice3A_93 = vector.extract_strided_slice %dot_general3A_87 {offsets = [40, 0], sizes = [8, 128], strides = [1, 1]} : vector<128x128xf32> to vector<8x128xf32>
    %slice3A_94 = vector.extract_strided_slice %dot_general3A_87 {offsets = [48, 0], sizes = [8, 128], strides = [1, 1]} : vector<128x128xf32> to vector<8x128xf32>
    %slice3A_95 = vector.extract_strided_slice %dot_general3A_87 {offsets = [56, 0], sizes = [8, 128], strides = [1, 1]} : vector<128x128xf32> to vector<8x128xf32>
    %slice3A_96 = vector.extract_strided_slice %dot_general3A_87 {offsets = [64, 0], sizes = [8, 128], strides = [1, 1]} : vector<128x128xf32> to vector<8x128xf32>
    %slice3A_97 = vector.extract_strided_slice %dot_general3A_87 {offsets = [72, 0], sizes = [8, 128], strides = [1, 1]} : vector<128x128xf32> to vector<8x128xf32>
    %slice3A_98 = vector.extract_strided_slice %dot_general3A_87 {offsets = [80, 0], sizes = [8, 128], strides = [1, 1]} : vector<128x128xf32> to vector<8x128xf32>
    %slice3A_99 = vector.extract_strided_slice %dot_general3A_87 {offsets = [88, 0], sizes = [8, 128], strides = [1, 1]} : vector<128x128xf32> to vector<8x128xf32>
    %slice3A_100 = vector.extract_strided_slice %dot_general3A_87 {offsets = [96, 0], sizes = [8, 128], strides = [1, 1]} : vector<128x128xf32> to vector<8x128xf32>
    %slice3A_101 = vector.extract_strided_slice %dot_general3A_87 {offsets = [104, 0], sizes = [8, 128], strides = [1, 1]} : vector<128x128xf32> to vector<8x128xf32>
    %slice3A_102 = vector.extract_strided_slice %dot_general3A_87 {offsets = [112, 0], sizes = [8, 128], strides = [1, 1]} : vector<128x128xf32> to vector<8x128xf32>
    %slice3A_103 = vector.extract_strided_slice %dot_general3A_87 {offsets = [120, 0], sizes = [8, 128], strides = [1, 1]} : vector<128x128xf32> to vector<8x128xf32>
    %concatenate3A_104 = tpu.concatenate %slice3A_88, %slice3A_89, %slice3A_90, %slice3A_91, %slice3A_92, %slice3A_93, %slice3A_94, %slice3A_95, %slice3A_96, %slice3A_97, %slice3A_98, %slice3A_99, %slice3A_100, %slice3A_101, %slice3A_102, %slice3A_103 in 1 : vector<8x128xf32>, vector<8x128xf32>, vector<8x128xf32>, vector<8x128xf32>, vector<8x128xf32>, vector<8x128xf32>, vector<8x128xf32>, vector<8x128xf32>, vector<8x128xf32>, vector<8x128xf32>, vector<8x128xf32>, vector<8x128xf32>, vector<8x128xf32>, vector<8x128xf32>, vector<8x128xf32>, vector<8x128xf32> -> vector<8x2048xf32>
    %slice3A_105 = vector.extract_strided_slice %convert_element_type3A {offsets = [0, 512], sizes = [16, 256], strides = [1, 1]} : vector<16x12800xbf16> to vector<16x256xbf16>
    %broadcast_in_dim3A_106 = vector.shape_cast %slice3A_105 : vector<16x256xbf16> to vector<16x1x256xbf16>
    %broadcast_in_dim3A_107 = vector.shape_cast %broadcast_in_dim3A_106 : vector<16x1x256xbf16> to vector<16x1x256xbf16>
    %broadcast_in_dim3A_108 = vector.broadcast %broadcast_in_dim3A_107 : vector<16x1x256xbf16> to vector<16x8x256xbf16>
    %reshape3A_109 = vector.shape_cast %broadcast_in_dim3A_108 : vector<16x8x256xbf16> to vector<128x256xbf16>
    %mul3A_110 = arith.mulf %reshape3A_109, %get3A_54 : vector<128x256xbf16>
    %slice3A_111 = vector.extract_strided_slice %convert_element_type3A_51 {offsets = [512, 0], sizes = [256, 128], strides = [1, 1]} : vector<12800x128xbf16> to vector<256x128xbf16>
    %dot_general3A_112 = arith.constant dense<0.000000e+00> : vector<128x128xf32>
    %dot_general3A_113 = tpu.matmul %mul3A_110, %slice3A_111, %dot_general3A_112 {dimension_numbers = #tpu.dot_dimension_numbers<[1], [0], [0], [1], [0, 0, 1, 1], [], []>, transpose_lhs_hint = false} : vector<128x256xbf16>, vector<256x128xbf16>, vector<128x128xf32> -> vector<128x128xf32>
    %slice3A_114 = vector.extract_strided_slice %dot_general3A_113 {offsets = [0, 0], sizes = [8, 128], strides = [1, 1]} : vector<128x128xf32> to vector<8x128xf32>
    %slice3A_115 = vector.extract_strided_slice %dot_general3A_113 {offsets = [8, 0], sizes = [8, 128], strides = [1, 1]} : vector<128x128xf32> to vector<8x128xf32>
    %slice3A_116 = vector.extract_strided_slice %dot_general3A_113 {offsets = [16, 0], sizes = [8, 128], strides = [1, 1]} : vector<128x128xf32> to vector<8x128xf32>
    %slice3A_117 = vector.extract_strided_slice %dot_general3A_113 {offsets = [24, 0], sizes = [8, 128], strides = [1, 1]} : vector<128x128xf32> to vector<8x128xf32>
    %slice3A_118 = vector.extract_strided_slice %dot_general3A_113 {offsets = [32, 0], sizes = [8, 128], strides = [1, 1]} : vector<128x128xf32> to vector<8x128xf32>
    %slice3A_119 = vector.extract_strided_slice %dot_general3A_113 {offsets = [40, 0], sizes = [8, 128], strides = [1, 1]} : vector<128x128xf32> to vector<8x128xf32>
    %slice3A_120 = vector.extract_strided_slice %dot_general3A_113 {offsets = [48, 0], sizes = [8, 128], strides = [1, 1]} : vector<128x128xf32> to vector<8x128xf32>
    %slice3A_121 = vector.extract_strided_slice %dot_general3A_113 {offsets = [56, 0], sizes = [8, 128], strides = [1, 1]} : vector<128x128xf32> to vector<8x128xf32>
    %slice3A_122 = vector.extract_strided_slice %dot_general3A_113 {offsets = [64, 0], sizes = [8, 128], strides = [1, 1]} : vector<128x128xf32> to vector<8x128xf32>
    %slice3A_123 = vector.extract_strided_slice %dot_general3A_113 {offsets = [72, 0], sizes = [8, 128], strides = [1, 1]} : vector<128x128xf32> to vector<8x128xf32>
    %slice3A_124 = vector.extract_strided_slice %dot_general3A_113 {offsets = [80, 0], sizes = [8, 128], strides = [1, 1]} : vector<128x128xf32> to vector<8x128xf32>
    %slice3A_125 = vector.extract_strided_slice %dot_general3A_113 {offsets = [88, 0], sizes = [8, 128], strides = [1, 1]} : vector<128x128xf32> to vector<8x128xf32>
    %slice3A_126 = vector.extract_strided_slice %dot_general3A_113 {offsets = [96, 0], sizes = [8, 128], strides = [1, 1]} : vector<128x128xf32> to vector<8x128xf32>
    %slice3A_127 = vector.extract_strided_slice %dot_general3A_113 {offsets = [104, 0], sizes = [8, 128], strides = [1, 1]} : vector<128x128xf32> to vector<8x128xf32>
    %slice3A_128 = vector.extract_strided_slice %dot_general3A_113 {offsets = [112, 0], sizes = [8, 128], strides = [1, 1]} : vector<128x128xf32> to vector<8x128xf32>
    %slice3A_129 = vector.extract_strided_slice %dot_general3A_113 {offsets = [120, 0], sizes = [8, 128], strides = [1, 1]} : vector<128x128xf32> to vector<8x128xf32>
    %concatenate3A_130 = tpu.concatenate %slice3A_114, %slice3A_115, %slice3A_116, %slice3A_117, %slice3A_118, %slice3A_119, %slice3A_120, %slice3A_121, %slice3A_122, %slice3A_123, %slice3A_124, %slice3A_125, %slice3A_126, %slice3A_127, %slice3A_128, %slice3A_129 in 1 : vector<8x128xf32>, vector<8x128xf32>, vector<8x128xf32>, vector<8x128xf32>, vector<8x128xf32>, vector<8x128xf32>, vector<8x128xf32>, vector<8x128xf32>, vector<8x128xf32>, vector<8x128xf32>, vector<8x128xf32>, vector<8x128xf32>, vector<8x128xf32>, vector<8x128xf32>, vector<8x128xf32>, vector<8x128xf32> -> vector<8x2048xf32>
    %slice3A_131 = vector.extract_strided_slice %convert_element_type3A {offsets = [0, 768], sizes = [16, 256], strides = [1, 1]} : vector<16x12800xbf16> to vector<16x256xbf16>
    %broadcast_in_dim3A_132 = vector.shape_cast %slice3A_131 : vector<16x256xbf16> to vector<16x1x256xbf16>
    %broadcast_in_dim3A_133 = vector.shape_cast %broadcast_in_dim3A_132 : vector<16x1x256xbf16> to vector<16x1x256xbf16>
    %broadcast_in_dim3A_134 = vector.broadcast %broadcast_in_dim3A_133 : vector<16x1x256xbf16> to vector<16x8x256xbf16>
    %reshape3A_135 = vector.shape_cast %broadcast_in_dim3A_134 : vector<16x8x256xbf16> to vector<128x256xbf16>
    %mul3A_136 = arith.mulf %reshape3A_135, %get3A_54 : vector<128x256xbf16>
    %slice3A_137 = vector.extract_strided_slice %convert_element_type3A_51 {offsets = [768, 0], sizes = [256, 128], strides = [1, 1]} : vector<12800x128xbf16> to vector<256x128xbf16>
    %dot_general3A_138 = arith.constant dense<0.000000e+00> : vector<128x128xf32>
    %dot_general3A_139 = tpu.matmul %mul3A_136, %slice3A_137, %dot_general3A_138 {dimension_numbers = #tpu.dot_dimension_numbers<[1], [0], [0], [1], [0, 0, 1, 1], [], []>, transpose_lhs_hint = false} : vector<128x256xbf16>, vector<256x128xbf16>, vector<128x128xf32> -> vector<128x128xf32>
    %slice3A_140 = vector.extract_strided_slice %dot_general3A_139 {offsets = [0, 0], sizes = [8, 128], strides = [1, 1]} : vector<128x128xf32> to vector<8x128xf32>
    %slice3A_141 = vector.extract_strided_slice %dot_general3A_139 {offsets = [8, 0], sizes = [8, 128], strides = [1, 1]} : vector<128x128xf32> to vector<8x128xf32>
    %slice3A_142 = vector.extract_strided_slice %dot_general3A_139 {offsets = [16, 0], sizes = [8, 128], strides = [1, 1]} : vector<128x128xf32> to vector<8x128xf32>
    %slice3A_143 = vector.extract_strided_slice %dot_general3A_139 {offsets = [24, 0], sizes = [8, 128], strides = [1, 1]} : vector<128x128xf32> to vector<8x128xf32>
    %slice3A_144 = vector.extract_strided_slice %dot_general3A_139 {offsets = [32, 0], sizes = [8, 128], strides = [1, 1]} : vector<128x128xf32> to vector<8x128xf32>
    %slice3A_145 = vector.extract_strided_slice %dot_general3A_139 {offsets = [40, 0], sizes = [8, 128], strides = [1, 1]} : vector<128x128xf32> to vector<8x128xf32>
    %slice3A_146 = vector.extract_strided_slice %dot_general3A_139 {offsets = [48, 0], sizes = [8, 128], strides = [1, 1]} : vector<128x128xf32> to vector<8x128xf32>
    %slice3A_147 = vector.extract_strided_slice %dot_general3A_139 {offsets = [56, 0], sizes = [8, 128], strides = [1, 1]} : vector<128x128xf32> to vector<8x128xf32>
    %slice3A_148 = vector.extract_strided_slice %dot_general3A_139 {offsets = [64, 0], sizes = [8, 128], strides = [1, 1]} : vector<128x128xf32> to vector<8x128xf32>
    %slice3A_149 = vector.extract_strided_slice %dot_general3A_139 {offsets = [72, 0], sizes = [8, 128], strides = [1, 1]} : vector<128x128xf32> to vector<8x128xf32>
    %slice3A_150 = vector.extract_strided_slice %dot_general3A_139 {offsets = [80, 0], sizes = [8, 128], strides = [1, 1]} : vector<128x128xf32> to vector<8x128xf32>
    %slice3A_151 = vector.extract_strided_slice %dot_general3A_139 {offsets = [88, 0], sizes = [8, 128], strides = [1, 1]} : vector<128x128xf32> to vector<8x128xf32>
    %slice3A_152 = vector.extract_strided_slice %dot_general3A_139 {offsets = [96, 0], sizes = [8, 128], strides = [1, 1]} : vector<128x128xf32> to vector<8x128xf32>
    %slice3A_153 = vector.extract_strided_slice %dot_general3A_139 {offsets = [104, 0], sizes = [8, 128], strides = [1, 1]} : vector<128x128xf32> to vector<8x128xf32>
    %slice3A_154 = vector.extract_strided_slice %dot_general3A_139 {offsets = [112, 0], sizes = [8, 128], strides = [1, 1]} : vector<128x128xf32> to vector<8x128xf32>
    %slice3A_155 = vector.extract_strided_slice %dot_general3A_139 {offsets = [120, 0], sizes = [8, 128], strides = [1, 1]} : vector<128x128xf32> to vector<8x128xf32>
    %concatenate3A_156 = tpu.concatenate %slice3A_140, %slice3A_141, %slice3A_142, %slice3A_143, %slice3A_144, %slice3A_145, %slice3A_146, %slice3A_147, %slice3A_148, %slice3A_149, %slice3A_150, %slice3A_151, %slice3A_152, %slice3A_153, %slice3A_154, %slice3A_155 in 1 : vector<8x128xf32>, vector<8x128xf32>, vector<8x128xf32>, vector<8x128xf32>, vector<8x128xf32>, vector<8x128xf32>, vector<8x128xf32>, vector<8x128xf32>, vector<8x128xf32>, vector<8x128xf32>, vector<8x128xf32>, vector<8x128xf32>, vector<8x128xf32>, vector<8x128xf32>, vector<8x128xf32>, vector<8x128xf32> -> vector<8x2048xf32>
    %slice3A_157 = vector.extract_strided_slice %convert_element_type3A {offsets = [0, 1024], sizes = [16, 256], strides = [1, 1]} : vector<16x12800xbf16> to vector<16x256xbf16>
    %broadcast_in_dim3A_158 = vector.shape_cast %slice3A_157 : vector<16x256xbf16> to vector<16x1x256xbf16>
    %broadcast_in_dim3A_159 = vector.shape_cast %broadcast_in_dim3A_158 : vector<16x1x256xbf16> to vector<16x1x256xbf16>
    %broadcast_in_dim3A_160 = vector.broadcast %broadcast_in_dim3A_159 : vector<16x1x256xbf16> to vector<16x8x256xbf16>
    %reshape3A_161 = vector.shape_cast %broadcast_in_dim3A_160 : vector<16x8x256xbf16> to vector<128x256xbf16>
    %mul3A_162 = arith.mulf %reshape3A_161, %get3A_54 : vector<128x256xbf16>
    %slice3A_163 = vector.extract_strided_slice %convert_element_type3A_51 {offsets = [1024, 0], sizes = [256, 128], strides = [1, 1]} : vector<12800x128xbf16> to vector<256x128xbf16>
    %dot_general3A_164 = arith.constant dense<0.000000e+00> : vector<128x128xf32>
    %dot_general3A_165 = tpu.matmul %mul3A_162, %slice3A_163, %dot_general3A_164 {dimension_numbers = #tpu.dot_dimension_numbers<[1], [0], [0], [1], [0, 0, 1, 1], [], []>, transpose_lhs_hint = false} : vector<128x256xbf16>, vector<256x128xbf16>, vector<128x128xf32> -> vector<128x128xf32>
    %slice3A_166 = vector.extract_strided_slice %dot_general3A_165 {offsets = [0, 0], sizes = [8, 128], strides = [1, 1]} : vector<128x128xf32> to vector<8x128xf32>
    %slice3A_167 = vector.extract_strided_slice %dot_general3A_165 {offsets = [8, 0], sizes = [8, 128], strides = [1, 1]} : vector<128x128xf32> to vector<8x128xf32>
    %slice3A_168 = vector.extract_strided_slice %dot_general3A_165 {offsets = [16, 0], sizes = [8, 128], strides = [1, 1]} : vector<128x128xf32> to vector<8x128xf32>
    %slice3A_169 = vector.extract_strided_slice %dot_general3A_165 {offsets = [24, 0], sizes = [8, 128], strides = [1, 1]} : vector<128x128xf32> to vector<8x128xf32>
    %slice3A_170 = vector.extract_strided_slice %dot_general3A_165 {offsets = [32, 0], sizes = [8, 128], strides = [1, 1]} : vector<128x128xf32> to vector<8x128xf32>
    %slice3A_171 = vector.extract_strided_slice %dot_general3A_165 {offsets = [40, 0], sizes = [8, 128], strides = [1, 1]} : vector<128x128xf32> to vector<8x128xf32>
    %slice3A_172 = vector.extract_strided_slice %dot_general3A_165 {offsets = [48, 0], sizes = [8, 128], strides = [1, 1]} : vector<128x128xf32> to vector<8x128xf32>
    %slice3A_173 = vector.extract_strided_slice %dot_general3A_165 {offsets = [56, 0], sizes = [8, 128], strides = [1, 1]} : vector<128x128xf32> to vector<8x128xf32>
    %slice3A_174 = vector.extract_strided_slice %dot_general3A_165 {offsets = [64, 0], sizes = [8, 128], strides = [1, 1]} : vector<128x128xf32> to vector<8x128xf32>
    %slice3A_175 = vector.extract_strided_slice %dot_general3A_165 {offsets = [72, 0], sizes = [8, 128], strides = [1, 1]} : vector<128x128xf32> to vector<8x128xf32>
    %slice3A_176 = vector.extract_strided_slice %dot_general3A_165 {offsets = [80, 0], sizes = [8, 128], strides = [1, 1]} : vector<128x128xf32> to vector<8x128xf32>
    %slice3A_177 = vector.extract_strided_slice %dot_general3A_165 {offsets = [88, 0], sizes = [8, 128], strides = [1, 1]} : vector<128x128xf32> to vector<8x128xf32>
    %slice3A_178 = vector.extract_strided_slice %dot_general3A_165 {offsets = [96, 0], sizes = [8, 128], strides = [1, 1]} : vector<128x128xf32> to vector<8x128xf32>
    %slice3A_179 = vector.extract_strided_slice %dot_general3A_165 {offsets = [104, 0], sizes = [8, 128], strides = [1, 1]} : vector<128x128xf32> to vector<8x128xf32>
    %slice3A_180 = vector.extract_strided_slice %dot_general3A_165 {offsets = [112, 0], sizes = [8, 128], strides = [1, 1]} : vector<128x128xf32> to vector<8x128xf32>
    %slice3A_181 = vector.extract_strided_slice %dot_general3A_165 {offsets = [120, 0], sizes = [8, 128], strides = [1, 1]} : vector<128x128xf32> to vector<8x128xf32>
    %concatenate3A_182 = tpu.concatenate %slice3A_166, %slice3A_167, %slice3A_168, %slice3A_169, %slice3A_170, %slice3A_171, %slice3A_172, %slice3A_173, %slice3A_174, %slice3A_175, %slice3A_176, %slice3A_177, %slice3A_178, %slice3A_179, %slice3A_180, %slice3A_181 in 1 : vector<8x128xf32>, vector<8x128xf32>, vector<8x128xf32>, vector<8x128xf32>, vector<8x128xf32>, vector<8x128xf32>, vector<8x128xf32>, vector<8x128xf32>, vector<8x128xf32>, vector<8x128xf32>, vector<8x128xf32>, vector<8x128xf32>, vector<8x128xf32>, vector<8x128xf32>, vector<8x128xf32>, vector<8x128xf32> -> vector<8x2048xf32>
    %slice3A_183 = vector.extract_strided_slice %convert_element_type3A {offsets = [0, 1280], sizes = [16, 256], strides = [1, 1]} : vector<16x12800xbf16> to vector<16x256xbf16>
    %broadcast_in_dim3A_184 = vector.shape_cast %slice3A_183 : vector<16x256xbf16> to vector<16x1x256xbf16>
    %broadcast_in_dim3A_185 = vector.shape_cast %broadcast_in_dim3A_184 : vector<16x1x256xbf16> to vector<16x1x256xbf16>
    %broadcast_in_dim3A_186 = vector.broadcast %broadcast_in_dim3A_185 : vector<16x1x256xbf16> to vector<16x8x256xbf16>
    %reshape3A_187 = vector.shape_cast %broadcast_in_dim3A_186 : vector<16x8x256xbf16> to vector<128x256xbf16>
    %mul3A_188 = arith.mulf %reshape3A_187, %get3A_54 : vector<128x256xbf16>
    %slice3A_189 = vector.extract_strided_slice %convert_element_type3A_51 {offsets = [1280, 0], sizes = [256, 128], strides = [1, 1]} : vector<12800x128xbf16> to vector<256x128xbf16>
    %dot_general3A_190 = arith.constant dense<0.000000e+00> : vector<128x128xf32>
    %dot_general3A_191 = tpu.matmul %mul3A_188, %slice3A_189, %dot_general3A_190 {dimension_numbers = #tpu.dot_dimension_numbers<[1], [0], [0], [1], [0, 0, 1, 1], [], []>, transpose_lhs_hint = false} : vector<128x256xbf16>, vector<256x128xbf16>, vector<128x128xf32> -> vector<128x128xf32>
    %slice3A_192 = vector.extract_strided_slice %dot_general3A_191 {offsets = [0, 0], sizes = [8, 128], strides = [1, 1]} : vector<128x128xf32> to vector<8x128xf32>
    %slice3A_193 = vector.extract_strided_slice %dot_general3A_191 {offsets = [8, 0], sizes = [8, 128], strides = [1, 1]} : vector<128x128xf32> to vector<8x128xf32>
    %slice3A_194 = vector.extract_strided_slice %dot_general3A_191 {offsets = [16, 0], sizes = [8, 128], strides = [1, 1]} : vector<128x128xf32> to vector<8x128xf32>
    %slice3A_195 = vector.extract_strided_slice %dot_general3A_191 {offsets = [24, 0], sizes = [8, 128], strides = [1, 1]} : vector<128x128xf32> to vector<8x128xf32>
    %slice3A_196 = vector.extract_strided_slice %dot_general3A_191 {offsets = [32, 0], sizes = [8, 128], strides = [1, 1]} : vector<128x128xf32> to vector<8x128xf32>
    %slice3A_197 = vector.extract_strided_slice %dot_general3A_191 {offsets = [40, 0], sizes = [8, 128], strides = [1, 1]} : vector<128x128xf32> to vector<8x128xf32>
    %slice3A_198 = vector.extract_strided_slice %dot_general3A_191 {offsets = [48, 0], sizes = [8, 128], strides = [1, 1]} : vector<128x128xf32> to vector<8x128xf32>
    %slice3A_199 = vector.extract_strided_slice %dot_general3A_191 {offsets = [56, 0], sizes = [8, 128], strides = [1, 1]} : vector<128x128xf32> to vector<8x128xf32>
    %slice3A_200 = vector.extract_strided_slice %dot_general3A_191 {offsets = [64, 0], sizes = [8, 128], strides = [1, 1]} : vector<128x128xf32> to vector<8x128xf32>
    %slice3A_201 = vector.extract_strided_slice %dot_general3A_191 {offsets = [72, 0], sizes = [8, 128], strides = [1, 1]} : vector<128x128xf32> to vector<8x128xf32>
    %slice3A_202 = vector.extract_strided_slice %dot_general3A_191 {offsets = [80, 0], sizes = [8, 128], strides = [1, 1]} : vector<128x128xf32> to vector<8x128xf32>
    %slice3A_203 = vector.extract_strided_slice %dot_general3A_191 {offsets = [88, 0], sizes = [8, 128], strides = [1, 1]} : vector<128x128xf32> to vector<8x128xf32>
    %slice3A_204 = vector.extract_strided_slice %dot_general3A_191 {offsets = [96, 0], sizes = [8, 128], strides = [1, 1]} : vector<128x128xf32> to vector<8x128xf32>
    %slice3A_205 = vector.extract_strided_slice %dot_general3A_191 {offsets = [104, 0], sizes = [8, 128], strides = [1, 1]} : vector<128x128xf32> to vector<8x128xf32>
    %slice3A_206 = vector.extract_strided_slice %dot_general3A_191 {offsets = [112, 0], sizes = [8, 128], strides = [1, 1]} : vector<128x128xf32> to vector<8x128xf32>
    %slice3A_207 = vector.extract_strided_slice %dot_general3A_191 {offsets = [120, 0], sizes = [8, 128], strides = [1, 1]} : vector<128x128xf32> to vector<8x128xf32>
    %concatenate3A_208 = tpu.concatenate %slice3A_192, %slice3A_193, %slice3A_194, %slice3A_195, %slice3A_196, %slice3A_197, %slice3A_198, %slice3A_199, %slice3A_200, %slice3A_201, %slice3A_202, %slice3A_203, %slice3A_204, %slice3A_205, %slice3A_206, %slice3A_207 in 1 : vector<8x128xf32>, vector<8x128xf32>, vector<8x128xf32>, vector<8x128xf32>, vector<8x128xf32>, vector<8x128xf32>, vector<8x128xf32>, vector<8x128xf32>, vector<8x128xf32>, vector<8x128xf32>, vector<8x128xf32>, vector<8x128xf32>, vector<8x128xf32>, vector<8x128xf32>, vector<8x128xf32>, vector<8x128xf32> -> vector<8x2048xf32>
    %slice3A_209 = vector.extract_strided_slice %convert_element_type3A {offsets = [0, 1536], sizes = [16, 256], strides = [1, 1]} : vector<16x12800xbf16> to vector<16x256xbf16>
    %broadcast_in_dim3A_210 = vector.shape_cast %slice3A_209 : vector<16x256xbf16> to vector<16x1x256xbf16>
    %broadcast_in_dim3A_211 = vector.shape_cast %broadcast_in_dim3A_210 : vector<16x1x256xbf16> to vector<16x1x256xbf16>
    %broadcast_in_dim3A_212 = vector.broadcast %broadcast_in_dim3A_211 : vector<16x1x256xbf16> to vector<16x8x256xbf16>
    %reshape3A_213 = vector.shape_cast %broadcast_in_dim3A_212 : vector<16x8x256xbf16> to vector<128x256xbf16>
    %mul3A_214 = arith.mulf %reshape3A_213, %get3A_54 : vector<128x256xbf16>
    %slice3A_215 = vector.extract_strided_slice %convert_element_type3A_51 {offsets = [1536, 0], sizes = [256, 128], strides = [1, 1]} : vector<12800x128xbf16> to vector<256x128xbf16>
    %dot_general3A_216 = arith.constant dense<0.000000e+00> : vector<128x128xf32>
    %dot_general3A_217 = tpu.matmul %mul3A_214, %slice3A_215, %dot_general3A_216 {dimension_numbers = #tpu.dot_dimension_numbers<[1], [0], [0], [1], [0, 0, 1, 1], [], []>, transpose_lhs_hint = false} : vector<128x256xbf16>, vector<256x128xbf16>, vector<128x128xf32> -> vector<128x128xf32>
    %slice3A_218 = vector.extract_strided_slice %dot_general3A_217 {offsets = [0, 0], sizes = [8, 128], strides = [1, 1]} : vector<128x128xf32> to vector<8x128xf32>
    %slice3A_219 = vector.extract_strided_slice %dot_general3A_217 {offsets = [8, 0], sizes = [8, 128], strides = [1, 1]} : vector<128x128xf32> to vector<8x128xf32>
    %slice3A_220 = vector.extract_strided_slice %dot_general3A_217 {offsets = [16, 0], sizes = [8, 128], strides = [1, 1]} : vector<128x128xf32> to vector<8x128xf32>
    %slice3A_221 = vector.extract_strided_slice %dot_general3A_217 {offsets = [24, 0], sizes = [8, 128], strides = [1, 1]} : vector<128x128xf32> to vector<8x128xf32>
    %slice3A_222 = vector.extract_strided_slice %dot_general3A_217 {offsets = [32, 0], sizes = [8, 128], strides = [1, 1]} : vector<128x128xf32> to vector<8x128xf32>
    %slice3A_223 = vector.extract_strided_slice %dot_general3A_217 {offsets = [40, 0], sizes = [8, 128], strides = [1, 1]} : vector<128x128xf32> to vector<8x128xf32>
    %slice3A_224 = vector.extract_strided_slice %dot_general3A_217 {offsets = [48, 0], sizes = [8, 128], strides = [1, 1]} : vector<128x128xf32> to vector<8x128xf32>
    %slice3A_225 = vector.extract_strided_slice %dot_general3A_217 {offsets = [56, 0], sizes = [8, 128], strides = [1, 1]} : vector<128x128xf32> to vector<8x128xf32>
    %slice3A_226 = vector.extract_strided_slice %dot_general3A_217 {offsets = [64, 0], sizes = [8, 128], strides = [1, 1]} : vector<128x128xf32> to vector<8x128xf32>
    %slice3A_227 = vector.extract_strided_slice %dot_general3A_217 {offsets = [72, 0], sizes = [8, 128], strides = [1, 1]} : vector<128x128xf32> to vector<8x128xf32>
    %slice3A_228 = vector.extract_strided_slice %dot_general3A_217 {offsets = [80, 0], sizes = [8, 128], strides = [1, 1]} : vector<128x128xf32> to vector<8x128xf32>
    %slice3A_229 = vector.extract_strided_slice %dot_general3A_217 {offsets = [88, 0], sizes = [8, 128], strides = [1, 1]} : vector<128x128xf32> to vector<8x128xf32>
    %slice3A_230 = vector.extract_strided_slice %dot_general3A_217 {offsets = [96, 0], sizes = [8, 128], strides = [1, 1]} : vector<128x128xf32> to vector<8x128xf32>
    %slice3A_231 = vector.extract_strided_slice %dot_general3A_217 {offsets = [104, 0], sizes = [8, 128], strides = [1, 1]} : vector<128x128xf32> to vector<8x128xf32>
    %slice3A_232 = vector.extract_strided_slice %dot_general3A_217 {offsets = [112, 0], sizes = [8, 128], strides = [1, 1]} : vector<128x128xf32> to vector<8x128xf32>
    %slice3A_233 = vector.extract_strided_slice %dot_general3A_217 {offsets = [120, 0], sizes = [8, 128], strides = [1, 1]} : vector<128x128xf32> to vector<8x128xf32>
    %concatenate3A_234 = tpu.concatenate %slice3A_218, %slice3A_219, %slice3A_220, %slice3A_221, %slice3A_222, %slice3A_223, %slice3A_224, %slice3A_225, %slice3A_226, %slice3A_227, %slice3A_228, %slice3A_229, %slice3A_230, %slice3A_231, %slice3A_232, %slice3A_233 in 1 : vector<8x128xf32>, vector<8x128xf32>, vector<8x128xf32>, vector<8x128xf32>, vector<8x128xf32>, vector<8x128xf32>, vector<8x128xf32>, vector<8x128xf32>, vector<8x128xf32>, vector<8x128xf32>, vector<8x128xf32>, vector<8x128xf32>, vector<8x128xf32>, vector<8x128xf32>, vector<8x128xf32>, vector<8x128xf32> -> vector<8x2048xf32>
    %slice3A_235 = vector.extract_strided_slice %convert_element_type3A {offsets = [0, 1792], sizes = [16, 256], strides = [1, 1]} : vector<16x12800xbf16> to vector<16x256xbf16>
    %broadcast_in_dim3A_236 = vector.shape_cast %slice3A_235 : vector<16x256xbf16> to vector<16x1x256xbf16>
    %broadcast_in_dim3A_237 = vector.shape_cast %broadcast_in_dim3A_236 : vector<16x1x256xbf16> to vector<16x1x256xbf16>
    %broadcast_in_dim3A_238 = vector.broadcast %broadcast_in_dim3A_237 : vector<16x1x256xbf16> to vector<16x8x256xbf16>
    %reshape3A_239 = vector.shape_cast %broadcast_in_dim3A_238 : vector<16x8x256xbf16> to vector<128x256xbf16>
    %mul3A_240 = arith.mulf %reshape3A_239, %get3A_54 : vector<128x256xbf16>
    %slice3A_241 = vector.extract_strided_slice %convert_element_type3A_51 {offsets = [1792, 0], sizes = [256, 128], strides = [1, 1]} : vector<12800x128xbf16> to vector<256x128xbf16>
    %dot_general3A_242 = arith.constant dense<0.000000e+00> : vector<128x128xf32>
    %dot_general3A_243 = tpu.matmul %mul3A_240, %slice3A_241, %dot_general3A_242 {dimension_numbers = #tpu.dot_dimension_numbers<[1], [0], [0], [1], [0, 0, 1, 1], [], []>, transpose_lhs_hint = false} : vector<128x256xbf16>, vector<256x128xbf16>, vector<128x128xf32> -> vector<128x128xf32>
    %slice3A_244 = vector.extract_strided_slice %dot_general3A_243 {offsets = [0, 0], sizes = [8, 128], strides = [1, 1]} : vector<128x128xf32> to vector<8x128xf32>
    %slice3A_245 = vector.extract_strided_slice %dot_general3A_243 {offsets = [8, 0], sizes = [8, 128], strides = [1, 1]} : vector<128x128xf32> to vector<8x128xf32>
    %slice3A_246 = vector.extract_strided_slice %dot_general3A_243 {offsets = [16, 0], sizes = [8, 128], strides = [1, 1]} : vector<128x128xf32> to vector<8x128xf32>
    %slice3A_247 = vector.extract_strided_slice %dot_general3A_243 {offsets = [24, 0], sizes = [8, 128], strides = [1, 1]} : vector<128x128xf32> to vector<8x128xf32>
    %slice3A_248 = vector.extract_strided_slice %dot_general3A_243 {offsets = [32, 0], sizes = [8, 128], strides = [1, 1]} : vector<128x128xf32> to vector<8x128xf32>
    %slice3A_249 = vector.extract_strided_slice %dot_general3A_243 {offsets = [40, 0], sizes = [8, 128], strides = [1, 1]} : vector<128x128xf32> to vector<8x128xf32>
    %slice3A_250 = vector.extract_strided_slice %dot_general3A_243 {offsets = [48, 0], sizes = [8, 128], strides = [1, 1]} : vector<128x128xf32> to vector<8x128xf32>
    %slice3A_251 = vector.extract_strided_slice %dot_general3A_243 {offsets = [56, 0], sizes = [8, 128], strides = [1, 1]} : vector<128x128xf32> to vector<8x128xf32>
    %slice3A_252 = vector.extract_strided_slice %dot_general3A_243 {offsets = [64, 0], sizes = [8, 128], strides = [1, 1]} : vector<128x128xf32> to vector<8x128xf32>
    %slice3A_253 = vector.extract_strided_slice %dot_general3A_243 {offsets = [72, 0], sizes = [8, 128], strides = [1, 1]} : vector<128x128xf32> to vector<8x128xf32>
    %slice3A_254 = vector.extract_strided_slice %dot_general3A_243 {offsets = [80, 0], sizes = [8, 128], strides = [1, 1]} : vector<128x128xf32> to vector<8x128xf32>
    %slice3A_255 = vector.extract_strided_slice %dot_general3A_243 {offsets = [88, 0], sizes = [8, 128], strides = [1, 1]} : vector<128x128xf32> to vector<8x128xf32>
    %slice3A_256 = vector.extract_strided_slice %dot_general3A_243 {offsets = [96, 0], sizes = [8, 128], strides = [1, 1]} : vector<128x128xf32> to vector<8x128xf32>
    %slice3A_257 = vector.extract_strided_slice %dot_general3A_243 {offsets = [104, 0], sizes = [8, 128], strides = [1, 1]} : vector<128x128xf32> to vector<8x128xf32>
    %slice3A_258 = vector.extract_strided_slice %dot_general3A_243 {offsets = [112, 0], sizes = [8, 128], strides = [1, 1]} : vector<128x128xf32> to vector<8x128xf32>
    %slice3A_259 = vector.extract_strided_slice %dot_general3A_243 {offsets = [120, 0], sizes = [8, 128], strides = [1, 1]} : vector<128x128xf32> to vector<8x128xf32>
    %concatenate3A_260 = tpu.concatenate %slice3A_244, %slice3A_245, %slice3A_246, %slice3A_247, %slice3A_248, %slice3A_249, %slice3A_250, %slice3A_251, %slice3A_252, %slice3A_253, %slice3A_254, %slice3A_255, %slice3A_256, %slice3A_257, %slice3A_258, %slice3A_259 in 1 : vector<8x128xf32>, vector<8x128xf32>, vector<8x128xf32>, vector<8x128xf32>, vector<8x128xf32>, vector<8x128xf32>, vector<8x128xf32>, vector<8x128xf32>, vector<8x128xf32>, vector<8x128xf32>, vector<8x128xf32>, vector<8x128xf32>, vector<8x128xf32>, vector<8x128xf32>, vector<8x128xf32>, vector<8x128xf32> -> vector<8x2048xf32>
    %slice3A_261 = vector.extract_strided_slice %convert_element_type3A {offsets = [0, 2048], sizes = [16, 256], strides = [1, 1]} : vector<16x12800xbf16> to vector<16x256xbf16>
    %broadcast_in_dim3A_262 = vector.shape_cast %slice3A_261 : vector<16x256xbf16> to vector<16x1x256xbf16>
    %broadcast_in_dim3A_263 = vector.shape_cast %broadcast_in_dim3A_262 : vector<16x1x256xbf16> to vector<16x1x256xbf16>
    %broadcast_in_dim3A_264 = vector.broadcast %broadcast_in_dim3A_263 : vector<16x1x256xbf16> to vector<16x8x256xbf16>
    %reshape3A_265 = vector.shape_cast %broadcast_in_dim3A_264 : vector<16x8x256xbf16> to vector<128x256xbf16>
    %mul3A_266 = arith.mulf %reshape3A_265, %get3A_54 : vector<128x256xbf16>
    %slice3A_267 = vector.extract_strided_slice %convert_element_type3A_51 {offsets = [2048, 0], sizes = [256, 128], strides = [1, 1]} : vector<12800x128xbf16> to vector<256x128xbf16>
    %dot_general3A_268 = arith.constant dense<0.000000e+00> : vector<128x128xf32>
    %dot_general3A_269 = tpu.matmul %mul3A_266, %slice3A_267, %dot_general3A_268 {dimension_numbers = #tpu.dot_dimension_numbers<[1], [0], [0], [1], [0, 0, 1, 1], [], []>, transpose_lhs_hint = false} : vector<128x256xbf16>, vector<256x128xbf16>, vector<128x128xf32> -> vector<128x128xf32>
    %slice3A_270 = vector.extract_strided_slice %dot_general3A_269 {offsets = [0, 0], sizes = [8, 128], strides = [1, 1]} : vector<128x128xf32> to vector<8x128xf32>
    %slice3A_271 = vector.extract_strided_slice %dot_general3A_269 {offsets = [8, 0], sizes = [8, 128], strides = [1, 1]} : vector<128x128xf32> to vector<8x128xf32>
    %slice3A_272 = vector.extract_strided_slice %dot_general3A_269 {offsets = [16, 0], sizes = [8, 128], strides = [1, 1]} : vector<128x128xf32> to vector<8x128xf32>
    %slice3A_273 = vector.extract_strided_slice %dot_general3A_269 {offsets = [24, 0], sizes = [8, 128], strides = [1, 1]} : vector<128x128xf32> to vector<8x128xf32>
    %slice3A_274 = vector.extract_strided_slice %dot_general3A_269 {offsets = [32, 0], sizes = [8, 128], strides = [1, 1]} : vector<128x128xf32> to vector<8x128xf32>
    %slice3A_275 = vector.extract_strided_slice %dot_general3A_269 {offsets = [40, 0], sizes = [8, 128], strides = [1, 1]} : vector<128x128xf32> to vector<8x128xf32>
    %slice3A_276 = vector.extract_strided_slice %dot_general3A_269 {offsets = [48, 0], sizes = [8, 128], strides = [1, 1]} : vector<128x128xf32> to vector<8x128xf32>
    %slice3A_277 = vector.extract_strided_slice %dot_general3A_269 {offsets = [56, 0], sizes = [8, 128], strides = [1, 1]} : vector<128x128xf32> to vector<8x128xf32>
    %slice3A_278 = vector.extract_strided_slice %dot_general3A_269 {offsets = [64, 0], sizes = [8, 128], strides = [1, 1]} : vector<128x128xf32> to vector<8x128xf32>
    %slice3A_279 = vector.extract_strided_slice %dot_general3A_269 {offsets = [72, 0], sizes = [8, 128], strides = [1, 1]} : vector<128x128xf32> to vector<8x128xf32>
    %slice3A_280 = vector.extract_strided_slice %dot_general3A_269 {offsets = [80, 0], sizes = [8, 128], strides = [1, 1]} : vector<128x128xf32> to vector<8x128xf32>
    %slice3A_281 = vector.extract_strided_slice %dot_general3A_269 {offsets = [88, 0], sizes = [8, 128], strides = [1, 1]} : vector<128x128xf32> to vector<8x128xf32>
    %slice3A_282 = vector.extract_strided_slice %dot_general3A_269 {offsets = [96, 0], sizes = [8, 128], strides = [1, 1]} : vector<128x128xf32> to vector<8x128xf32>
    %slice3A_283 = vector.extract_strided_slice %dot_general3A_269 {offsets = [104, 0], sizes = [8, 128], strides = [1, 1]} : vector<128x128xf32> to vector<8x128xf32>
    %slice3A_284 = vector.extract_strided_slice %dot_general3A_269 {offsets = [112, 0], sizes = [8, 128], strides = [1, 1]} : vector<128x128xf32> to vector<8x128xf32>
    %slice3A_285 = vector.extract_strided_slice %dot_general3A_269 {offsets = [120, 0], sizes = [8, 128], strides = [1, 1]} : vector<128x128xf32> to vector<8x128xf32>
    %concatenate3A_286 = tpu.concatenate %slice3A_270, %slice3A_271, %slice3A_272, %slice3A_273, %slice3A_274, %slice3A_275, %slice3A_276, %slice3A_277, %slice3A_278, %slice3A_279, %slice3A_280, %slice3A_281, %slice3A_282, %slice3A_283, %slice3A_284, %slice3A_285 in 1 : vector<8x128xf32>, vector<8x128xf32>, vector<8x128xf32>, vector<8x128xf32>, vector<8x128xf32>, vector<8x128xf32>, vector<8x128xf32>, vector<8x128xf32>, vector<8x128xf32>, vector<8x128xf32>, vector<8x128xf32>, vector<8x128xf32>, vector<8x128xf32>, vector<8x128xf32>, vector<8x128xf32>, vector<8x128xf32> -> vector<8x2048xf32>
    %slice3A_287 = vector.extract_strided_slice %convert_element_type3A {offsets = [0, 2304], sizes = [16, 256], strides = [1, 1]} : vector<16x12800xbf16> to vector<16x256xbf16>
    %broadcast_in_dim3A_288 = vector.shape_cast %slice3A_287 : vector<16x256xbf16> to vector<16x1x256xbf16>
    %broadcast_in_dim3A_289 = vector.shape_cast %broadcast_in_dim3A_288 : vector<16x1x256xbf16> to vector<16x1x256xbf16>
    %broadcast_in_dim3A_290 = vector.broadcast %broadcast_in_dim3A_289 : vector<16x1x256xbf16> to vector<16x8x256xbf16>
    %reshape3A_291 = vector.shape_cast %broadcast_in_dim3A_290 : vector<16x8x256xbf16> to vector<128x256xbf16>
    %mul3A_292 = arith.mulf %reshape3A_291, %get3A_54 : vector<128x256xbf16>
    %slice3A_293 = vector.extract_strided_slice %convert_element_type3A_51 {offsets = [2304, 0], sizes = [256, 128], strides = [1, 1]} : vector<12800x128xbf16> to vector<256x128xbf16>
    %dot_general3A_294 = arith.constant dense<0.000000e+00> : vector<128x128xf32>
    %dot_general3A_295 = tpu.matmul %mul3A_292, %slice3A_293, %dot_general3A_294 {dimension_numbers = #tpu.dot_dimension_numbers<[1], [0], [0], [1], [0, 0, 1, 1], [], []>, transpose_lhs_hint = false} : vector<128x256xbf16>, vector<256x128xbf16>, vector<128x128xf32> -> vector<128x128xf32>
    %slice3A_296 = vector.extract_strided_slice %dot_general3A_295 {offsets = [0, 0], sizes = [8, 128], strides = [1, 1]} : vector<128x128xf32> to vector<8x128xf32>
    %slice3A_297 = vector.extract_strided_slice %dot_general3A_295 {offsets = [8, 0], sizes = [8, 128], strides = [1, 1]} : vector<128x128xf32> to vector<8x128xf32>
    %slice3A_298 = vector.extract_strided_slice %dot_general3A_295 {offsets = [16, 0], sizes = [8, 128], strides = [1, 1]} : vector<128x128xf32> to vector<8x128xf32>
    %slice3A_299 = vector.extract_strided_slice %dot_general3A_295 {offsets = [24, 0], sizes = [8, 128], strides = [1, 1]} : vector<128x128xf32> to vector<8x128xf32>
    %slice3A_300 = vector.extract_strided_slice %dot_general3A_295 {offsets = [32, 0], sizes = [8, 128], strides = [1, 1]} : vector<128x128xf32> to vector<8x128xf32>
    %slice3A_301 = vector.extract_strided_slice %dot_general3A_295 {offsets = [40, 0], sizes = [8, 128], strides = [1, 1]} : vector<128x128xf32> to vector<8x128xf32>
    %slice3A_302 = vector.extract_strided_slice %dot_general3A_295 {offsets = [48, 0], sizes = [8, 128], strides = [1, 1]} : vector<128x128xf32> to vector<8x128xf32>
    %slice3A_303 = vector.extract_strided_slice %dot_general3A_295 {offsets = [56, 0], sizes = [8, 128], strides = [1, 1]} : vector<128x128xf32> to vector<8x128xf32>
    %slice3A_304 = vector.extract_strided_slice %dot_general3A_295 {offsets = [64, 0], sizes = [8, 128], strides = [1, 1]} : vector<128x128xf32> to vector<8x128xf32>
    %slice3A_305 = vector.extract_strided_slice %dot_general3A_295 {offsets = [72, 0], sizes = [8, 128], strides = [1, 1]} : vector<128x128xf32> to vector<8x128xf32>
    %slice3A_306 = vector.extract_strided_slice %dot_general3A_295 {offsets = [80, 0], sizes = [8, 128], strides = [1, 1]} : vector<128x128xf32> to vector<8x128xf32>
    %slice3A_307 = vector.extract_strided_slice %dot_general3A_295 {offsets = [88, 0], sizes = [8, 128], strides = [1, 1]} : vector<128x128xf32> to vector<8x128xf32>
    %slice3A_308 = vector.extract_strided_slice %dot_general3A_295 {offsets = [96, 0], sizes = [8, 128], strides = [1, 1]} : vector<128x128xf32> to vector<8x128xf32>
    %slice3A_309 = vector.extract_strided_slice %dot_general3A_295 {offsets = [104, 0], sizes = [8, 128], strides = [1, 1]} : vector<128x128xf32> to vector<8x128xf32>
    %slice3A_310 = vector.extract_strided_slice %dot_general3A_295 {offsets = [112, 0], sizes = [8, 128], strides = [1, 1]} : vector<128x128xf32> to vector<8x128xf32>
    %slice3A_311 = vector.extract_strided_slice %dot_general3A_295 {offsets = [120, 0], sizes = [8, 128], strides = [1, 1]} : vector<128x128xf32> to vector<8x128xf32>
    %concatenate3A_312 = tpu.concatenate %slice3A_296, %slice3A_297, %slice3A_298, %slice3A_299, %slice3A_300, %slice3A_301, %slice3A_302, %slice3A_303, %slice3A_304, %slice3A_305, %slice3A_306, %slice3A_307, %slice3A_308, %slice3A_309, %slice3A_310, %slice3A_311 in 1 : vector<8x128xf32>, vector<8x128xf32>, vector<8x128xf32>, vector<8x128xf32>, vector<8x128xf32>, vector<8x128xf32>, vector<8x128xf32>, vector<8x128xf32>, vector<8x128xf32>, vector<8x128xf32>, vector<8x128xf32>, vector<8x128xf32>, vector<8x128xf32>, vector<8x128xf32>, vector<8x128xf32>, vector<8x128xf32> -> vector<8x2048xf32>
    %slice3A_313 = vector.extract_strided_slice %convert_element_type3A {offsets = [0, 2560], sizes = [16, 256], strides = [1, 1]} : vector<16x12800xbf16> to vector<16x256xbf16>
    %broadcast_in_dim3A_314 = vector.shape_cast %slice3A_313 : vector<16x256xbf16> to vector<16x1x256xbf16>
    %broadcast_in_dim3A_315 = vector.shape_cast %broadcast_in_dim3A_314 : vector<16x1x256xbf16> to vector<16x1x256xbf16>
    %broadcast_in_dim3A_316 = vector.broadcast %broadcast_in_dim3A_315 : vector<16x1x256xbf16> to vector<16x8x256xbf16>
    %reshape3A_317 = vector.shape_cast %broadcast_in_dim3A_316 : vector<16x8x256xbf16> to vector<128x256xbf16>
    %mul3A_318 = arith.mulf %reshape3A_317, %get3A_54 : vector<128x256xbf16>
    %slice3A_319 = vector.extract_strided_slice %convert_element_type3A_51 {offsets = [2560, 0], sizes = [256, 128], strides = [1, 1]} : vector<12800x128xbf16> to vector<256x128xbf16>
    %dot_general3A_320 = arith.constant dense<0.000000e+00> : vector<128x128xf32>
    %dot_general3A_321 = tpu.matmul %mul3A_318, %slice3A_319, %dot_general3A_320 {dimension_numbers = #tpu.dot_dimension_numbers<[1], [0], [0], [1], [0, 0, 1, 1], [], []>, transpose_lhs_hint = false} : vector<128x256xbf16>, vector<256x128xbf16>, vector<128x128xf32> -> vector<128x128xf32>
    %slice3A_322 = vector.extract_strided_slice %dot_general3A_321 {offsets = [0, 0], sizes = [8, 128], strides = [1, 1]} : vector<128x128xf32> to vector<8x128xf32>
    %slice3A_323 = vector.extract_strided_slice %dot_general3A_321 {offsets = [8, 0], sizes = [8, 128], strides = [1, 1]} : vector<128x128xf32> to vector<8x128xf32>
    %slice3A_324 = vector.extract_strided_slice %dot_general3A_321 {offsets = [16, 0], sizes = [8, 128], strides = [1, 1]} : vector<128x128xf32> to vector<8x128xf32>
    %slice3A_325 = vector.extract_strided_slice %dot_general3A_321 {offsets = [24, 0], sizes = [8, 128], strides = [1, 1]} : vector<128x128xf32> to vector<8x128xf32>
    %slice3A_326 = vector.extract_strided_slice %dot_general3A_321 {offsets = [32, 0], sizes = [8, 128], strides = [1, 1]} : vector<128x128xf32> to vector<8x128xf32>
    %slice3A_327 = vector.extract_strided_slice %dot_general3A_321 {offsets = [40, 0], sizes = [8, 128], strides = [1, 1]} : vector<128x128xf32> to vector<8x128xf32>
    %slice3A_328 = vector.extract_strided_slice %dot_general3A_321 {offsets = [48, 0], sizes = [8, 128], strides = [1, 1]} : vector<128x128xf32> to vector<8x128xf32>
    %slice3A_329 = vector.extract_strided_slice %dot_general3A_321 {offsets = [56, 0], sizes = [8, 128], strides = [1, 1]} : vector<128x128xf32> to vector<8x128xf32>
    %slice3A_330 = vector.extract_strided_slice %dot_general3A_321 {offsets = [64, 0], sizes = [8, 128], strides = [1, 1]} : vector<128x128xf32> to vector<8x128xf32>
    %slice3A_331 = vector.extract_strided_slice %dot_general3A_321 {offsets = [72, 0], sizes = [8, 128], strides = [1, 1]} : vector<128x128xf32> to vector<8x128xf32>
    %slice3A_332 = vector.extract_strided_slice %dot_general3A_321 {offsets = [80, 0], sizes = [8, 128], strides = [1, 1]} : vector<128x128xf32> to vector<8x128xf32>
    %slice3A_333 = vector.extract_strided_slice %dot_general3A_321 {offsets = [88, 0], sizes = [8, 128], strides = [1, 1]} : vector<128x128xf32> to vector<8x128xf32>
    %slice3A_334 = vector.extract_strided_slice %dot_general3A_321 {offsets = [96, 0], sizes = [8, 128], strides = [1, 1]} : vector<128x128xf32> to vector<8x128xf32>
    %slice3A_335 = vector.extract_strided_slice %dot_general3A_321 {offsets = [104, 0], sizes = [8, 128], strides = [1, 1]} : vector<128x128xf32> to vector<8x128xf32>
    %slice3A_336 = vector.extract_strided_slice %dot_general3A_321 {offsets = [112, 0], sizes = [8, 128], strides = [1, 1]} : vector<128x128xf32> to vector<8x128xf32>
    %slice3A_337 = vector.extract_strided_slice %dot_general3A_321 {offsets = [120, 0], sizes = [8, 128], strides = [1, 1]} : vector<128x128xf32> to vector<8x128xf32>
    %concatenate3A_338 = tpu.concatenate %slice3A_322, %slice3A_323, %slice3A_324, %slice3A_325, %slice3A_326, %slice3A_327, %slice3A_328, %slice3A_329, %slice3A_330, %slice3A_331, %slice3A_332, %slice3A_333, %slice3A_334, %slice3A_335, %slice3A_336, %slice3A_337 in 1 : vector<8x128xf32>, vector<8x128xf32>, vector<8x128xf32>, vector<8x128xf32>, vector<8x128xf32>, vector<8x128xf32>, vector<8x128xf32>, vector<8x128xf32>, vector<8x128xf32>, vector<8x128xf32>, vector<8x128xf32>, vector<8x128xf32>, vector<8x128xf32>, vector<8x128xf32>, vector<8x128xf32>, vector<8x128xf32> -> vector<8x2048xf32>
    %slice3A_339 = vector.extract_strided_slice %convert_element_type3A {offsets = [0, 2816], sizes = [16, 256], strides = [1, 1]} : vector<16x12800xbf16> to vector<16x256xbf16>
    %broadcast_in_dim3A_340 = vector.shape_cast %slice3A_339 : vector<16x256xbf16> to vector<16x1x256xbf16>
    %broadcast_in_dim3A_341 = vector.shape_cast %broadcast_in_dim3A_340 : vector<16x1x256xbf16> to vector<16x1x256xbf16>
    %broadcast_in_dim3A_342 = vector.broadcast %broadcast_in_dim3A_341 : vector<16x1x256xbf16> to vector<16x8x256xbf16>
    %reshape3A_343 = vector.shape_cast %broadcast_in_dim3A_342 : vector<16x8x256xbf16> to vector<128x256xbf16>
    %mul3A_344 = arith.mulf %reshape3A_343, %get3A_54 : vector<128x256xbf16>
    %slice3A_345 = vector.extract_strided_slice %convert_element_type3A_51 {offsets = [2816, 0], sizes = [256, 128], strides = [1, 1]} : vector<12800x128xbf16> to vector<256x128xbf16>
    %dot_general3A_346 = arith.constant dense<0.000000e+00> : vector<128x128xf32>
    %dot_general3A_347 = tpu.matmul %mul3A_344, %slice3A_345, %dot_general3A_346 {dimension_numbers = #tpu.dot_dimension_numbers<[1], [0], [0], [1], [0, 0, 1, 1], [], []>, transpose_lhs_hint = false} : vector<128x256xbf16>, vector<256x128xbf16>, vector<128x128xf32> -> vector<128x128xf32>
    %slice3A_348 = vector.extract_strided_slice %dot_general3A_347 {offsets = [0, 0], sizes = [8, 128], strides = [1, 1]} : vector<128x128xf32> to vector<8x128xf32>
    %slice3A_349 = vector.extract_strided_slice %dot_general3A_347 {offsets = [8, 0], sizes = [8, 128], strides = [1, 1]} : vector<128x128xf32> to vector<8x128xf32>
    %slice3A_350 = vector.extract_strided_slice %dot_general3A_347 {offsets = [16, 0], sizes = [8, 128], strides = [1, 1]} : vector<128x128xf32> to vector<8x128xf32>
    %slice3A_351 = vector.extract_strided_slice %dot_general3A_347 {offsets = [24, 0], sizes = [8, 128], strides = [1, 1]} : vector<128x128xf32> to vector<8x128xf32>
    %slice3A_352 = vector.extract_strided_slice %dot_general3A_347 {offsets = [32, 0], sizes = [8, 128], strides = [1, 1]} : vector<128x128xf32> to vector<8x128xf32>
    %slice3A_353 = vector.extract_strided_slice %dot_general3A_347 {offsets = [40, 0], sizes = [8, 128], strides = [1, 1]} : vector<128x128xf32> to vector<8x128xf32>
    %slice3A_354 = vector.extract_strided_slice %dot_general3A_347 {offsets = [48, 0], sizes = [8, 128], strides = [1, 1]} : vector<128x128xf32> to vector<8x128xf32>
    %slice3A_355 = vector.extract_strided_slice %dot_general3A_347 {offsets = [56, 0], sizes = [8, 128], strides = [1, 1]} : vector<128x128xf32> to vector<8x128xf32>
    %slice3A_356 = vector.extract_strided_slice %dot_general3A_347 {offsets = [64, 0], sizes = [8, 128], strides = [1, 1]} : vector<128x128xf32> to vector<8x128xf32>
    %slice3A_357 = vector.extract_strided_slice %dot_general3A_347 {offsets = [72, 0], sizes = [8, 128], strides = [1, 1]} : vector<128x128xf32> to vector<8x128xf32>
    %slice3A_358 = vector.extract_strided_slice %dot_general3A_347 {offsets = [80, 0], sizes = [8, 128], strides = [1, 1]} : vector<128x128xf32> to vector<8x128xf32>
    %slice3A_359 = vector.extract_strided_slice %dot_general3A_347 {offsets = [88, 0], sizes = [8, 128], strides = [1, 1]} : vector<128x128xf32> to vector<8x128xf32>
    %slice3A_360 = vector.extract_strided_slice %dot_general3A_347 {offsets = [96, 0], sizes = [8, 128], strides = [1, 1]} : vector<128x128xf32> to vector<8x128xf32>
    %slice3A_361 = vector.extract_strided_slice %dot_general3A_347 {offsets = [104, 0], sizes = [8, 128], strides = [1, 1]} : vector<128x128xf32> to vector<8x128xf32>
    %slice3A_362 = vector.extract_strided_slice %dot_general3A_347 {offsets = [112, 0], sizes = [8, 128], strides = [1, 1]} : vector<128x128xf32> to vector<8x128xf32>
    %slice3A_363 = vector.extract_strided_slice %dot_general3A_347 {offsets = [120, 0], sizes = [8, 128], strides = [1, 1]} : vector<128x128xf32> to vector<8x128xf32>
    %concatenate3A_364 = tpu.concatenate %slice3A_348, %slice3A_349, %slice3A_350, %slice3A_351, %slice3A_352, %slice3A_353, %slice3A_354, %slice3A_355, %slice3A_356, %slice3A_357, %slice3A_358, %slice3A_359, %slice3A_360, %slice3A_361, %slice3A_362, %slice3A_363 in 1 : vector<8x128xf32>, vector<8x128xf32>, vector<8x128xf32>, vector<8x128xf32>, vector<8x128xf32>, vector<8x128xf32>, vector<8x128xf32>, vector<8x128xf32>, vector<8x128xf32>, vector<8x128xf32>, vector<8x128xf32>, vector<8x128xf32>, vector<8x128xf32>, vector<8x128xf32>, vector<8x128xf32>, vector<8x128xf32> -> vector<8x2048xf32>
    %slice3A_365 = vector.extract_strided_slice %convert_element_type3A {offsets = [0, 3072], sizes = [16, 256], strides = [1, 1]} : vector<16x12800xbf16> to vector<16x256xbf16>
    %broadcast_in_dim3A_366 = vector.shape_cast %slice3A_365 : vector<16x256xbf16> to vector<16x1x256xbf16>
    %broadcast_in_dim3A_367 = vector.shape_cast %broadcast_in_dim3A_366 : vector<16x1x256xbf16> to vector<16x1x256xbf16>
    %broadcast_in_dim3A_368 = vector.broadcast %broadcast_in_dim3A_367 : vector<16x1x256xbf16> to vector<16x8x256xbf16>
    %reshape3A_369 = vector.shape_cast %broadcast_in_dim3A_368 : vector<16x8x256xbf16> to vector<128x256xbf16>
    %mul3A_370 = arith.mulf %reshape3A_369, %get3A_54 : vector<128x256xbf16>
    %slice3A_371 = vector.extract_strided_slice %convert_element_type3A_51 {offsets = [3072, 0], sizes = [256, 128], strides = [1, 1]} : vector<12800x128xbf16> to vector<256x128xbf16>
    %dot_general3A_372 = arith.constant dense<0.000000e+00> : vector<128x128xf32>
    %dot_general3A_373 = tpu.matmul %mul3A_370, %slice3A_371, %dot_general3A_372 {dimension_numbers = #tpu.dot_dimension_numbers<[1], [0], [0], [1], [0, 0, 1, 1], [], []>, transpose_lhs_hint = false} : vector<128x256xbf16>, vector<256x128xbf16>, vector<128x128xf32> -> vector<128x128xf32>
    %slice3A_374 = vector.extract_strided_slice %dot_general3A_373 {offsets = [0, 0], sizes = [8, 128], strides = [1, 1]} : vector<128x128xf32> to vector<8x128xf32>
    %slice3A_375 = vector.extract_strided_slice %dot_general3A_373 {offsets = [8, 0], sizes = [8, 128], strides = [1, 1]} : vector<128x128xf32> to vector<8x128xf32>
    %slice3A_376 = vector.extract_strided_slice %dot_general3A_373 {offsets = [16, 0], sizes = [8, 128], strides = [1, 1]} : vector<128x128xf32> to vector<8x128xf32>
    %slice3A_377 = vector.extract_strided_slice %dot_general3A_373 {offsets = [24, 0], sizes = [8, 128], strides = [1, 1]} : vector<128x128xf32> to vector<8x128xf32>
    %slice3A_378 = vector.extract_strided_slice %dot_general3A_373 {offsets = [32, 0], sizes = [8, 128], strides = [1, 1]} : vector<128x128xf32> to vector<8x128xf32>
    %slice3A_379 = vector.extract_strided_slice %dot_general3A_373 {offsets = [40, 0], sizes = [8, 128], strides = [1, 1]} : vector<128x128xf32> to vector<8x128xf32>
    %slice3A_380 = vector.extract_strided_slice %dot_general3A_373 {offsets = [48, 0], sizes = [8, 128], strides = [1, 1]} : vector<128x128xf32> to vector<8x128xf32>
    %slice3A_381 = vector.extract_strided_slice %dot_general3A_373 {offsets = [56, 0], sizes = [8, 128], strides = [1, 1]} : vector<128x128xf32> to vector<8x128xf32>
    %slice3A_382 = vector.extract_strided_slice %dot_general3A_373 {offsets = [64, 0], sizes = [8, 128], strides = [1, 1]} : vector<128x128xf32> to vector<8x128xf32>
    %slice3A_383 = vector.extract_strided_slice %dot_general3A_373 {offsets = [72, 0], sizes = [8, 128], strides = [1, 1]} : vector<128x128xf32> to vector<8x128xf32>
    %slice3A_384 = vector.extract_strided_slice %dot_general3A_373 {offsets = [80, 0], sizes = [8, 128], strides = [1, 1]} : vector<128x128xf32> to vector<8x128xf32>
    %slice3A_385 = vector.extract_strided_slice %dot_general3A_373 {offsets = [88, 0], sizes = [8, 128], strides = [1, 1]} : vector<128x128xf32> to vector<8x128xf32>
    %slice3A_386 = vector.extract_strided_slice %dot_general3A_373 {offsets = [96, 0], sizes = [8, 128], strides = [1, 1]} : vector<128x128xf32> to vector<8x128xf32>
    %slice3A_387 = vector.extract_strided_slice %dot_general3A_373 {offsets = [104, 0], sizes = [8, 128], strides = [1, 1]} : vector<128x128xf32> to vector<8x128xf32>
    %slice3A_388 = vector.extract_strided_slice %dot_general3A_373 {offsets = [112, 0], sizes = [8, 128], strides = [1, 1]} : vector<128x128xf32> to vector<8x128xf32>
    %slice3A_389 = vector.extract_strided_slice %dot_general3A_373 {offsets = [120, 0], sizes = [8, 128], strides = [1, 1]} : vector<128x128xf32> to vector<8x128xf32>
    %concatenate3A_390 = tpu.concatenate %slice3A_374, %slice3A_375, %slice3A_376, %slice3A_377, %slice3A_378, %slice3A_379, %slice3A_380, %slice3A_381, %slice3A_382, %slice3A_383, %slice3A_384, %slice3A_385, %slice3A_386, %slice3A_387, %slice3A_388, %slice3A_389 in 1 : vector<8x128xf32>, vector<8x128xf32>, vector<8x128xf32>, vector<8x128xf32>, vector<8x128xf32>, vector<8x128xf32>, vector<8x128xf32>, vector<8x128xf32>, vector<8x128xf32>, vector<8x128xf32>, vector<8x128xf32>, vector<8x128xf32>, vector<8x128xf32>, vector<8x128xf32>, vector<8x128xf32>, vector<8x128xf32> -> vector<8x2048xf32>
    %slice3A_391 = vector.extract_strided_slice %convert_element_type3A {offsets = [0, 3328], sizes = [16, 256], strides = [1, 1]} : vector<16x12800xbf16> to vector<16x256xbf16>
    %broadcast_in_dim3A_392 = vector.shape_cast %slice3A_391 : vector<16x256xbf16> to vector<16x1x256xbf16>
    %broadcast_in_dim3A_393 = vector.shape_cast %broadcast_in_dim3A_392 : vector<16x1x256xbf16> to vector<16x1x256xbf16>
    %broadcast_in_dim3A_394 = vector.broadcast %broadcast_in_dim3A_393 : vector<16x1x256xbf16> to vector<16x8x256xbf16>
    %reshape3A_395 = vector.shape_cast %broadcast_in_dim3A_394 : vector<16x8x256xbf16> to vector<128x256xbf16>
    %mul3A_396 = arith.mulf %reshape3A_395, %get3A_54 : vector<128x256xbf16>
    %slice3A_397 = vector.extract_strided_slice %convert_element_type3A_51 {offsets = [3328, 0], sizes = [256, 128], strides = [1, 1]} : vector<12800x128xbf16> to vector<256x128xbf16>
    %dot_general3A_398 = arith.constant dense<0.000000e+00> : vector<128x128xf32>
    %dot_general3A_399 = tpu.matmul %mul3A_396, %slice3A_397, %dot_general3A_398 {dimension_numbers = #tpu.dot_dimension_numbers<[1], [0], [0], [1], [0, 0, 1, 1], [], []>, transpose_lhs_hint = false} : vector<128x256xbf16>, vector<256x128xbf16>, vector<128x128xf32> -> vector<128x128xf32>
    %slice3A_400 = vector.extract_strided_slice %dot_general3A_399 {offsets = [0, 0], sizes = [8, 128], strides = [1, 1]} : vector<128x128xf32> to vector<8x128xf32>
    %slice3A_401 = vector.extract_strided_slice %dot_general3A_399 {offsets = [8, 0], sizes = [8, 128], strides = [1, 1]} : vector<128x128xf32> to vector<8x128xf32>
    %slice3A_402 = vector.extract_strided_slice %dot_general3A_399 {offsets = [16, 0], sizes = [8, 128], strides = [1, 1]} : vector<128x128xf32> to vector<8x128xf32>
    %slice3A_403 = vector.extract_strided_slice %dot_general3A_399 {offsets = [24, 0], sizes = [8, 128], strides = [1, 1]} : vector<128x128xf32> to vector<8x128xf32>
    %slice3A_404 = vector.extract_strided_slice %dot_general3A_399 {offsets = [32, 0], sizes = [8, 128], strides = [1, 1]} : vector<128x128xf32> to vector<8x128xf32>
    %slice3A_405 = vector.extract_strided_slice %dot_general3A_399 {offsets = [40, 0], sizes = [8, 128], strides = [1, 1]} : vector<128x128xf32> to vector<8x128xf32>
    %slice3A_406 = vector.extract_strided_slice %dot_general3A_399 {offsets = [48, 0], sizes = [8, 128], strides = [1, 1]} : vector<128x128xf32> to vector<8x128xf32>
    %slice3A_407 = vector.extract_strided_slice %dot_general3A_399 {offsets = [56, 0], sizes = [8, 128], strides = [1, 1]} : vector<128x128xf32> to vector<8x128xf32>
    %slice3A_408 = vector.extract_strided_slice %dot_general3A_399 {offsets = [64, 0], sizes = [8, 128], strides = [1, 1]} : vector<128x128xf32> to vector<8x128xf32>
    %slice3A_409 = vector.extract_strided_slice %dot_general3A_399 {offsets = [72, 0], sizes = [8, 128], strides = [1, 1]} : vector<128x128xf32> to vector<8x128xf32>
    %slice3A_410 = vector.extract_strided_slice %dot_general3A_399 {offsets = [80, 0], sizes = [8, 128], strides = [1, 1]} : vector<128x128xf32> to vector<8x128xf32>
    %slice3A_411 = vector.extract_strided_slice %dot_general3A_399 {offsets = [88, 0], sizes = [8, 128], strides = [1, 1]} : vector<128x128xf32> to vector<8x128xf32>
    %slice3A_412 = vector.extract_strided_slice %dot_general3A_399 {offsets = [96, 0], sizes = [8, 128], strides = [1, 1]} : vector<128x128xf32> to vector<8x128xf32>
    %slice3A_413 = vector.extract_strided_slice %dot_general3A_399 {offsets = [104, 0], sizes = [8, 128], strides = [1, 1]} : vector<128x128xf32> to vector<8x128xf32>
    %slice3A_414 = vector.extract_strided_slice %dot_general3A_399 {offsets = [112, 0], sizes = [8, 128], strides = [1, 1]} : vector<128x128xf32> to vector<8x128xf32>
    %slice3A_415 = vector.extract_strided_slice %dot_general3A_399 {offsets = [120, 0], sizes = [8, 128], strides = [1, 1]} : vector<128x128xf32> to vector<8x128xf32>
    %concatenate3A_416 = tpu.concatenate %slice3A_400, %slice3A_401, %slice3A_402, %slice3A_403, %slice3A_404, %slice3A_405, %slice3A_406, %slice3A_407, %slice3A_408, %slice3A_409, %slice3A_410, %slice3A_411, %slice3A_412, %slice3A_413, %slice3A_414, %slice3A_415 in 1 : vector<8x128xf32>, vector<8x128xf32>, vector<8x128xf32>, vector<8x128xf32>, vector<8x128xf32>, vector<8x128xf32>, vector<8x128xf32>, vector<8x128xf32>, vector<8x128xf32>, vector<8x128xf32>, vector<8x128xf32>, vector<8x128xf32>, vector<8x128xf32>, vector<8x128xf32>, vector<8x128xf32>, vector<8x128xf32> -> vector<8x2048xf32>
    %slice3A_417 = vector.extract_strided_slice %convert_element_type3A {offsets = [0, 3584], sizes = [16, 256], strides = [1, 1]} : vector<16x12800xbf16> to vector<16x256xbf16>
    %broadcast_in_dim3A_418 = vector.shape_cast %slice3A_417 : vector<16x256xbf16> to vector<16x1x256xbf16>
    %broadcast_in_dim3A_419 = vector.shape_cast %broadcast_in_dim3A_418 : vector<16x1x256xbf16> to vector<16x1x256xbf16>
    %broadcast_in_dim3A_420 = vector.broadcast %broadcast_in_dim3A_419 : vector<16x1x256xbf16> to vector<16x8x256xbf16>
    %reshape3A_421 = vector.shape_cast %broadcast_in_dim3A_420 : vector<16x8x256xbf16> to vector<128x256xbf16>
    %mul3A_422 = arith.mulf %reshape3A_421, %get3A_54 : vector<128x256xbf16>
    %slice3A_423 = vector.extract_strided_slice %convert_element_type3A_51 {offsets = [3584, 0], sizes = [256, 128], strides = [1, 1]} : vector<12800x128xbf16> to vector<256x128xbf16>
    %dot_general3A_424 = arith.constant dense<0.000000e+00> : vector<128x128xf32>
    %dot_general3A_425 = tpu.matmul %mul3A_422, %slice3A_423, %dot_general3A_424 {dimension_numbers = #tpu.dot_dimension_numbers<[1], [0], [0], [1], [0, 0, 1, 1], [], []>, transpose_lhs_hint = false} : vector<128x256xbf16>, vector<256x128xbf16>, vector<128x128xf32> -> vector<128x128xf32>
    %slice3A_426 = vector.extract_strided_slice %dot_general3A_425 {offsets = [0, 0], sizes = [8, 128], strides = [1, 1]} : vector<128x128xf32> to vector<8x128xf32>
    %slice3A_427 = vector.extract_strided_slice %dot_general3A_425 {offsets = [8, 0], sizes = [8, 128], strides = [1, 1]} : vector<128x128xf32> to vector<8x128xf32>
    %slice3A_428 = vector.extract_strided_slice %dot_general3A_425 {offsets = [16, 0], sizes = [8, 128], strides = [1, 1]} : vector<128x128xf32> to vector<8x128xf32>
    %slice3A_429 = vector.extract_strided_slice %dot_general3A_425 {offsets = [24, 0], sizes = [8, 128], strides = [1, 1]} : vector<128x128xf32> to vector<8x128xf32>
    %slice3A_430 = vector.extract_strided_slice %dot_general3A_425 {offsets = [32, 0], sizes = [8, 128], strides = [1, 1]} : vector<128x128xf32> to vector<8x128xf32>
    %slice3A_431 = vector.extract_strided_slice %dot_general3A_425 {offsets = [40, 0], sizes = [8, 128], strides = [1, 1]} : vector<128x128xf32> to vector<8x128xf32>
    %slice3A_432 = vector.extract_strided_slice %dot_general3A_425 {offsets = [48, 0], sizes = [8, 128], strides = [1, 1]} : vector<128x128xf32> to vector<8x128xf32>
    %slice3A_433 = vector.extract_strided_slice %dot_general3A_425 {offsets = [56, 0], sizes = [8, 128], strides = [1, 1]} : vector<128x128xf32> to vector<8x128xf32>
    %slice3A_434 = vector.extract_strided_slice %dot_general3A_425 {offsets = [64, 0], sizes = [8, 128], strides = [1, 1]} : vector<128x128xf32> to vector<8x128xf32>
    %slice3A_435 = vector.extract_strided_slice %dot_general3A_425 {offsets = [72, 0], sizes = [8, 128], strides = [1, 1]} : vector<128x128xf32> to vector<8x128xf32>
    %slice3A_436 = vector.extract_strided_slice %dot_general3A_425 {offsets = [80, 0], sizes = [8, 128], strides = [1, 1]} : vector<128x128xf32> to vector<8x128xf32>
    %slice3A_437 = vector.extract_strided_slice %dot_general3A_425 {offsets = [88, 0], sizes = [8, 128], strides = [1, 1]} : vector<128x128xf32> to vector<8x128xf32>
    %slice3A_438 = vector.extract_strided_slice %dot_general3A_425 {offsets = [96, 0], sizes = [8, 128], strides = [1, 1]} : vector<128x128xf32> to vector<8x128xf32>
    %slice3A_439 = vector.extract_strided_slice %dot_general3A_425 {offsets = [104, 0], sizes = [8, 128], strides = [1, 1]} : vector<128x128xf32> to vector<8x128xf32>
    %slice3A_440 = vector.extract_strided_slice %dot_general3A_425 {offsets = [112, 0], sizes = [8, 128], strides = [1, 1]} : vector<128x128xf32> to vector<8x128xf32>
    %slice3A_441 = vector.extract_strided_slice %dot_general3A_425 {offsets = [120, 0], sizes = [8, 128], strides = [1, 1]} : vector<128x128xf32> to vector<8x128xf32>
    %concatenate3A_442 = tpu.concatenate %slice3A_426, %slice3A_427, %slice3A_428, %slice3A_429, %slice3A_430, %slice3A_431, %slice3A_432, %slice3A_433, %slice3A_434, %slice3A_435, %slice3A_436, %slice3A_437, %slice3A_438, %slice3A_439, %slice3A_440, %slice3A_441 in 1 : vector<8x128xf32>, vector<8x128xf32>, vector<8x128xf32>, vector<8x128xf32>, vector<8x128xf32>, vector<8x128xf32>, vector<8x128xf32>, vector<8x128xf32>, vector<8x128xf32>, vector<8x128xf32>, vector<8x128xf32>, vector<8x128xf32>, vector<8x128xf32>, vector<8x128xf32>, vector<8x128xf32>, vector<8x128xf32> -> vector<8x2048xf32>
    %slice3A_443 = vector.extract_strided_slice %convert_element_type3A {offsets = [0, 3840], sizes = [16, 256], strides = [1, 1]} : vector<16x12800xbf16> to vector<16x256xbf16>
    %broadcast_in_dim3A_444 = vector.shape_cast %slice3A_443 : vector<16x256xbf16> to vector<16x1x256xbf16>
    %broadcast_in_dim3A_445 = vector.shape_cast %broadcast_in_dim3A_444 : vector<16x1x256xbf16> to vector<16x1x256xbf16>
    %broadcast_in_dim3A_446 = vector.broadcast %broadcast_in_dim3A_445 : vector<16x1x256xbf16> to vector<16x8x256xbf16>
    %reshape3A_447 = vector.shape_cast %broadcast_in_dim3A_446 : vector<16x8x256xbf16> to vector<128x256xbf16>
    %mul3A_448 = arith.mulf %reshape3A_447, %get3A_54 : vector<128x256xbf16>
    %slice3A_449 = vector.extract_strided_slice %convert_element_type3A_51 {offsets = [3840, 0], sizes = [256, 128], strides = [1, 1]} : vector<12800x128xbf16> to vector<256x128xbf16>
    %dot_general3A_450 = arith.constant dense<0.000000e+00> : vector<128x128xf32>
    %dot_general3A_451 = tpu.matmul %mul3A_448, %slice3A_449, %dot_general3A_450 {dimension_numbers = #tpu.dot_dimension_numbers<[1], [0], [0], [1], [0, 0, 1, 1], [], []>, transpose_lhs_hint = false} : vector<128x256xbf16>, vector<256x128xbf16>, vector<128x128xf32> -> vector<128x128xf32>
    %slice3A_452 = vector.extract_strided_slice %dot_general3A_451 {offsets = [0, 0], sizes = [8, 128], strides = [1, 1]} : vector<128x128xf32> to vector<8x128xf32>
    %slice3A_453 = vector.extract_strided_slice %dot_general3A_451 {offsets = [8, 0], sizes = [8, 128], strides = [1, 1]} : vector<128x128xf32> to vector<8x128xf32>
    %slice3A_454 = vector.extract_strided_slice %dot_general3A_451 {offsets = [16, 0], sizes = [8, 128], strides = [1, 1]} : vector<128x128xf32> to vector<8x128xf32>
    %slice3A_455 = vector.extract_strided_slice %dot_general3A_451 {offsets = [24, 0], sizes = [8, 128], strides = [1, 1]} : vector<128x128xf32> to vector<8x128xf32>
    %slice3A_456 = vector.extract_strided_slice %dot_general3A_451 {offsets = [32, 0], sizes = [8, 128], strides = [1, 1]} : vector<128x128xf32> to vector<8x128xf32>
    %slice3A_457 = vector.extract_strided_slice %dot_general3A_451 {offsets = [40, 0], sizes = [8, 128], strides = [1, 1]} : vector<128x128xf32> to vector<8x128xf32>
    %slice3A_458 = vector.extract_strided_slice %dot_general3A_451 {offsets = [48, 0], sizes = [8, 128], strides = [1, 1]} : vector<128x128xf32> to vector<8x128xf32>
    %slice3A_459 = vector.extract_strided_slice %dot_general3A_451 {offsets = [56, 0], sizes = [8, 128], strides = [1, 1]} : vector<128x128xf32> to vector<8x128xf32>
    %slice3A_460 = vector.extract_strided_slice %dot_general3A_451 {offsets = [64, 0], sizes = [8, 128], strides = [1, 1]} : vector<128x128xf32> to vector<8x128xf32>
    %slice3A_461 = vector.extract_strided_slice %dot_general3A_451 {offsets = [72, 0], sizes = [8, 128], strides = [1, 1]} : vector<128x128xf32> to vector<8x128xf32>
    %slice3A_462 = vector.extract_strided_slice %dot_general3A_451 {offsets = [80, 0], sizes = [8, 128], strides = [1, 1]} : vector<128x128xf32> to vector<8x128xf32>
    %slice3A_463 = vector.extract_strided_slice %dot_general3A_451 {offsets = [88, 0], sizes = [8, 128], strides = [1, 1]} : vector<128x128xf32> to vector<8x128xf32>
    %slice3A_464 = vector.extract_strided_slice %dot_general3A_451 {offsets = [96, 0], sizes = [8, 128], strides = [1, 1]} : vector<128x128xf32> to vector<8x128xf32>
    %slice3A_465 = vector.extract_strided_slice %dot_general3A_451 {offsets = [104, 0], sizes = [8, 128], strides = [1, 1]} : vector<128x128xf32> to vector<8x128xf32>
    %slice3A_466 = vector.extract_strided_slice %dot_general3A_451 {offsets = [112, 0], sizes = [8, 128], strides = [1, 1]} : vector<128x128xf32> to vector<8x128xf32>
    %slice3A_467 = vector.extract_strided_slice %dot_general3A_451 {offsets = [120, 0], sizes = [8, 128], strides = [1, 1]} : vector<128x128xf32> to vector<8x128xf32>
    %concatenate3A_468 = tpu.concatenate %slice3A_452, %slice3A_453, %slice3A_454, %slice3A_455, %slice3A_456, %slice3A_457, %slice3A_458, %slice3A_459, %slice3A_460, %slice3A_461, %slice3A_462, %slice3A_463, %slice3A_464, %slice3A_465, %slice3A_466, %slice3A_467 in 1 : vector<8x128xf32>, vector<8x128xf32>, vector<8x128xf32>, vector<8x128xf32>, vector<8x128xf32>, vector<8x128xf32>, vector<8x128xf32>, vector<8x128xf32>, vector<8x128xf32>, vector<8x128xf32>, vector<8x128xf32>, vector<8x128xf32>, vector<8x128xf32>, vector<8x128xf32>, vector<8x128xf32>, vector<8x128xf32> -> vector<8x2048xf32>
    %slice3A_469 = vector.extract_strided_slice %convert_element_type3A {offsets = [0, 4096], sizes = [16, 256], strides = [1, 1]} : vector<16x12800xbf16> to vector<16x256xbf16>
    %broadcast_in_dim3A_470 = vector.shape_cast %slice3A_469 : vector<16x256xbf16> to vector<16x1x256xbf16>
    %broadcast_in_dim3A_471 = vector.shape_cast %broadcast_in_dim3A_470 : vector<16x1x256xbf16> to vector<16x1x256xbf16>
    %broadcast_in_dim3A_472 = vector.broadcast %broadcast_in_dim3A_471 : vector<16x1x256xbf16> to vector<16x8x256xbf16>
    %reshape3A_473 = vector.shape_cast %broadcast_in_dim3A_472 : vector<16x8x256xbf16> to vector<128x256xbf16>
    %mul3A_474 = arith.mulf %reshape3A_473, %get3A_54 : vector<128x256xbf16>
    %slice3A_475 = vector.extract_strided_slice %convert_element_type3A_51 {offsets = [4096, 0], sizes = [256, 128], strides = [1, 1]} : vector<12800x128xbf16> to vector<256x128xbf16>
    %dot_general3A_476 = arith.constant dense<0.000000e+00> : vector<128x128xf32>
    %dot_general3A_477 = tpu.matmul %mul3A_474, %slice3A_475, %dot_general3A_476 {dimension_numbers = #tpu.dot_dimension_numbers<[1], [0], [0], [1], [0, 0, 1, 1], [], []>, transpose_lhs_hint = false} : vector<128x256xbf16>, vector<256x128xbf16>, vector<128x128xf32> -> vector<128x128xf32>
    %slice3A_478 = vector.extract_strided_slice %dot_general3A_477 {offsets = [0, 0], sizes = [8, 128], strides = [1, 1]} : vector<128x128xf32> to vector<8x128xf32>
    %slice3A_479 = vector.extract_strided_slice %dot_general3A_477 {offsets = [8, 0], sizes = [8, 128], strides = [1, 1]} : vector<128x128xf32> to vector<8x128xf32>
    %slice3A_480 = vector.extract_strided_slice %dot_general3A_477 {offsets = [16, 0], sizes = [8, 128], strides = [1, 1]} : vector<128x128xf32> to vector<8x128xf32>
    %slice3A_481 = vector.extract_strided_slice %dot_general3A_477 {offsets = [24, 0], sizes = [8, 128], strides = [1, 1]} : vector<128x128xf32> to vector<8x128xf32>
    %slice3A_482 = vector.extract_strided_slice %dot_general3A_477 {offsets = [32, 0], sizes = [8, 128], strides = [1, 1]} : vector<128x128xf32> to vector<8x128xf32>
    %slice3A_483 = vector.extract_strided_slice %dot_general3A_477 {offsets = [40, 0], sizes = [8, 128], strides = [1, 1]} : vector<128x128xf32> to vector<8x128xf32>
    %slice3A_484 = vector.extract_strided_slice %dot_general3A_477 {offsets = [48, 0], sizes = [8, 128], strides = [1, 1]} : vector<128x128xf32> to vector<8x128xf32>
    %slice3A_485 = vector.extract_strided_slice %dot_general3A_477 {offsets = [56, 0], sizes = [8, 128], strides = [1, 1]} : vector<128x128xf32> to vector<8x128xf32>
    %slice3A_486 = vector.extract_strided_slice %dot_general3A_477 {offsets = [64, 0], sizes = [8, 128], strides = [1, 1]} : vector<128x128xf32> to vector<8x128xf32>
    %slice3A_487 = vector.extract_strided_slice %dot_general3A_477 {offsets = [72, 0], sizes = [8, 128], strides = [1, 1]} : vector<128x128xf32> to vector<8x128xf32>
    %slice3A_488 = vector.extract_strided_slice %dot_general3A_477 {offsets = [80, 0], sizes = [8, 128], strides = [1, 1]} : vector<128x128xf32> to vector<8x128xf32>
    %slice3A_489 = vector.extract_strided_slice %dot_general3A_477 {offsets = [88, 0], sizes = [8, 128], strides = [1, 1]} : vector<128x128xf32> to vector<8x128xf32>
    %slice3A_490 = vector.extract_strided_slice %dot_general3A_477 {offsets = [96, 0], sizes = [8, 128], strides = [1, 1]} : vector<128x128xf32> to vector<8x128xf32>
    %slice3A_491 = vector.extract_strided_slice %dot_general3A_477 {offsets = [104, 0], sizes = [8, 128], strides = [1, 1]} : vector<128x128xf32> to vector<8x128xf32>
    %slice3A_492 = vector.extract_strided_slice %dot_general3A_477 {offsets = [112, 0], sizes = [8, 128], strides = [1, 1]} : vector<128x128xf32> to vector<8x128xf32>
    %slice3A_493 = vector.extract_strided_slice %dot_general3A_477 {offsets = [120, 0], sizes = [8, 128], strides = [1, 1]} : vector<128x128xf32> to vector<8x128xf32>
    %concatenate3A_494 = tpu.concatenate %slice3A_478, %slice3A_479, %slice3A_480, %slice3A_481, %slice3A_482, %slice3A_483, %slice3A_484, %slice3A_485, %slice3A_486, %slice3A_487, %slice3A_488, %slice3A_489, %slice3A_490, %slice3A_491, %slice3A_492, %slice3A_493 in 1 : vector<8x128xf32>, vector<8x128xf32>, vector<8x128xf32>, vector<8x128xf32>, vector<8x128xf32>, vector<8x128xf32>, vector<8x128xf32>, vector<8x128xf32>, vector<8x128xf32>, vector<8x128xf32>, vector<8x128xf32>, vector<8x128xf32>, vector<8x128xf32>, vector<8x128xf32>, vector<8x128xf32>, vector<8x128xf32> -> vector<8x2048xf32>
    %slice3A_495 = vector.extract_strided_slice %convert_element_type3A {offsets = [0, 4352], sizes = [16, 256], strides = [1, 1]} : vector<16x12800xbf16> to vector<16x256xbf16>
    %broadcast_in_dim3A_496 = vector.shape_cast %slice3A_495 : vector<16x256xbf16> to vector<16x1x256xbf16>
    %broadcast_in_dim3A_497 = vector.shape_cast %broadcast_in_dim3A_496 : vector<16x1x256xbf16> to vector<16x1x256xbf16>
    %broadcast_in_dim3A_498 = vector.broadcast %broadcast_in_dim3A_497 : vector<16x1x256xbf16> to vector<16x8x256xbf16>
    %reshape3A_499 = vector.shape_cast %broadcast_in_dim3A_498 : vector<16x8x256xbf16> to vector<128x256xbf16>
    %mul3A_500 = arith.mulf %reshape3A_499, %get3A_54 : vector<128x256xbf16>
    %slice3A_501 = vector.extract_strided_slice %convert_element_type3A_51 {offsets = [4352, 0], sizes = [256, 128], strides = [1, 1]} : vector<12800x128xbf16> to vector<256x128xbf16>
    %dot_general3A_502 = arith.constant dense<0.000000e+00> : vector<128x128xf32>
    %dot_general3A_503 = tpu.matmul %mul3A_500, %slice3A_501, %dot_general3A_502 {dimension_numbers = #tpu.dot_dimension_numbers<[1], [0], [0], [1], [0, 0, 1, 1], [], []>, transpose_lhs_hint = false} : vector<128x256xbf16>, vector<256x128xbf16>, vector<128x128xf32> -> vector<128x128xf32>
    %slice3A_504 = vector.extract_strided_slice %dot_general3A_503 {offsets = [0, 0], sizes = [8, 128], strides = [1, 1]} : vector<128x128xf32> to vector<8x128xf32>
    %slice3A_505 = vector.extract_strided_slice %dot_general3A_503 {offsets = [8, 0], sizes = [8, 128], strides = [1, 1]} : vector<128x128xf32> to vector<8x128xf32>
    %slice3A_506 = vector.extract_strided_slice %dot_general3A_503 {offsets = [16, 0], sizes = [8, 128], strides = [1, 1]} : vector<128x128xf32> to vector<8x128xf32>
    %slice3A_507 = vector.extract_strided_slice %dot_general3A_503 {offsets = [24, 0], sizes = [8, 128], strides = [1, 1]} : vector<128x128xf32> to vector<8x128xf32>
    %slice3A_508 = vector.extract_strided_slice %dot_general3A_503 {offsets = [32, 0], sizes = [8, 128], strides = [1, 1]} : vector<128x128xf32> to vector<8x128xf32>
    %slice3A_509 = vector.extract_strided_slice %dot_general3A_503 {offsets = [40, 0], sizes = [8, 128], strides = [1, 1]} : vector<128x128xf32> to vector<8x128xf32>
    %slice3A_510 = vector.extract_strided_slice %dot_general3A_503 {offsets = [48, 0], sizes = [8, 128], strides = [1, 1]} : vector<128x128xf32> to vector<8x128xf32>
    %slice3A_511 = vector.extract_strided_slice %dot_general3A_503 {offsets = [56, 0], sizes = [8, 128], strides = [1, 1]} : vector<128x128xf32> to vector<8x128xf32>
    %slice3A_512 = vector.extract_strided_slice %dot_general3A_503 {offsets = [64, 0], sizes = [8, 128], strides = [1, 1]} : vector<128x128xf32> to vector<8x128xf32>
    %slice3A_513 = vector.extract_strided_slice %dot_general3A_503 {offsets = [72, 0], sizes = [8, 128], strides = [1, 1]} : vector<128x128xf32> to vector<8x128xf32>
    %slice3A_514 = vector.extract_strided_slice %dot_general3A_503 {offsets = [80, 0], sizes = [8, 128], strides = [1, 1]} : vector<128x128xf32> to vector<8x128xf32>
    %slice3A_515 = vector.extract_strided_slice %dot_general3A_503 {offsets = [88, 0], sizes = [8, 128], strides = [1, 1]} : vector<128x128xf32> to vector<8x128xf32>
    %slice3A_516 = vector.extract_strided_slice %dot_general3A_503 {offsets = [96, 0], sizes = [8, 128], strides = [1, 1]} : vector<128x128xf32> to vector<8x128xf32>
    %slice3A_517 = vector.extract_strided_slice %dot_general3A_503 {offsets = [104, 0], sizes = [8, 128], strides = [1, 1]} : vector<128x128xf32> to vector<8x128xf32>
    %slice3A_518 = vector.extract_strided_slice %dot_general3A_503 {offsets = [112, 0], sizes = [8, 128], strides = [1, 1]} : vector<128x128xf32> to vector<8x128xf32>
    %slice3A_519 = vector.extract_strided_slice %dot_general3A_503 {offsets = [120, 0], sizes = [8, 128], strides = [1, 1]} : vector<128x128xf32> to vector<8x128xf32>
    %concatenate3A_520 = tpu.concatenate %slice3A_504, %slice3A_505, %slice3A_506, %slice3A_507, %slice3A_508, %slice3A_509, %slice3A_510, %slice3A_511, %slice3A_512, %slice3A_513, %slice3A_514, %slice3A_515, %slice3A_516, %slice3A_517, %slice3A_518, %slice3A_519 in 1 : vector<8x128xf32>, vector<8x128xf32>, vector<8x128xf32>, vector<8x128xf32>, vector<8x128xf32>, vector<8x128xf32>, vector<8x128xf32>, vector<8x128xf32>, vector<8x128xf32>, vector<8x128xf32>, vector<8x128xf32>, vector<8x128xf32>, vector<8x128xf32>, vector<8x128xf32>, vector<8x128xf32>, vector<8x128xf32> -> vector<8x2048xf32>
    %slice3A_521 = vector.extract_strided_slice %convert_element_type3A {offsets = [0, 4608], sizes = [16, 256], strides = [1, 1]} : vector<16x12800xbf16> to vector<16x256xbf16>
    %broadcast_in_dim3A_522 = vector.shape_cast %slice3A_521 : vector<16x256xbf16> to vector<16x1x256xbf16>
    %broadcast_in_dim3A_523 = vector.shape_cast %broadcast_in_dim3A_522 : vector<16x1x256xbf16> to vector<16x1x256xbf16>
    %broadcast_in_dim3A_524 = vector.broadcast %broadcast_in_dim3A_523 : vector<16x1x256xbf16> to vector<16x8x256xbf16>
    %reshape3A_525 = vector.shape_cast %broadcast_in_dim3A_524 : vector<16x8x256xbf16> to vector<128x256xbf16>
    %mul3A_526 = arith.mulf %reshape3A_525, %get3A_54 : vector<128x256xbf16>
    %slice3A_527 = vector.extract_strided_slice %convert_element_type3A_51 {offsets = [4608, 0], sizes = [256, 128], strides = [1, 1]} : vector<12800x128xbf16> to vector<256x128xbf16>
    %dot_general3A_528 = arith.constant dense<0.000000e+00> : vector<128x128xf32>
    %dot_general3A_529 = tpu.matmul %mul3A_526, %slice3A_527, %dot_general3A_528 {dimension_numbers = #tpu.dot_dimension_numbers<[1], [0], [0], [1], [0, 0, 1, 1], [], []>, transpose_lhs_hint = false} : vector<128x256xbf16>, vector<256x128xbf16>, vector<128x128xf32> -> vector<128x128xf32>
    %slice3A_530 = vector.extract_strided_slice %dot_general3A_529 {offsets = [0, 0], sizes = [8, 128], strides = [1, 1]} : vector<128x128xf32> to vector<8x128xf32>
    %slice3A_531 = vector.extract_strided_slice %dot_general3A_529 {offsets = [8, 0], sizes = [8, 128], strides = [1, 1]} : vector<128x128xf32> to vector<8x128xf32>
    %slice3A_532 = vector.extract_strided_slice %dot_general3A_529 {offsets = [16, 0], sizes = [8, 128], strides = [1, 1]} : vector<128x128xf32> to vector<8x128xf32>
    %slice3A_533 = vector.extract_strided_slice %dot_general3A_529 {offsets = [24, 0], sizes = [8, 128], strides = [1, 1]} : vector<128x128xf32> to vector<8x128xf32>
    %slice3A_534 = vector.extract_strided_slice %dot_general3A_529 {offsets = [32, 0], sizes = [8, 128], strides = [1, 1]} : vector<128x128xf32> to vector<8x128xf32>
    %slice3A_535 = vector.extract_strided_slice %dot_general3A_529 {offsets = [40, 0], sizes = [8, 128], strides = [1, 1]} : vector<128x128xf32> to vector<8x128xf32>
    %slice3A_536 = vector.extract_strided_slice %dot_general3A_529 {offsets = [48, 0], sizes = [8, 128], strides = [1, 1]} : vector<128x128xf32> to vector<8x128xf32>
    %slice3A_537 = vector.extract_strided_slice %dot_general3A_529 {offsets = [56, 0], sizes = [8, 128], strides = [1, 1]} : vector<128x128xf32> to vector<8x128xf32>
    %slice3A_538 = vector.extract_strided_slice %dot_general3A_529 {offsets = [64, 0], sizes = [8, 128], strides = [1, 1]} : vector<128x128xf32> to vector<8x128xf32>
    %slice3A_539 = vector.extract_strided_slice %dot_general3A_529 {offsets = [72, 0], sizes = [8, 128], strides = [1, 1]} : vector<128x128xf32> to vector<8x128xf32>
    %slice3A_540 = vector.extract_strided_slice %dot_general3A_529 {offsets = [80, 0], sizes = [8, 128], strides = [1, 1]} : vector<128x128xf32> to vector<8x128xf32>
    %slice3A_541 = vector.extract_strided_slice %dot_general3A_529 {offsets = [88, 0], sizes = [8, 128], strides = [1, 1]} : vector<128x128xf32> to vector<8x128xf32>
    %slice3A_542 = vector.extract_strided_slice %dot_general3A_529 {offsets = [96, 0], sizes = [8, 128], strides = [1, 1]} : vector<128x128xf32> to vector<8x128xf32>
    %slice3A_543 = vector.extract_strided_slice %dot_general3A_529 {offsets = [104, 0], sizes = [8, 128], strides = [1, 1]} : vector<128x128xf32> to vector<8x128xf32>
    %slice3A_544 = vector.extract_strided_slice %dot_general3A_529 {offsets = [112, 0], sizes = [8, 128], strides = [1, 1]} : vector<128x128xf32> to vector<8x128xf32>
    %slice3A_545 = vector.extract_strided_slice %dot_general3A_529 {offsets = [120, 0], sizes = [8, 128], strides = [1, 1]} : vector<128x128xf32> to vector<8x128xf32>
    %concatenate3A_546 = tpu.concatenate %slice3A_530, %slice3A_531, %slice3A_532, %slice3A_533, %slice3A_534, %slice3A_535, %slice3A_536, %slice3A_537, %slice3A_538, %slice3A_539, %slice3A_540, %slice3A_541, %slice3A_542, %slice3A_543, %slice3A_544, %slice3A_545 in 1 : vector<8x128xf32>, vector<8x128xf32>, vector<8x128xf32>, vector<8x128xf32>, vector<8x128xf32>, vector<8x128xf32>, vector<8x128xf32>, vector<8x128xf32>, vector<8x128xf32>, vector<8x128xf32>, vector<8x128xf32>, vector<8x128xf32>, vector<8x128xf32>, vector<8x128xf32>, vector<8x128xf32>, vector<8x128xf32> -> vector<8x2048xf32>
    %slice3A_547 = vector.extract_strided_slice %convert_element_type3A {offsets = [0, 4864], sizes = [16, 256], strides = [1, 1]} : vector<16x12800xbf16> to vector<16x256xbf16>
    %broadcast_in_dim3A_548 = vector.shape_cast %slice3A_547 : vector<16x256xbf16> to vector<16x1x256xbf16>
    %broadcast_in_dim3A_549 = vector.shape_cast %broadcast_in_dim3A_548 : vector<16x1x256xbf16> to vector<16x1x256xbf16>
    %broadcast_in_dim3A_550 = vector.broadcast %broadcast_in_dim3A_549 : vector<16x1x256xbf16> to vector<16x8x256xbf16>
    %reshape3A_551 = vector.shape_cast %broadcast_in_dim3A_550 : vector<16x8x256xbf16> to vector<128x256xbf16>
    %mul3A_552 = arith.mulf %reshape3A_551, %get3A_54 : vector<128x256xbf16>
    %slice3A_553 = vector.extract_strided_slice %convert_element_type3A_51 {offsets = [4864, 0], sizes = [256, 128], strides = [1, 1]} : vector<12800x128xbf16> to vector<256x128xbf16>
    %dot_general3A_554 = arith.constant dense<0.000000e+00> : vector<128x128xf32>
    %dot_general3A_555 = tpu.matmul %mul3A_552, %slice3A_553, %dot_general3A_554 {dimension_numbers = #tpu.dot_dimension_numbers<[1], [0], [0], [1], [0, 0, 1, 1], [], []>, transpose_lhs_hint = false} : vector<128x256xbf16>, vector<256x128xbf16>, vector<128x128xf32> -> vector<128x128xf32>
    %slice3A_556 = vector.extract_strided_slice %dot_general3A_555 {offsets = [0, 0], sizes = [8, 128], strides = [1, 1]} : vector<128x128xf32> to vector<8x128xf32>
    %slice3A_557 = vector.extract_strided_slice %dot_general3A_555 {offsets = [8, 0], sizes = [8, 128], strides = [1, 1]} : vector<128x128xf32> to vector<8x128xf32>
    %slice3A_558 = vector.extract_strided_slice %dot_general3A_555 {offsets = [16, 0], sizes = [8, 128], strides = [1, 1]} : vector<128x128xf32> to vector<8x128xf32>
    %slice3A_559 = vector.extract_strided_slice %dot_general3A_555 {offsets = [24, 0], sizes = [8, 128], strides = [1, 1]} : vector<128x128xf32> to vector<8x128xf32>
    %slice3A_560 = vector.extract_strided_slice %dot_general3A_555 {offsets = [32, 0], sizes = [8, 128], strides = [1, 1]} : vector<128x128xf32> to vector<8x128xf32>
    %slice3A_561 = vector.extract_strided_slice %dot_general3A_555 {offsets = [40, 0], sizes = [8, 128], strides = [1, 1]} : vector<128x128xf32> to vector<8x128xf32>
    %slice3A_562 = vector.extract_strided_slice %dot_general3A_555 {offsets = [48, 0], sizes = [8, 128], strides = [1, 1]} : vector<128x128xf32> to vector<8x128xf32>
    %slice3A_563 = vector.extract_strided_slice %dot_general3A_555 {offsets = [56, 0], sizes = [8, 128], strides = [1, 1]} : vector<128x128xf32> to vector<8x128xf32>
    %slice3A_564 = vector.extract_strided_slice %dot_general3A_555 {offsets = [64, 0], sizes = [8, 128], strides = [1, 1]} : vector<128x128xf32> to vector<8x128xf32>
    %slice3A_565 = vector.extract_strided_slice %dot_general3A_555 {offsets = [72, 0], sizes = [8, 128], strides = [1, 1]} : vector<128x128xf32> to vector<8x128xf32>
    %slice3A_566 = vector.extract_strided_slice %dot_general3A_555 {offsets = [80, 0], sizes = [8, 128], strides = [1, 1]} : vector<128x128xf32> to vector<8x128xf32>
    %slice3A_567 = vector.extract_strided_slice %dot_general3A_555 {offsets = [88, 0], sizes = [8, 128], strides = [1, 1]} : vector<128x128xf32> to vector<8x128xf32>
    %slice3A_568 = vector.extract_strided_slice %dot_general3A_555 {offsets = [96, 0], sizes = [8, 128], strides = [1, 1]} : vector<128x128xf32> to vector<8x128xf32>
    %slice3A_569 = vector.extract_strided_slice %dot_general3A_555 {offsets = [104, 0], sizes = [8, 128], strides = [1, 1]} : vector<128x128xf32> to vector<8x128xf32>
    %slice3A_570 = vector.extract_strided_slice %dot_general3A_555 {offsets = [112, 0], sizes = [8, 128], strides = [1, 1]} : vector<128x128xf32> to vector<8x128xf32>
    %slice3A_571 = vector.extract_strided_slice %dot_general3A_555 {offsets = [120, 0], sizes = [8, 128], strides = [1, 1]} : vector<128x128xf32> to vector<8x128xf32>
    %concatenate3A_572 = tpu.concatenate %slice3A_556, %slice3A_557, %slice3A_558, %slice3A_559, %slice3A_560, %slice3A_561, %slice3A_562, %slice3A_563, %slice3A_564, %slice3A_565, %slice3A_566, %slice3A_567, %slice3A_568, %slice3A_569, %slice3A_570, %slice3A_571 in 1 : vector<8x128xf32>, vector<8x128xf32>, vector<8x128xf32>, vector<8x128xf32>, vector<8x128xf32>, vector<8x128xf32>, vector<8x128xf32>, vector<8x128xf32>, vector<8x128xf32>, vector<8x128xf32>, vector<8x128xf32>, vector<8x128xf32>, vector<8x128xf32>, vector<8x128xf32>, vector<8x128xf32>, vector<8x128xf32> -> vector<8x2048xf32>
    %slice3A_573 = vector.extract_strided_slice %convert_element_type3A {offsets = [0, 5120], sizes = [16, 256], strides = [1, 1]} : vector<16x12800xbf16> to vector<16x256xbf16>
    %broadcast_in_dim3A_574 = vector.shape_cast %slice3A_573 : vector<16x256xbf16> to vector<16x1x256xbf16>
    %broadcast_in_dim3A_575 = vector.shape_cast %broadcast_in_dim3A_574 : vector<16x1x256xbf16> to vector<16x1x256xbf16>
    %broadcast_in_dim3A_576 = vector.broadcast %broadcast_in_dim3A_575 : vector<16x1x256xbf16> to vector<16x8x256xbf16>
    %reshape3A_577 = vector.shape_cast %broadcast_in_dim3A_576 : vector<16x8x256xbf16> to vector<128x256xbf16>
    %mul3A_578 = arith.mulf %reshape3A_577, %get3A_54 : vector<128x256xbf16>
    %slice3A_579 = vector.extract_strided_slice %convert_element_type3A_51 {offsets = [5120, 0], sizes = [256, 128], strides = [1, 1]} : vector<12800x128xbf16> to vector<256x128xbf16>
    %dot_general3A_580 = arith.constant dense<0.000000e+00> : vector<128x128xf32>
    %dot_general3A_581 = tpu.matmul %mul3A_578, %slice3A_579, %dot_general3A_580 {dimension_numbers = #tpu.dot_dimension_numbers<[1], [0], [0], [1], [0, 0, 1, 1], [], []>, transpose_lhs_hint = false} : vector<128x256xbf16>, vector<256x128xbf16>, vector<128x128xf32> -> vector<128x128xf32>
    %slice3A_582 = vector.extract_strided_slice %dot_general3A_581 {offsets = [0, 0], sizes = [8, 128], strides = [1, 1]} : vector<128x128xf32> to vector<8x128xf32>
    %slice3A_583 = vector.extract_strided_slice %dot_general3A_581 {offsets = [8, 0], sizes = [8, 128], strides = [1, 1]} : vector<128x128xf32> to vector<8x128xf32>
    %slice3A_584 = vector.extract_strided_slice %dot_general3A_581 {offsets = [16, 0], sizes = [8, 128], strides = [1, 1]} : vector<128x128xf32> to vector<8x128xf32>
    %slice3A_585 = vector.extract_strided_slice %dot_general3A_581 {offsets = [24, 0], sizes = [8, 128], strides = [1, 1]} : vector<128x128xf32> to vector<8x128xf32>
    %slice3A_586 = vector.extract_strided_slice %dot_general3A_581 {offsets = [32, 0], sizes = [8, 128], strides = [1, 1]} : vector<128x128xf32> to vector<8x128xf32>
    %slice3A_587 = vector.extract_strided_slice %dot_general3A_581 {offsets = [40, 0], sizes = [8, 128], strides = [1, 1]} : vector<128x128xf32> to vector<8x128xf32>
    %slice3A_588 = vector.extract_strided_slice %dot_general3A_581 {offsets = [48, 0], sizes = [8, 128], strides = [1, 1]} : vector<128x128xf32> to vector<8x128xf32>
    %slice3A_589 = vector.extract_strided_slice %dot_general3A_581 {offsets = [56, 0], sizes = [8, 128], strides = [1, 1]} : vector<128x128xf32> to vector<8x128xf32>
    %slice3A_590 = vector.extract_strided_slice %dot_general3A_581 {offsets = [64, 0], sizes = [8, 128], strides = [1, 1]} : vector<128x128xf32> to vector<8x128xf32>
    %slice3A_591 = vector.extract_strided_slice %dot_general3A_581 {offsets = [72, 0], sizes = [8, 128], strides = [1, 1]} : vector<128x128xf32> to vector<8x128xf32>
    %slice3A_592 = vector.extract_strided_slice %dot_general3A_581 {offsets = [80, 0], sizes = [8, 128], strides = [1, 1]} : vector<128x128xf32> to vector<8x128xf32>
    %slice3A_593 = vector.extract_strided_slice %dot_general3A_581 {offsets = [88, 0], sizes = [8, 128], strides = [1, 1]} : vector<128x128xf32> to vector<8x128xf32>
    %slice3A_594 = vector.extract_strided_slice %dot_general3A_581 {offsets = [96, 0], sizes = [8, 128], strides = [1, 1]} : vector<128x128xf32> to vector<8x128xf32>
    %slice3A_595 = vector.extract_strided_slice %dot_general3A_581 {offsets = [104, 0], sizes = [8, 128], strides = [1, 1]} : vector<128x128xf32> to vector<8x128xf32>
    %slice3A_596 = vector.extract_strided_slice %dot_general3A_581 {offsets = [112, 0], sizes = [8, 128], strides = [1, 1]} : vector<128x128xf32> to vector<8x128xf32>
    %slice3A_597 = vector.extract_strided_slice %dot_general3A_581 {offsets = [120, 0], sizes = [8, 128], strides = [1, 1]} : vector<128x128xf32> to vector<8x128xf32>
    %concatenate3A_598 = tpu.concatenate %slice3A_582, %slice3A_583, %slice3A_584, %slice3A_585, %slice3A_586, %slice3A_587, %slice3A_588, %slice3A_589, %slice3A_590, %slice3A_591, %slice3A_592, %slice3A_593, %slice3A_594, %slice3A_595, %slice3A_596, %slice3A_597 in 1 : vector<8x128xf32>, vector<8x128xf32>, vector<8x128xf32>, vector<8x128xf32>, vector<8x128xf32>, vector<8x128xf32>, vector<8x128xf32>, vector<8x128xf32>, vector<8x128xf32>, vector<8x128xf32>, vector<8x128xf32>, vector<8x128xf32>, vector<8x128xf32>, vector<8x128xf32>, vector<8x128xf32>, vector<8x128xf32> -> vector<8x2048xf32>
    %slice3A_599 = vector.extract_strided_slice %convert_element_type3A {offsets = [0, 5376], sizes = [16, 256], strides = [1, 1]} : vector<16x12800xbf16> to vector<16x256xbf16>
    %broadcast_in_dim3A_600 = vector.shape_cast %slice3A_599 : vector<16x256xbf16> to vector<16x1x256xbf16>
    %broadcast_in_dim3A_601 = vector.shape_cast %broadcast_in_dim3A_600 : vector<16x1x256xbf16> to vector<16x1x256xbf16>
    %broadcast_in_dim3A_602 = vector.broadcast %broadcast_in_dim3A_601 : vector<16x1x256xbf16> to vector<16x8x256xbf16>
    %reshape3A_603 = vector.shape_cast %broadcast_in_dim3A_602 : vector<16x8x256xbf16> to vector<128x256xbf16>
    %mul3A_604 = arith.mulf %reshape3A_603, %get3A_54 : vector<128x256xbf16>
    %slice3A_605 = vector.extract_strided_slice %convert_element_type3A_51 {offsets = [5376, 0], sizes = [256, 128], strides = [1, 1]} : vector<12800x128xbf16> to vector<256x128xbf16>
    %dot_general3A_606 = arith.constant dense<0.000000e+00> : vector<128x128xf32>
    %dot_general3A_607 = tpu.matmul %mul3A_604, %slice3A_605, %dot_general3A_606 {dimension_numbers = #tpu.dot_dimension_numbers<[1], [0], [0], [1], [0, 0, 1, 1], [], []>, transpose_lhs_hint = false} : vector<128x256xbf16>, vector<256x128xbf16>, vector<128x128xf32> -> vector<128x128xf32>
    %slice3A_608 = vector.extract_strided_slice %dot_general3A_607 {offsets = [0, 0], sizes = [8, 128], strides = [1, 1]} : vector<128x128xf32> to vector<8x128xf32>
    %slice3A_609 = vector.extract_strided_slice %dot_general3A_607 {offsets = [8, 0], sizes = [8, 128], strides = [1, 1]} : vector<128x128xf32> to vector<8x128xf32>
    %slice3A_610 = vector.extract_strided_slice %dot_general3A_607 {offsets = [16, 0], sizes = [8, 128], strides = [1, 1]} : vector<128x128xf32> to vector<8x128xf32>
    %slice3A_611 = vector.extract_strided_slice %dot_general3A_607 {offsets = [24, 0], sizes = [8, 128], strides = [1, 1]} : vector<128x128xf32> to vector<8x128xf32>
    %slice3A_612 = vector.extract_strided_slice %dot_general3A_607 {offsets = [32, 0], sizes = [8, 128], strides = [1, 1]} : vector<128x128xf32> to vector<8x128xf32>
    %slice3A_613 = vector.extract_strided_slice %dot_general3A_607 {offsets = [40, 0], sizes = [8, 128], strides = [1, 1]} : vector<128x128xf32> to vector<8x128xf32>
    %slice3A_614 = vector.extract_strided_slice %dot_general3A_607 {offsets = [48, 0], sizes = [8, 128], strides = [1, 1]} : vector<128x128xf32> to vector<8x128xf32>
    %slice3A_615 = vector.extract_strided_slice %dot_general3A_607 {offsets = [56, 0], sizes = [8, 128], strides = [1, 1]} : vector<128x128xf32> to vector<8x128xf32>
    %slice3A_616 = vector.extract_strided_slice %dot_general3A_607 {offsets = [64, 0], sizes = [8, 128], strides = [1, 1]} : vector<128x128xf32> to vector<8x128xf32>
    %slice3A_617 = vector.extract_strided_slice %dot_general3A_607 {offsets = [72, 0], sizes = [8, 128], strides = [1, 1]} : vector<128x128xf32> to vector<8x128xf32>
    %slice3A_618 = vector.extract_strided_slice %dot_general3A_607 {offsets = [80, 0], sizes = [8, 128], strides = [1, 1]} : vector<128x128xf32> to vector<8x128xf32>
    %slice3A_619 = vector.extract_strided_slice %dot_general3A_607 {offsets = [88, 0], sizes = [8, 128], strides = [1, 1]} : vector<128x128xf32> to vector<8x128xf32>
    %slice3A_620 = vector.extract_strided_slice %dot_general3A_607 {offsets = [96, 0], sizes = [8, 128], strides = [1, 1]} : vector<128x128xf32> to vector<8x128xf32>
    %slice3A_621 = vector.extract_strided_slice %dot_general3A_607 {offsets = [104, 0], sizes = [8, 128], strides = [1, 1]} : vector<128x128xf32> to vector<8x128xf32>
    %slice3A_622 = vector.extract_strided_slice %dot_general3A_607 {offsets = [112, 0], sizes = [8, 128], strides = [1, 1]} : vector<128x128xf32> to vector<8x128xf32>
    %slice3A_623 = vector.extract_strided_slice %dot_general3A_607 {offsets = [120, 0], sizes = [8, 128], strides = [1, 1]} : vector<128x128xf32> to vector<8x128xf32>
    %concatenate3A_624 = tpu.concatenate %slice3A_608, %slice3A_609, %slice3A_610, %slice3A_611, %slice3A_612, %slice3A_613, %slice3A_614, %slice3A_615, %slice3A_616, %slice3A_617, %slice3A_618, %slice3A_619, %slice3A_620, %slice3A_621, %slice3A_622, %slice3A_623 in 1 : vector<8x128xf32>, vector<8x128xf32>, vector<8x128xf32>, vector<8x128xf32>, vector<8x128xf32>, vector<8x128xf32>, vector<8x128xf32>, vector<8x128xf32>, vector<8x128xf32>, vector<8x128xf32>, vector<8x128xf32>, vector<8x128xf32>, vector<8x128xf32>, vector<8x128xf32>, vector<8x128xf32>, vector<8x128xf32> -> vector<8x2048xf32>
    %slice3A_625 = vector.extract_strided_slice %convert_element_type3A {offsets = [0, 5632], sizes = [16, 256], strides = [1, 1]} : vector<16x12800xbf16> to vector<16x256xbf16>
    %broadcast_in_dim3A_626 = vector.shape_cast %slice3A_625 : vector<16x256xbf16> to vector<16x1x256xbf16>
    %broadcast_in_dim3A_627 = vector.shape_cast %broadcast_in_dim3A_626 : vector<16x1x256xbf16> to vector<16x1x256xbf16>
    %broadcast_in_dim3A_628 = vector.broadcast %broadcast_in_dim3A_627 : vector<16x1x256xbf16> to vector<16x8x256xbf16>
    %reshape3A_629 = vector.shape_cast %broadcast_in_dim3A_628 : vector<16x8x256xbf16> to vector<128x256xbf16>
    %mul3A_630 = arith.mulf %reshape3A_629, %get3A_54 : vector<128x256xbf16>
    %slice3A_631 = vector.extract_strided_slice %convert_element_type3A_51 {offsets = [5632, 0], sizes = [256, 128], strides = [1, 1]} : vector<12800x128xbf16> to vector<256x128xbf16>
    %dot_general3A_632 = arith.constant dense<0.000000e+00> : vector<128x128xf32>
    %dot_general3A_633 = tpu.matmul %mul3A_630, %slice3A_631, %dot_general3A_632 {dimension_numbers = #tpu.dot_dimension_numbers<[1], [0], [0], [1], [0, 0, 1, 1], [], []>, transpose_lhs_hint = false} : vector<128x256xbf16>, vector<256x128xbf16>, vector<128x128xf32> -> vector<128x128xf32>
    %slice3A_634 = vector.extract_strided_slice %dot_general3A_633 {offsets = [0, 0], sizes = [8, 128], strides = [1, 1]} : vector<128x128xf32> to vector<8x128xf32>
    %slice3A_635 = vector.extract_strided_slice %dot_general3A_633 {offsets = [8, 0], sizes = [8, 128], strides = [1, 1]} : vector<128x128xf32> to vector<8x128xf32>
    %slice3A_636 = vector.extract_strided_slice %dot_general3A_633 {offsets = [16, 0], sizes = [8, 128], strides = [1, 1]} : vector<128x128xf32> to vector<8x128xf32>
    %slice3A_637 = vector.extract_strided_slice %dot_general3A_633 {offsets = [24, 0], sizes = [8, 128], strides = [1, 1]} : vector<128x128xf32> to vector<8x128xf32>
    %slice3A_638 = vector.extract_strided_slice %dot_general3A_633 {offsets = [32, 0], sizes = [8, 128], strides = [1, 1]} : vector<128x128xf32> to vector<8x128xf32>
    %slice3A_639 = vector.extract_strided_slice %dot_general3A_633 {offsets = [40, 0], sizes = [8, 128], strides = [1, 1]} : vector<128x128xf32> to vector<8x128xf32>
    %slice3A_640 = vector.extract_strided_slice %dot_general3A_633 {offsets = [48, 0], sizes = [8, 128], strides = [1, 1]} : vector<128x128xf32> to vector<8x128xf32>
    %slice3A_641 = vector.extract_strided_slice %dot_general3A_633 {offsets = [56, 0], sizes = [8, 128], strides = [1, 1]} : vector<128x128xf32> to vector<8x128xf32>
    %slice3A_642 = vector.extract_strided_slice %dot_general3A_633 {offsets = [64, 0], sizes = [8, 128], strides = [1, 1]} : vector<128x128xf32> to vector<8x128xf32>
    %slice3A_643 = vector.extract_strided_slice %dot_general3A_633 {offsets = [72, 0], sizes = [8, 128], strides = [1, 1]} : vector<128x128xf32> to vector<8x128xf32>
    %slice3A_644 = vector.extract_strided_slice %dot_general3A_633 {offsets = [80, 0], sizes = [8, 128], strides = [1, 1]} : vector<128x128xf32> to vector<8x128xf32>
    %slice3A_645 = vector.extract_strided_slice %dot_general3A_633 {offsets = [88, 0], sizes = [8, 128], strides = [1, 1]} : vector<128x128xf32> to vector<8x128xf32>
    %slice3A_646 = vector.extract_strided_slice %dot_general3A_633 {offsets = [96, 0], sizes = [8, 128], strides = [1, 1]} : vector<128x128xf32> to vector<8x128xf32>
    %slice3A_647 = vector.extract_strided_slice %dot_general3A_633 {offsets = [104, 0], sizes = [8, 128], strides = [1, 1]} : vector<128x128xf32> to vector<8x128xf32>
    %slice3A_648 = vector.extract_strided_slice %dot_general3A_633 {offsets = [112, 0], sizes = [8, 128], strides = [1, 1]} : vector<128x128xf32> to vector<8x128xf32>
    %slice3A_649 = vector.extract_strided_slice %dot_general3A_633 {offsets = [120, 0], sizes = [8, 128], strides = [1, 1]} : vector<128x128xf32> to vector<8x128xf32>
    %concatenate3A_650 = tpu.concatenate %slice3A_634, %slice3A_635, %slice3A_636, %slice3A_637, %slice3A_638, %slice3A_639, %slice3A_640, %slice3A_641, %slice3A_642, %slice3A_643, %slice3A_644, %slice3A_645, %slice3A_646, %slice3A_647, %slice3A_648, %slice3A_649 in 1 : vector<8x128xf32>, vector<8x128xf32>, vector<8x128xf32>, vector<8x128xf32>, vector<8x128xf32>, vector<8x128xf32>, vector<8x128xf32>, vector<8x128xf32>, vector<8x128xf32>, vector<8x128xf32>, vector<8x128xf32>, vector<8x128xf32>, vector<8x128xf32>, vector<8x128xf32>, vector<8x128xf32>, vector<8x128xf32> -> vector<8x2048xf32>
    %slice3A_651 = vector.extract_strided_slice %convert_element_type3A {offsets = [0, 5888], sizes = [16, 256], strides = [1, 1]} : vector<16x12800xbf16> to vector<16x256xbf16>
    %broadcast_in_dim3A_652 = vector.shape_cast %slice3A_651 : vector<16x256xbf16> to vector<16x1x256xbf16>
    %broadcast_in_dim3A_653 = vector.shape_cast %broadcast_in_dim3A_652 : vector<16x1x256xbf16> to vector<16x1x256xbf16>
    %broadcast_in_dim3A_654 = vector.broadcast %broadcast_in_dim3A_653 : vector<16x1x256xbf16> to vector<16x8x256xbf16>
    %reshape3A_655 = vector.shape_cast %broadcast_in_dim3A_654 : vector<16x8x256xbf16> to vector<128x256xbf16>
    %mul3A_656 = arith.mulf %reshape3A_655, %get3A_54 : vector<128x256xbf16>
    %slice3A_657 = vector.extract_strided_slice %convert_element_type3A_51 {offsets = [5888, 0], sizes = [256, 128], strides = [1, 1]} : vector<12800x128xbf16> to vector<256x128xbf16>
    %dot_general3A_658 = arith.constant dense<0.000000e+00> : vector<128x128xf32>
    %dot_general3A_659 = tpu.matmul %mul3A_656, %slice3A_657, %dot_general3A_658 {dimension_numbers = #tpu.dot_dimension_numbers<[1], [0], [0], [1], [0, 0, 1, 1], [], []>, transpose_lhs_hint = false} : vector<128x256xbf16>, vector<256x128xbf16>, vector<128x128xf32> -> vector<128x128xf32>
    %slice3A_660 = vector.extract_strided_slice %dot_general3A_659 {offsets = [0, 0], sizes = [8, 128], strides = [1, 1]} : vector<128x128xf32> to vector<8x128xf32>
    %slice3A_661 = vector.extract_strided_slice %dot_general3A_659 {offsets = [8, 0], sizes = [8, 128], strides = [1, 1]} : vector<128x128xf32> to vector<8x128xf32>
    %slice3A_662 = vector.extract_strided_slice %dot_general3A_659 {offsets = [16, 0], sizes = [8, 128], strides = [1, 1]} : vector<128x128xf32> to vector<8x128xf32>
    %slice3A_663 = vector.extract_strided_slice %dot_general3A_659 {offsets = [24, 0], sizes = [8, 128], strides = [1, 1]} : vector<128x128xf32> to vector<8x128xf32>
    %slice3A_664 = vector.extract_strided_slice %dot_general3A_659 {offsets = [32, 0], sizes = [8, 128], strides = [1, 1]} : vector<128x128xf32> to vector<8x128xf32>
    %slice3A_665 = vector.extract_strided_slice %dot_general3A_659 {offsets = [40, 0], sizes = [8, 128], strides = [1, 1]} : vector<128x128xf32> to vector<8x128xf32>
    %slice3A_666 = vector.extract_strided_slice %dot_general3A_659 {offsets = [48, 0], sizes = [8, 128], strides = [1, 1]} : vector<128x128xf32> to vector<8x128xf32>
    %slice3A_667 = vector.extract_strided_slice %dot_general3A_659 {offsets = [56, 0], sizes = [8, 128], strides = [1, 1]} : vector<128x128xf32> to vector<8x128xf32>
    %slice3A_668 = vector.extract_strided_slice %dot_general3A_659 {offsets = [64, 0], sizes = [8, 128], strides = [1, 1]} : vector<128x128xf32> to vector<8x128xf32>
    %slice3A_669 = vector.extract_strided_slice %dot_general3A_659 {offsets = [72, 0], sizes = [8, 128], strides = [1, 1]} : vector<128x128xf32> to vector<8x128xf32>
    %slice3A_670 = vector.extract_strided_slice %dot_general3A_659 {offsets = [80, 0], sizes = [8, 128], strides = [1, 1]} : vector<128x128xf32> to vector<8x128xf32>
    %slice3A_671 = vector.extract_strided_slice %dot_general3A_659 {offsets = [88, 0], sizes = [8, 128], strides = [1, 1]} : vector<128x128xf32> to vector<8x128xf32>
    %slice3A_672 = vector.extract_strided_slice %dot_general3A_659 {offsets = [96, 0], sizes = [8, 128], strides = [1, 1]} : vector<128x128xf32> to vector<8x128xf32>
    %slice3A_673 = vector.extract_strided_slice %dot_general3A_659 {offsets = [104, 0], sizes = [8, 128], strides = [1, 1]} : vector<128x128xf32> to vector<8x128xf32>
    %slice3A_674 = vector.extract_strided_slice %dot_general3A_659 {offsets = [112, 0], sizes = [8, 128], strides = [1, 1]} : vector<128x128xf32> to vector<8x128xf32>
    %slice3A_675 = vector.extract_strided_slice %dot_general3A_659 {offsets = [120, 0], sizes = [8, 128], strides = [1, 1]} : vector<128x128xf32> to vector<8x128xf32>
    %concatenate3A_676 = tpu.concatenate %slice3A_660, %slice3A_661, %slice3A_662, %slice3A_663, %slice3A_664, %slice3A_665, %slice3A_666, %slice3A_667, %slice3A_668, %slice3A_669, %slice3A_670, %slice3A_671, %slice3A_672, %slice3A_673, %slice3A_674, %slice3A_675 in 1 : vector<8x128xf32>, vector<8x128xf32>, vector<8x128xf32>, vector<8x128xf32>, vector<8x128xf32>, vector<8x128xf32>, vector<8x128xf32>, vector<8x128xf32>, vector<8x128xf32>, vector<8x128xf32>, vector<8x128xf32>, vector<8x128xf32>, vector<8x128xf32>, vector<8x128xf32>, vector<8x128xf32>, vector<8x128xf32> -> vector<8x2048xf32>
    %slice3A_677 = vector.extract_strided_slice %convert_element_type3A {offsets = [0, 6144], sizes = [16, 256], strides = [1, 1]} : vector<16x12800xbf16> to vector<16x256xbf16>
    %broadcast_in_dim3A_678 = vector.shape_cast %slice3A_677 : vector<16x256xbf16> to vector<16x1x256xbf16>
    %broadcast_in_dim3A_679 = vector.shape_cast %broadcast_in_dim3A_678 : vector<16x1x256xbf16> to vector<16x1x256xbf16>
    %broadcast_in_dim3A_680 = vector.broadcast %broadcast_in_dim3A_679 : vector<16x1x256xbf16> to vector<16x8x256xbf16>
    %reshape3A_681 = vector.shape_cast %broadcast_in_dim3A_680 : vector<16x8x256xbf16> to vector<128x256xbf16>
    %mul3A_682 = arith.mulf %reshape3A_681, %get3A_54 : vector<128x256xbf16>
    %slice3A_683 = vector.extract_strided_slice %convert_element_type3A_51 {offsets = [6144, 0], sizes = [256, 128], strides = [1, 1]} : vector<12800x128xbf16> to vector<256x128xbf16>
    %dot_general3A_684 = arith.constant dense<0.000000e+00> : vector<128x128xf32>
    %dot_general3A_685 = tpu.matmul %mul3A_682, %slice3A_683, %dot_general3A_684 {dimension_numbers = #tpu.dot_dimension_numbers<[1], [0], [0], [1], [0, 0, 1, 1], [], []>, transpose_lhs_hint = false} : vector<128x256xbf16>, vector<256x128xbf16>, vector<128x128xf32> -> vector<128x128xf32>
    %slice3A_686 = vector.extract_strided_slice %dot_general3A_685 {offsets = [0, 0], sizes = [8, 128], strides = [1, 1]} : vector<128x128xf32> to vector<8x128xf32>
    %slice3A_687 = vector.extract_strided_slice %dot_general3A_685 {offsets = [8, 0], sizes = [8, 128], strides = [1, 1]} : vector<128x128xf32> to vector<8x128xf32>
    %slice3A_688 = vector.extract_strided_slice %dot_general3A_685 {offsets = [16, 0], sizes = [8, 128], strides = [1, 1]} : vector<128x128xf32> to vector<8x128xf32>
    %slice3A_689 = vector.extract_strided_slice %dot_general3A_685 {offsets = [24, 0], sizes = [8, 128], strides = [1, 1]} : vector<128x128xf32> to vector<8x128xf32>
    %slice3A_690 = vector.extract_strided_slice %dot_general3A_685 {offsets = [32, 0], sizes = [8, 128], strides = [1, 1]} : vector<128x128xf32> to vector<8x128xf32>
    %slice3A_691 = vector.extract_strided_slice %dot_general3A_685 {offsets = [40, 0], sizes = [8, 128], strides = [1, 1]} : vector<128x128xf32> to vector<8x128xf32>
    %slice3A_692 = vector.extract_strided_slice %dot_general3A_685 {offsets = [48, 0], sizes = [8, 128], strides = [1, 1]} : vector<128x128xf32> to vector<8x128xf32>
    %slice3A_693 = vector.extract_strided_slice %dot_general3A_685 {offsets = [56, 0], sizes = [8, 128], strides = [1, 1]} : vector<128x128xf32> to vector<8x128xf32>
    %slice3A_694 = vector.extract_strided_slice %dot_general3A_685 {offsets = [64, 0], sizes = [8, 128], strides = [1, 1]} : vector<128x128xf32> to vector<8x128xf32>
    %slice3A_695 = vector.extract_strided_slice %dot_general3A_685 {offsets = [72, 0], sizes = [8, 128], strides = [1, 1]} : vector<128x128xf32> to vector<8x128xf32>
    %slice3A_696 = vector.extract_strided_slice %dot_general3A_685 {offsets = [80, 0], sizes = [8, 128], strides = [1, 1]} : vector<128x128xf32> to vector<8x128xf32>
    %slice3A_697 = vector.extract_strided_slice %dot_general3A_685 {offsets = [88, 0], sizes = [8, 128], strides = [1, 1]} : vector<128x128xf32> to vector<8x128xf32>
    %slice3A_698 = vector.extract_strided_slice %dot_general3A_685 {offsets = [96, 0], sizes = [8, 128], strides = [1, 1]} : vector<128x128xf32> to vector<8x128xf32>
    %slice3A_699 = vector.extract_strided_slice %dot_general3A_685 {offsets = [104, 0], sizes = [8, 128], strides = [1, 1]} : vector<128x128xf32> to vector<8x128xf32>
    %slice3A_700 = vector.extract_strided_slice %dot_general3A_685 {offsets = [112, 0], sizes = [8, 128], strides = [1, 1]} : vector<128x128xf32> to vector<8x128xf32>
    %slice3A_701 = vector.extract_strided_slice %dot_general3A_685 {offsets = [120, 0], sizes = [8, 128], strides = [1, 1]} : vector<128x128xf32> to vector<8x128xf32>
    %concatenate3A_702 = tpu.concatenate %slice3A_686, %slice3A_687, %slice3A_688, %slice3A_689, %slice3A_690, %slice3A_691, %slice3A_692, %slice3A_693, %slice3A_694, %slice3A_695, %slice3A_696, %slice3A_697, %slice3A_698, %slice3A_699, %slice3A_700, %slice3A_701 in 1 : vector<8x128xf32>, vector<8x128xf32>, vector<8x128xf32>, vector<8x128xf32>, vector<8x128xf32>, vector<8x128xf32>, vector<8x128xf32>, vector<8x128xf32>, vector<8x128xf32>, vector<8x128xf32>, vector<8x128xf32>, vector<8x128xf32>, vector<8x128xf32>, vector<8x128xf32>, vector<8x128xf32>, vector<8x128xf32> -> vector<8x2048xf32>
    %slice3A_703 = vector.extract_strided_slice %convert_element_type3A {offsets = [0, 6400], sizes = [16, 256], strides = [1, 1]} : vector<16x12800xbf16> to vector<16x256xbf16>
    %broadcast_in_dim3A_704 = vector.shape_cast %slice3A_703 : vector<16x256xbf16> to vector<16x1x256xbf16>
    %broadcast_in_dim3A_705 = vector.shape_cast %broadcast_in_dim3A_704 : vector<16x1x256xbf16> to vector<16x1x256xbf16>
    %broadcast_in_dim3A_706 = vector.broadcast %broadcast_in_dim3A_705 : vector<16x1x256xbf16> to vector<16x8x256xbf16>
    %reshape3A_707 = vector.shape_cast %broadcast_in_dim3A_706 : vector<16x8x256xbf16> to vector<128x256xbf16>
    %mul3A_708 = arith.mulf %reshape3A_707, %get3A_54 : vector<128x256xbf16>
    %slice3A_709 = vector.extract_strided_slice %convert_element_type3A_51 {offsets = [6400, 0], sizes = [256, 128], strides = [1, 1]} : vector<12800x128xbf16> to vector<256x128xbf16>
    %dot_general3A_710 = arith.constant dense<0.000000e+00> : vector<128x128xf32>
    %dot_general3A_711 = tpu.matmul %mul3A_708, %slice3A_709, %dot_general3A_710 {dimension_numbers = #tpu.dot_dimension_numbers<[1], [0], [0], [1], [0, 0, 1, 1], [], []>, transpose_lhs_hint = false} : vector<128x256xbf16>, vector<256x128xbf16>, vector<128x128xf32> -> vector<128x128xf32>
    %slice3A_712 = vector.extract_strided_slice %dot_general3A_711 {offsets = [0, 0], sizes = [8, 128], strides = [1, 1]} : vector<128x128xf32> to vector<8x128xf32>
    %slice3A_713 = vector.extract_strided_slice %dot_general3A_711 {offsets = [8, 0], sizes = [8, 128], strides = [1, 1]} : vector<128x128xf32> to vector<8x128xf32>
    %slice3A_714 = vector.extract_strided_slice %dot_general3A_711 {offsets = [16, 0], sizes = [8, 128], strides = [1, 1]} : vector<128x128xf32> to vector<8x128xf32>
    %slice3A_715 = vector.extract_strided_slice %dot_general3A_711 {offsets = [24, 0], sizes = [8, 128], strides = [1, 1]} : vector<128x128xf32> to vector<8x128xf32>
    %slice3A_716 = vector.extract_strided_slice %dot_general3A_711 {offsets = [32, 0], sizes = [8, 128], strides = [1, 1]} : vector<128x128xf32> to vector<8x128xf32>
    %slice3A_717 = vector.extract_strided_slice %dot_general3A_711 {offsets = [40, 0], sizes = [8, 128], strides = [1, 1]} : vector<128x128xf32> to vector<8x128xf32>
    %slice3A_718 = vector.extract_strided_slice %dot_general3A_711 {offsets = [48, 0], sizes = [8, 128], strides = [1, 1]} : vector<128x128xf32> to vector<8x128xf32>
    %slice3A_719 = vector.extract_strided_slice %dot_general3A_711 {offsets = [56, 0], sizes = [8, 128], strides = [1, 1]} : vector<128x128xf32> to vector<8x128xf32>
    %slice3A_720 = vector.extract_strided_slice %dot_general3A_711 {offsets = [64, 0], sizes = [8, 128], strides = [1, 1]} : vector<128x128xf32> to vector<8x128xf32>
    %slice3A_721 = vector.extract_strided_slice %dot_general3A_711 {offsets = [72, 0], sizes = [8, 128], strides = [1, 1]} : vector<128x128xf32> to vector<8x128xf32>
    %slice3A_722 = vector.extract_strided_slice %dot_general3A_711 {offsets = [80, 0], sizes = [8, 128], strides = [1, 1]} : vector<128x128xf32> to vector<8x128xf32>
    %slice3A_723 = vector.extract_strided_slice %dot_general3A_711 {offsets = [88, 0], sizes = [8, 128], strides = [1, 1]} : vector<128x128xf32> to vector<8x128xf32>
    %slice3A_724 = vector.extract_strided_slice %dot_general3A_711 {offsets = [96, 0], sizes = [8, 128], strides = [1, 1]} : vector<128x128xf32> to vector<8x128xf32>
    %slice3A_725 = vector.extract_strided_slice %dot_general3A_711 {offsets = [104, 0], sizes = [8, 128], strides = [1, 1]} : vector<128x128xf32> to vector<8x128xf32>
    %slice3A_726 = vector.extract_strided_slice %dot_general3A_711 {offsets = [112, 0], sizes = [8, 128], strides = [1, 1]} : vector<128x128xf32> to vector<8x128xf32>
    %slice3A_727 = vector.extract_strided_slice %dot_general3A_711 {offsets = [120, 0], sizes = [8, 128], strides = [1, 1]} : vector<128x128xf32> to vector<8x128xf32>
    %concatenate3A_728 = tpu.concatenate %slice3A_712, %slice3A_713, %slice3A_714, %slice3A_715, %slice3A_716, %slice3A_717, %slice3A_718, %slice3A_719, %slice3A_720, %slice3A_721, %slice3A_722, %slice3A_723, %slice3A_724, %slice3A_725, %slice3A_726, %slice3A_727 in 1 : vector<8x128xf32>, vector<8x128xf32>, vector<8x128xf32>, vector<8x128xf32>, vector<8x128xf32>, vector<8x128xf32>, vector<8x128xf32>, vector<8x128xf32>, vector<8x128xf32>, vector<8x128xf32>, vector<8x128xf32>, vector<8x128xf32>, vector<8x128xf32>, vector<8x128xf32>, vector<8x128xf32>, vector<8x128xf32> -> vector<8x2048xf32>
    %slice3A_729 = vector.extract_strided_slice %convert_element_type3A {offsets = [0, 6656], sizes = [16, 256], strides = [1, 1]} : vector<16x12800xbf16> to vector<16x256xbf16>
    %broadcast_in_dim3A_730 = vector.shape_cast %slice3A_729 : vector<16x256xbf16> to vector<16x1x256xbf16>
    %broadcast_in_dim3A_731 = vector.shape_cast %broadcast_in_dim3A_730 : vector<16x1x256xbf16> to vector<16x1x256xbf16>
    %broadcast_in_dim3A_732 = vector.broadcast %broadcast_in_dim3A_731 : vector<16x1x256xbf16> to vector<16x8x256xbf16>
    %reshape3A_733 = vector.shape_cast %broadcast_in_dim3A_732 : vector<16x8x256xbf16> to vector<128x256xbf16>
    %mul3A_734 = arith.mulf %reshape3A_733, %get3A_54 : vector<128x256xbf16>
    %slice3A_735 = vector.extract_strided_slice %convert_element_type3A_51 {offsets = [6656, 0], sizes = [256, 128], strides = [1, 1]} : vector<12800x128xbf16> to vector<256x128xbf16>
    %dot_general3A_736 = arith.constant dense<0.000000e+00> : vector<128x128xf32>
    %dot_general3A_737 = tpu.matmul %mul3A_734, %slice3A_735, %dot_general3A_736 {dimension_numbers = #tpu.dot_dimension_numbers<[1], [0], [0], [1], [0, 0, 1, 1], [], []>, transpose_lhs_hint = false} : vector<128x256xbf16>, vector<256x128xbf16>, vector<128x128xf32> -> vector<128x128xf32>
    %slice3A_738 = vector.extract_strided_slice %dot_general3A_737 {offsets = [0, 0], sizes = [8, 128], strides = [1, 1]} : vector<128x128xf32> to vector<8x128xf32>
    %slice3A_739 = vector.extract_strided_slice %dot_general3A_737 {offsets = [8, 0], sizes = [8, 128], strides = [1, 1]} : vector<128x128xf32> to vector<8x128xf32>
    %slice3A_740 = vector.extract_strided_slice %dot_general3A_737 {offsets = [16, 0], sizes = [8, 128], strides = [1, 1]} : vector<128x128xf32> to vector<8x128xf32>
    %slice3A_741 = vector.extract_strided_slice %dot_general3A_737 {offsets = [24, 0], sizes = [8, 128], strides = [1, 1]} : vector<128x128xf32> to vector<8x128xf32>
    %slice3A_742 = vector.extract_strided_slice %dot_general3A_737 {offsets = [32, 0], sizes = [8, 128], strides = [1, 1]} : vector<128x128xf32> to vector<8x128xf32>
    %slice3A_743 = vector.extract_strided_slice %dot_general3A_737 {offsets = [40, 0], sizes = [8, 128], strides = [1, 1]} : vector<128x128xf32> to vector<8x128xf32>
    %slice3A_744 = vector.extract_strided_slice %dot_general3A_737 {offsets = [48, 0], sizes = [8, 128], strides = [1, 1]} : vector<128x128xf32> to vector<8x128xf32>
    %slice3A_745 = vector.extract_strided_slice %dot_general3A_737 {offsets = [56, 0], sizes = [8, 128], strides = [1, 1]} : vector<128x128xf32> to vector<8x128xf32>
    %slice3A_746 = vector.extract_strided_slice %dot_general3A_737 {offsets = [64, 0], sizes = [8, 128], strides = [1, 1]} : vector<128x128xf32> to vector<8x128xf32>
    %slice3A_747 = vector.extract_strided_slice %dot_general3A_737 {offsets = [72, 0], sizes = [8, 128], strides = [1, 1]} : vector<128x128xf32> to vector<8x128xf32>
    %slice3A_748 = vector.extract_strided_slice %dot_general3A_737 {offsets = [80, 0], sizes = [8, 128], strides = [1, 1]} : vector<128x128xf32> to vector<8x128xf32>
    %slice3A_749 = vector.extract_strided_slice %dot_general3A_737 {offsets = [88, 0], sizes = [8, 128], strides = [1, 1]} : vector<128x128xf32> to vector<8x128xf32>
    %slice3A_750 = vector.extract_strided_slice %dot_general3A_737 {offsets = [96, 0], sizes = [8, 128], strides = [1, 1]} : vector<128x128xf32> to vector<8x128xf32>
    %slice3A_751 = vector.extract_strided_slice %dot_general3A_737 {offsets = [104, 0], sizes = [8, 128], strides = [1, 1]} : vector<128x128xf32> to vector<8x128xf32>
    %slice3A_752 = vector.extract_strided_slice %dot_general3A_737 {offsets = [112, 0], sizes = [8, 128], strides = [1, 1]} : vector<128x128xf32> to vector<8x128xf32>
    %slice3A_753 = vector.extract_strided_slice %dot_general3A_737 {offsets = [120, 0], sizes = [8, 128], strides = [1, 1]} : vector<128x128xf32> to vector<8x128xf32>
    %concatenate3A_754 = tpu.concatenate %slice3A_738, %slice3A_739, %slice3A_740, %slice3A_741, %slice3A_742, %slice3A_743, %slice3A_744, %slice3A_745, %slice3A_746, %slice3A_747, %slice3A_748, %slice3A_749, %slice3A_750, %slice3A_751, %slice3A_752, %slice3A_753 in 1 : vector<8x128xf32>, vector<8x128xf32>, vector<8x128xf32>, vector<8x128xf32>, vector<8x128xf32>, vector<8x128xf32>, vector<8x128xf32>, vector<8x128xf32>, vector<8x128xf32>, vector<8x128xf32>, vector<8x128xf32>, vector<8x128xf32>, vector<8x128xf32>, vector<8x128xf32>, vector<8x128xf32>, vector<8x128xf32> -> vector<8x2048xf32>
    %slice3A_755 = vector.extract_strided_slice %convert_element_type3A {offsets = [0, 6912], sizes = [16, 256], strides = [1, 1]} : vector<16x12800xbf16> to vector<16x256xbf16>
    %broadcast_in_dim3A_756 = vector.shape_cast %slice3A_755 : vector<16x256xbf16> to vector<16x1x256xbf16>
    %broadcast_in_dim3A_757 = vector.shape_cast %broadcast_in_dim3A_756 : vector<16x1x256xbf16> to vector<16x1x256xbf16>
    %broadcast_in_dim3A_758 = vector.broadcast %broadcast_in_dim3A_757 : vector<16x1x256xbf16> to vector<16x8x256xbf16>
    %reshape3A_759 = vector.shape_cast %broadcast_in_dim3A_758 : vector<16x8x256xbf16> to vector<128x256xbf16>
    %mul3A_760 = arith.mulf %reshape3A_759, %get3A_54 : vector<128x256xbf16>
    %slice3A_761 = vector.extract_strided_slice %convert_element_type3A_51 {offsets = [6912, 0], sizes = [256, 128], strides = [1, 1]} : vector<12800x128xbf16> to vector<256x128xbf16>
    %dot_general3A_762 = arith.constant dense<0.000000e+00> : vector<128x128xf32>
    %dot_general3A_763 = tpu.matmul %mul3A_760, %slice3A_761, %dot_general3A_762 {dimension_numbers = #tpu.dot_dimension_numbers<[1], [0], [0], [1], [0, 0, 1, 1], [], []>, transpose_lhs_hint = false} : vector<128x256xbf16>, vector<256x128xbf16>, vector<128x128xf32> -> vector<128x128xf32>
    %slice3A_764 = vector.extract_strided_slice %dot_general3A_763 {offsets = [0, 0], sizes = [8, 128], strides = [1, 1]} : vector<128x128xf32> to vector<8x128xf32>
    %slice3A_765 = vector.extract_strided_slice %dot_general3A_763 {offsets = [8, 0], sizes = [8, 128], strides = [1, 1]} : vector<128x128xf32> to vector<8x128xf32>
    %slice3A_766 = vector.extract_strided_slice %dot_general3A_763 {offsets = [16, 0], sizes = [8, 128], strides = [1, 1]} : vector<128x128xf32> to vector<8x128xf32>
    %slice3A_767 = vector.extract_strided_slice %dot_general3A_763 {offsets = [24, 0], sizes = [8, 128], strides = [1, 1]} : vector<128x128xf32> to vector<8x128xf32>
    %slice3A_768 = vector.extract_strided_slice %dot_general3A_763 {offsets = [32, 0], sizes = [8, 128], strides = [1, 1]} : vector<128x128xf32> to vector<8x128xf32>
    %slice3A_769 = vector.extract_strided_slice %dot_general3A_763 {offsets = [40, 0], sizes = [8, 128], strides = [1, 1]} : vector<128x128xf32> to vector<8x128xf32>
    %slice3A_770 = vector.extract_strided_slice %dot_general3A_763 {offsets = [48, 0], sizes = [8, 128], strides = [1, 1]} : vector<128x128xf32> to vector<8x128xf32>
    %slice3A_771 = vector.extract_strided_slice %dot_general3A_763 {offsets = [56, 0], sizes = [8, 128], strides = [1, 1]} : vector<128x128xf32> to vector<8x128xf32>
    %slice3A_772 = vector.extract_strided_slice %dot_general3A_763 {offsets = [64, 0], sizes = [8, 128], strides = [1, 1]} : vector<128x128xf32> to vector<8x128xf32>
    %slice3A_773 = vector.extract_strided_slice %dot_general3A_763 {offsets = [72, 0], sizes = [8, 128], strides = [1, 1]} : vector<128x128xf32> to vector<8x128xf32>
    %slice3A_774 = vector.extract_strided_slice %dot_general3A_763 {offsets = [80, 0], sizes = [8, 128], strides = [1, 1]} : vector<128x128xf32> to vector<8x128xf32>
    %slice3A_775 = vector.extract_strided_slice %dot_general3A_763 {offsets = [88, 0], sizes = [8, 128], strides = [1, 1]} : vector<128x128xf32> to vector<8x128xf32>
    %slice3A_776 = vector.extract_strided_slice %dot_general3A_763 {offsets = [96, 0], sizes = [8, 128], strides = [1, 1]} : vector<128x128xf32> to vector<8x128xf32>
    %slice3A_777 = vector.extract_strided_slice %dot_general3A_763 {offsets = [104, 0], sizes = [8, 128], strides = [1, 1]} : vector<128x128xf32> to vector<8x128xf32>
    %slice3A_778 = vector.extract_strided_slice %dot_general3A_763 {offsets = [112, 0], sizes = [8, 128], strides = [1, 1]} : vector<128x128xf32> to vector<8x128xf32>
    %slice3A_779 = vector.extract_strided_slice %dot_general3A_763 {offsets = [120, 0], sizes = [8, 128], strides = [1, 1]} : vector<128x128xf32> to vector<8x128xf32>
    %concatenate3A_780 = tpu.concatenate %slice3A_764, %slice3A_765, %slice3A_766, %slice3A_767, %slice3A_768, %slice3A_769, %slice3A_770, %slice3A_771, %slice3A_772, %slice3A_773, %slice3A_774, %slice3A_775, %slice3A_776, %slice3A_777, %slice3A_778, %slice3A_779 in 1 : vector<8x128xf32>, vector<8x128xf32>, vector<8x128xf32>, vector<8x128xf32>, vector<8x128xf32>, vector<8x128xf32>, vector<8x128xf32>, vector<8x128xf32>, vector<8x128xf32>, vector<8x128xf32>, vector<8x128xf32>, vector<8x128xf32>, vector<8x128xf32>, vector<8x128xf32>, vector<8x128xf32>, vector<8x128xf32> -> vector<8x2048xf32>
    %slice3A_781 = vector.extract_strided_slice %convert_element_type3A {offsets = [0, 7168], sizes = [16, 256], strides = [1, 1]} : vector<16x12800xbf16> to vector<16x256xbf16>
    %broadcast_in_dim3A_782 = vector.shape_cast %slice3A_781 : vector<16x256xbf16> to vector<16x1x256xbf16>
    %broadcast_in_dim3A_783 = vector.shape_cast %broadcast_in_dim3A_782 : vector<16x1x256xbf16> to vector<16x1x256xbf16>
    %broadcast_in_dim3A_784 = vector.broadcast %broadcast_in_dim3A_783 : vector<16x1x256xbf16> to vector<16x8x256xbf16>
    %reshape3A_785 = vector.shape_cast %broadcast_in_dim3A_784 : vector<16x8x256xbf16> to vector<128x256xbf16>
    %mul3A_786 = arith.mulf %reshape3A_785, %get3A_54 : vector<128x256xbf16>
    %slice3A_787 = vector.extract_strided_slice %convert_element_type3A_51 {offsets = [7168, 0], sizes = [256, 128], strides = [1, 1]} : vector<12800x128xbf16> to vector<256x128xbf16>
    %dot_general3A_788 = arith.constant dense<0.000000e+00> : vector<128x128xf32>
    %dot_general3A_789 = tpu.matmul %mul3A_786, %slice3A_787, %dot_general3A_788 {dimension_numbers = #tpu.dot_dimension_numbers<[1], [0], [0], [1], [0, 0, 1, 1], [], []>, transpose_lhs_hint = false} : vector<128x256xbf16>, vector<256x128xbf16>, vector<128x128xf32> -> vector<128x128xf32>
    %slice3A_790 = vector.extract_strided_slice %dot_general3A_789 {offsets = [0, 0], sizes = [8, 128], strides = [1, 1]} : vector<128x128xf32> to vector<8x128xf32>
    %slice3A_791 = vector.extract_strided_slice %dot_general3A_789 {offsets = [8, 0], sizes = [8, 128], strides = [1, 1]} : vector<128x128xf32> to vector<8x128xf32>
    %slice3A_792 = vector.extract_strided_slice %dot_general3A_789 {offsets = [16, 0], sizes = [8, 128], strides = [1, 1]} : vector<128x128xf32> to vector<8x128xf32>
    %slice3A_793 = vector.extract_strided_slice %dot_general3A_789 {offsets = [24, 0], sizes = [8, 128], strides = [1, 1]} : vector<128x128xf32> to vector<8x128xf32>
    %slice3A_794 = vector.extract_strided_slice %dot_general3A_789 {offsets = [32, 0], sizes = [8, 128], strides = [1, 1]} : vector<128x128xf32> to vector<8x128xf32>
    %slice3A_795 = vector.extract_strided_slice %dot_general3A_789 {offsets = [40, 0], sizes = [8, 128], strides = [1, 1]} : vector<128x128xf32> to vector<8x128xf32>
    %slice3A_796 = vector.extract_strided_slice %dot_general3A_789 {offsets = [48, 0], sizes = [8, 128], strides = [1, 1]} : vector<128x128xf32> to vector<8x128xf32>
    %slice3A_797 = vector.extract_strided_slice %dot_general3A_789 {offsets = [56, 0], sizes = [8, 128], strides = [1, 1]} : vector<128x128xf32> to vector<8x128xf32>
    %slice3A_798 = vector.extract_strided_slice %dot_general3A_789 {offsets = [64, 0], sizes = [8, 128], strides = [1, 1]} : vector<128x128xf32> to vector<8x128xf32>
    %slice3A_799 = vector.extract_strided_slice %dot_general3A_789 {offsets = [72, 0], sizes = [8, 128], strides = [1, 1]} : vector<128x128xf32> to vector<8x128xf32>
    %slice3A_800 = vector.extract_strided_slice %dot_general3A_789 {offsets = [80, 0], sizes = [8, 128], strides = [1, 1]} : vector<128x128xf32> to vector<8x128xf32>
    %slice3A_801 = vector.extract_strided_slice %dot_general3A_789 {offsets = [88, 0], sizes = [8, 128], strides = [1, 1]} : vector<128x128xf32> to vector<8x128xf32>
    %slice3A_802 = vector.extract_strided_slice %dot_general3A_789 {offsets = [96, 0], sizes = [8, 128], strides = [1, 1]} : vector<128x128xf32> to vector<8x128xf32>
    %slice3A_803 = vector.extract_strided_slice %dot_general3A_789 {offsets = [104, 0], sizes = [8, 128], strides = [1, 1]} : vector<128x128xf32> to vector<8x128xf32>
    %slice3A_804 = vector.extract_strided_slice %dot_general3A_789 {offsets = [112, 0], sizes = [8, 128], strides = [1, 1]} : vector<128x128xf32> to vector<8x128xf32>
    %slice3A_805 = vector.extract_strided_slice %dot_general3A_789 {offsets = [120, 0], sizes = [8, 128], strides = [1, 1]} : vector<128x128xf32> to vector<8x128xf32>
    %concatenate3A_806 = tpu.concatenate %slice3A_790, %slice3A_791, %slice3A_792, %slice3A_793, %slice3A_794, %slice3A_795, %slice3A_796, %slice3A_797, %slice3A_798, %slice3A_799, %slice3A_800, %slice3A_801, %slice3A_802, %slice3A_803, %slice3A_804, %slice3A_805 in 1 : vector<8x128xf32>, vector<8x128xf32>, vector<8x128xf32>, vector<8x128xf32>, vector<8x128xf32>, vector<8x128xf32>, vector<8x128xf32>, vector<8x128xf32>, vector<8x128xf32>, vector<8x128xf32>, vector<8x128xf32>, vector<8x128xf32>, vector<8x128xf32>, vector<8x128xf32>, vector<8x128xf32>, vector<8x128xf32> -> vector<8x2048xf32>
    %slice3A_807 = vector.extract_strided_slice %convert_element_type3A {offsets = [0, 7424], sizes = [16, 256], strides = [1, 1]} : vector<16x12800xbf16> to vector<16x256xbf16>
    %broadcast_in_dim3A_808 = vector.shape_cast %slice3A_807 : vector<16x256xbf16> to vector<16x1x256xbf16>
    %broadcast_in_dim3A_809 = vector.shape_cast %broadcast_in_dim3A_808 : vector<16x1x256xbf16> to vector<16x1x256xbf16>
    %broadcast_in_dim3A_810 = vector.broadcast %broadcast_in_dim3A_809 : vector<16x1x256xbf16> to vector<16x8x256xbf16>
    %reshape3A_811 = vector.shape_cast %broadcast_in_dim3A_810 : vector<16x8x256xbf16> to vector<128x256xbf16>
    %mul3A_812 = arith.mulf %reshape3A_811, %get3A_54 : vector<128x256xbf16>
    %slice3A_813 = vector.extract_strided_slice %convert_element_type3A_51 {offsets = [7424, 0], sizes = [256, 128], strides = [1, 1]} : vector<12800x128xbf16> to vector<256x128xbf16>
    %dot_general3A_814 = arith.constant dense<0.000000e+00> : vector<128x128xf32>
    %dot_general3A_815 = tpu.matmul %mul3A_812, %slice3A_813, %dot_general3A_814 {dimension_numbers = #tpu.dot_dimension_numbers<[1], [0], [0], [1], [0, 0, 1, 1], [], []>, transpose_lhs_hint = false} : vector<128x256xbf16>, vector<256x128xbf16>, vector<128x128xf32> -> vector<128x128xf32>
    %slice3A_816 = vector.extract_strided_slice %dot_general3A_815 {offsets = [0, 0], sizes = [8, 128], strides = [1, 1]} : vector<128x128xf32> to vector<8x128xf32>
    %slice3A_817 = vector.extract_strided_slice %dot_general3A_815 {offsets = [8, 0], sizes = [8, 128], strides = [1, 1]} : vector<128x128xf32> to vector<8x128xf32>
    %slice3A_818 = vector.extract_strided_slice %dot_general3A_815 {offsets = [16, 0], sizes = [8, 128], strides = [1, 1]} : vector<128x128xf32> to vector<8x128xf32>
    %slice3A_819 = vector.extract_strided_slice %dot_general3A_815 {offsets = [24, 0], sizes = [8, 128], strides = [1, 1]} : vector<128x128xf32> to vector<8x128xf32>
    %slice3A_820 = vector.extract_strided_slice %dot_general3A_815 {offsets = [32, 0], sizes = [8, 128], strides = [1, 1]} : vector<128x128xf32> to vector<8x128xf32>
    %slice3A_821 = vector.extract_strided_slice %dot_general3A_815 {offsets = [40, 0], sizes = [8, 128], strides = [1, 1]} : vector<128x128xf32> to vector<8x128xf32>
    %slice3A_822 = vector.extract_strided_slice %dot_general3A_815 {offsets = [48, 0], sizes = [8, 128], strides = [1, 1]} : vector<128x128xf32> to vector<8x128xf32>
    %slice3A_823 = vector.extract_strided_slice %dot_general3A_815 {offsets = [56, 0], sizes = [8, 128], strides = [1, 1]} : vector<128x128xf32> to vector<8x128xf32>
    %slice3A_824 = vector.extract_strided_slice %dot_general3A_815 {offsets = [64, 0], sizes = [8, 128], strides = [1, 1]} : vector<128x128xf32> to vector<8x128xf32>
    %slice3A_825 = vector.extract_strided_slice %dot_general3A_815 {offsets = [72, 0], sizes = [8, 128], strides = [1, 1]} : vector<128x128xf32> to vector<8x128xf32>
    %slice3A_826 = vector.extract_strided_slice %dot_general3A_815 {offsets = [80, 0], sizes = [8, 128], strides = [1, 1]} : vector<128x128xf32> to vector<8x128xf32>
    %slice3A_827 = vector.extract_strided_slice %dot_general3A_815 {offsets = [88, 0], sizes = [8, 128], strides = [1, 1]} : vector<128x128xf32> to vector<8x128xf32>
    %slice3A_828 = vector.extract_strided_slice %dot_general3A_815 {offsets = [96, 0], sizes = [8, 128], strides = [1, 1]} : vector<128x128xf32> to vector<8x128xf32>
    %slice3A_829 = vector.extract_strided_slice %dot_general3A_815 {offsets = [104, 0], sizes = [8, 128], strides = [1, 1]} : vector<128x128xf32> to vector<8x128xf32>
    %slice3A_830 = vector.extract_strided_slice %dot_general3A_815 {offsets = [112, 0], sizes = [8, 128], strides = [1, 1]} : vector<128x128xf32> to vector<8x128xf32>
    %slice3A_831 = vector.extract_strided_slice %dot_general3A_815 {offsets = [120, 0], sizes = [8, 128], strides = [1, 1]} : vector<128x128xf32> to vector<8x128xf32>
    %concatenate3A_832 = tpu.concatenate %slice3A_816, %slice3A_817, %slice3A_818, %slice3A_819, %slice3A_820, %slice3A_821, %slice3A_822, %slice3A_823, %slice3A_824, %slice3A_825, %slice3A_826, %slice3A_827, %slice3A_828, %slice3A_829, %slice3A_830, %slice3A_831 in 1 : vector<8x128xf32>, vector<8x128xf32>, vector<8x128xf32>, vector<8x128xf32>, vector<8x128xf32>, vector<8x128xf32>, vector<8x128xf32>, vector<8x128xf32>, vector<8x128xf32>, vector<8x128xf32>, vector<8x128xf32>, vector<8x128xf32>, vector<8x128xf32>, vector<8x128xf32>, vector<8x128xf32>, vector<8x128xf32> -> vector<8x2048xf32>
    %slice3A_833 = vector.extract_strided_slice %convert_element_type3A {offsets = [0, 7680], sizes = [16, 256], strides = [1, 1]} : vector<16x12800xbf16> to vector<16x256xbf16>
    %broadcast_in_dim3A_834 = vector.shape_cast %slice3A_833 : vector<16x256xbf16> to vector<16x1x256xbf16>
    %broadcast_in_dim3A_835 = vector.shape_cast %broadcast_in_dim3A_834 : vector<16x1x256xbf16> to vector<16x1x256xbf16>
    %broadcast_in_dim3A_836 = vector.broadcast %broadcast_in_dim3A_835 : vector<16x1x256xbf16> to vector<16x8x256xbf16>
    %reshape3A_837 = vector.shape_cast %broadcast_in_dim3A_836 : vector<16x8x256xbf16> to vector<128x256xbf16>
    %mul3A_838 = arith.mulf %reshape3A_837, %get3A_54 : vector<128x256xbf16>
    %slice3A_839 = vector.extract_strided_slice %convert_element_type3A_51 {offsets = [7680, 0], sizes = [256, 128], strides = [1, 1]} : vector<12800x128xbf16> to vector<256x128xbf16>
    %dot_general3A_840 = arith.constant dense<0.000000e+00> : vector<128x128xf32>
    %dot_general3A_841 = tpu.matmul %mul3A_838, %slice3A_839, %dot_general3A_840 {dimension_numbers = #tpu.dot_dimension_numbers<[1], [0], [0], [1], [0, 0, 1, 1], [], []>, transpose_lhs_hint = false} : vector<128x256xbf16>, vector<256x128xbf16>, vector<128x128xf32> -> vector<128x128xf32>
    %slice3A_842 = vector.extract_strided_slice %dot_general3A_841 {offsets = [0, 0], sizes = [8, 128], strides = [1, 1]} : vector<128x128xf32> to vector<8x128xf32>
    %slice3A_843 = vector.extract_strided_slice %dot_general3A_841 {offsets = [8, 0], sizes = [8, 128], strides = [1, 1]} : vector<128x128xf32> to vector<8x128xf32>
    %slice3A_844 = vector.extract_strided_slice %dot_general3A_841 {offsets = [16, 0], sizes = [8, 128], strides = [1, 1]} : vector<128x128xf32> to vector<8x128xf32>
    %slice3A_845 = vector.extract_strided_slice %dot_general3A_841 {offsets = [24, 0], sizes = [8, 128], strides = [1, 1]} : vector<128x128xf32> to vector<8x128xf32>
    %slice3A_846 = vector.extract_strided_slice %dot_general3A_841 {offsets = [32, 0], sizes = [8, 128], strides = [1, 1]} : vector<128x128xf32> to vector<8x128xf32>
    %slice3A_847 = vector.extract_strided_slice %dot_general3A_841 {offsets = [40, 0], sizes = [8, 128], strides = [1, 1]} : vector<128x128xf32> to vector<8x128xf32>
    %slice3A_848 = vector.extract_strided_slice %dot_general3A_841 {offsets = [48, 0], sizes = [8, 128], strides = [1, 1]} : vector<128x128xf32> to vector<8x128xf32>
    %slice3A_849 = vector.extract_strided_slice %dot_general3A_841 {offsets = [56, 0], sizes = [8, 128], strides = [1, 1]} : vector<128x128xf32> to vector<8x128xf32>
    %slice3A_850 = vector.extract_strided_slice %dot_general3A_841 {offsets = [64, 0], sizes = [8, 128], strides = [1, 1]} : vector<128x128xf32> to vector<8x128xf32>
    %slice3A_851 = vector.extract_strided_slice %dot_general3A_841 {offsets = [72, 0], sizes = [8, 128], strides = [1, 1]} : vector<128x128xf32> to vector<8x128xf32>
    %slice3A_852 = vector.extract_strided_slice %dot_general3A_841 {offsets = [80, 0], sizes = [8, 128], strides = [1, 1]} : vector<128x128xf32> to vector<8x128xf32>
    %slice3A_853 = vector.extract_strided_slice %dot_general3A_841 {offsets = [88, 0], sizes = [8, 128], strides = [1, 1]} : vector<128x128xf32> to vector<8x128xf32>
    %slice3A_854 = vector.extract_strided_slice %dot_general3A_841 {offsets = [96, 0], sizes = [8, 128], strides = [1, 1]} : vector<128x128xf32> to vector<8x128xf32>
    %slice3A_855 = vector.extract_strided_slice %dot_general3A_841 {offsets = [104, 0], sizes = [8, 128], strides = [1, 1]} : vector<128x128xf32> to vector<8x128xf32>
    %slice3A_856 = vector.extract_strided_slice %dot_general3A_841 {offsets = [112, 0], sizes = [8, 128], strides = [1, 1]} : vector<128x128xf32> to vector<8x128xf32>
    %slice3A_857 = vector.extract_strided_slice %dot_general3A_841 {offsets = [120, 0], sizes = [8, 128], strides = [1, 1]} : vector<128x128xf32> to vector<8x128xf32>
    %concatenate3A_858 = tpu.concatenate %slice3A_842, %slice3A_843, %slice3A_844, %slice3A_845, %slice3A_846, %slice3A_847, %slice3A_848, %slice3A_849, %slice3A_850, %slice3A_851, %slice3A_852, %slice3A_853, %slice3A_854, %slice3A_855, %slice3A_856, %slice3A_857 in 1 : vector<8x128xf32>, vector<8x128xf32>, vector<8x128xf32>, vector<8x128xf32>, vector<8x128xf32>, vector<8x128xf32>, vector<8x128xf32>, vector<8x128xf32>, vector<8x128xf32>, vector<8x128xf32>, vector<8x128xf32>, vector<8x128xf32>, vector<8x128xf32>, vector<8x128xf32>, vector<8x128xf32>, vector<8x128xf32> -> vector<8x2048xf32>
    %slice3A_859 = vector.extract_strided_slice %convert_element_type3A {offsets = [0, 7936], sizes = [16, 256], strides = [1, 1]} : vector<16x12800xbf16> to vector<16x256xbf16>
    %broadcast_in_dim3A_860 = vector.shape_cast %slice3A_859 : vector<16x256xbf16> to vector<16x1x256xbf16>
    %broadcast_in_dim3A_861 = vector.shape_cast %broadcast_in_dim3A_860 : vector<16x1x256xbf16> to vector<16x1x256xbf16>
    %broadcast_in_dim3A_862 = vector.broadcast %broadcast_in_dim3A_861 : vector<16x1x256xbf16> to vector<16x8x256xbf16>
    %reshape3A_863 = vector.shape_cast %broadcast_in_dim3A_862 : vector<16x8x256xbf16> to vector<128x256xbf16>
    %mul3A_864 = arith.mulf %reshape3A_863, %get3A_54 : vector<128x256xbf16>
    %slice3A_865 = vector.extract_strided_slice %convert_element_type3A_51 {offsets = [7936, 0], sizes = [256, 128], strides = [1, 1]} : vector<12800x128xbf16> to vector<256x128xbf16>
    %dot_general3A_866 = arith.constant dense<0.000000e+00> : vector<128x128xf32>
    %dot_general3A_867 = tpu.matmul %mul3A_864, %slice3A_865, %dot_general3A_866 {dimension_numbers = #tpu.dot_dimension_numbers<[1], [0], [0], [1], [0, 0, 1, 1], [], []>, transpose_lhs_hint = false} : vector<128x256xbf16>, vector<256x128xbf16>, vector<128x128xf32> -> vector<128x128xf32>
    %slice3A_868 = vector.extract_strided_slice %dot_general3A_867 {offsets = [0, 0], sizes = [8, 128], strides = [1, 1]} : vector<128x128xf32> to vector<8x128xf32>
    %slice3A_869 = vector.extract_strided_slice %dot_general3A_867 {offsets = [8, 0], sizes = [8, 128], strides = [1, 1]} : vector<128x128xf32> to vector<8x128xf32>
    %slice3A_870 = vector.extract_strided_slice %dot_general3A_867 {offsets = [16, 0], sizes = [8, 128], strides = [1, 1]} : vector<128x128xf32> to vector<8x128xf32>
    %slice3A_871 = vector.extract_strided_slice %dot_general3A_867 {offsets = [24, 0], sizes = [8, 128], strides = [1, 1]} : vector<128x128xf32> to vector<8x128xf32>
    %slice3A_872 = vector.extract_strided_slice %dot_general3A_867 {offsets = [32, 0], sizes = [8, 128], strides = [1, 1]} : vector<128x128xf32> to vector<8x128xf32>
    %slice3A_873 = vector.extract_strided_slice %dot_general3A_867 {offsets = [40, 0], sizes = [8, 128], strides = [1, 1]} : vector<128x128xf32> to vector<8x128xf32>
    %slice3A_874 = vector.extract_strided_slice %dot_general3A_867 {offsets = [48, 0], sizes = [8, 128], strides = [1, 1]} : vector<128x128xf32> to vector<8x128xf32>
    %slice3A_875 = vector.extract_strided_slice %dot_general3A_867 {offsets = [56, 0], sizes = [8, 128], strides = [1, 1]} : vector<128x128xf32> to vector<8x128xf32>
    %slice3A_876 = vector.extract_strided_slice %dot_general3A_867 {offsets = [64, 0], sizes = [8, 128], strides = [1, 1]} : vector<128x128xf32> to vector<8x128xf32>
    %slice3A_877 = vector.extract_strided_slice %dot_general3A_867 {offsets = [72, 0], sizes = [8, 128], strides = [1, 1]} : vector<128x128xf32> to vector<8x128xf32>
    %slice3A_878 = vector.extract_strided_slice %dot_general3A_867 {offsets = [80, 0], sizes = [8, 128], strides = [1, 1]} : vector<128x128xf32> to vector<8x128xf32>
    %slice3A_879 = vector.extract_strided_slice %dot_general3A_867 {offsets = [88, 0], sizes = [8, 128], strides = [1, 1]} : vector<128x128xf32> to vector<8x128xf32>
    %slice3A_880 = vector.extract_strided_slice %dot_general3A_867 {offsets = [96, 0], sizes = [8, 128], strides = [1, 1]} : vector<128x128xf32> to vector<8x128xf32>
    %slice3A_881 = vector.extract_strided_slice %dot_general3A_867 {offsets = [104, 0], sizes = [8, 128], strides = [1, 1]} : vector<128x128xf32> to vector<8x128xf32>
    %slice3A_882 = vector.extract_strided_slice %dot_general3A_867 {offsets = [112, 0], sizes = [8, 128], strides = [1, 1]} : vector<128x128xf32> to vector<8x128xf32>
    %slice3A_883 = vector.extract_strided_slice %dot_general3A_867 {offsets = [120, 0], sizes = [8, 128], strides = [1, 1]} : vector<128x128xf32> to vector<8x128xf32>
    %concatenate3A_884 = tpu.concatenate %slice3A_868, %slice3A_869, %slice3A_870, %slice3A_871, %slice3A_872, %slice3A_873, %slice3A_874, %slice3A_875, %slice3A_876, %slice3A_877, %slice3A_878, %slice3A_879, %slice3A_880, %slice3A_881, %slice3A_882, %slice3A_883 in 1 : vector<8x128xf32>, vector<8x128xf32>, vector<8x128xf32>, vector<8x128xf32>, vector<8x128xf32>, vector<8x128xf32>, vector<8x128xf32>, vector<8x128xf32>, vector<8x128xf32>, vector<8x128xf32>, vector<8x128xf32>, vector<8x128xf32>, vector<8x128xf32>, vector<8x128xf32>, vector<8x128xf32>, vector<8x128xf32> -> vector<8x2048xf32>
    %slice3A_885 = vector.extract_strided_slice %convert_element_type3A {offsets = [0, 8192], sizes = [16, 256], strides = [1, 1]} : vector<16x12800xbf16> to vector<16x256xbf16>
    %broadcast_in_dim3A_886 = vector.shape_cast %slice3A_885 : vector<16x256xbf16> to vector<16x1x256xbf16>
    %broadcast_in_dim3A_887 = vector.shape_cast %broadcast_in_dim3A_886 : vector<16x1x256xbf16> to vector<16x1x256xbf16>
    %broadcast_in_dim3A_888 = vector.broadcast %broadcast_in_dim3A_887 : vector<16x1x256xbf16> to vector<16x8x256xbf16>
    %reshape3A_889 = vector.shape_cast %broadcast_in_dim3A_888 : vector<16x8x256xbf16> to vector<128x256xbf16>
    %mul3A_890 = arith.mulf %reshape3A_889, %get3A_54 : vector<128x256xbf16>
    %slice3A_891 = vector.extract_strided_slice %convert_element_type3A_51 {offsets = [8192, 0], sizes = [256, 128], strides = [1, 1]} : vector<12800x128xbf16> to vector<256x128xbf16>
    %dot_general3A_892 = arith.constant dense<0.000000e+00> : vector<128x128xf32>
    %dot_general3A_893 = tpu.matmul %mul3A_890, %slice3A_891, %dot_general3A_892 {dimension_numbers = #tpu.dot_dimension_numbers<[1], [0], [0], [1], [0, 0, 1, 1], [], []>, transpose_lhs_hint = false} : vector<128x256xbf16>, vector<256x128xbf16>, vector<128x128xf32> -> vector<128x128xf32>
    %slice3A_894 = vector.extract_strided_slice %dot_general3A_893 {offsets = [0, 0], sizes = [8, 128], strides = [1, 1]} : vector<128x128xf32> to vector<8x128xf32>
    %slice3A_895 = vector.extract_strided_slice %dot_general3A_893 {offsets = [8, 0], sizes = [8, 128], strides = [1, 1]} : vector<128x128xf32> to vector<8x128xf32>
    %slice3A_896 = vector.extract_strided_slice %dot_general3A_893 {offsets = [16, 0], sizes = [8, 128], strides = [1, 1]} : vector<128x128xf32> to vector<8x128xf32>
    %slice3A_897 = vector.extract_strided_slice %dot_general3A_893 {offsets = [24, 0], sizes = [8, 128], strides = [1, 1]} : vector<128x128xf32> to vector<8x128xf32>
    %slice3A_898 = vector.extract_strided_slice %dot_general3A_893 {offsets = [32, 0], sizes = [8, 128], strides = [1, 1]} : vector<128x128xf32> to vector<8x128xf32>
    %slice3A_899 = vector.extract_strided_slice %dot_general3A_893 {offsets = [40, 0], sizes = [8, 128], strides = [1, 1]} : vector<128x128xf32> to vector<8x128xf32>
    %slice3A_900 = vector.extract_strided_slice %dot_general3A_893 {offsets = [48, 0], sizes = [8, 128], strides = [1, 1]} : vector<128x128xf32> to vector<8x128xf32>
    %slice3A_901 = vector.extract_strided_slice %dot_general3A_893 {offsets = [56, 0], sizes = [8, 128], strides = [1, 1]} : vector<128x128xf32> to vector<8x128xf32>
    %slice3A_902 = vector.extract_strided_slice %dot_general3A_893 {offsets = [64, 0], sizes = [8, 128], strides = [1, 1]} : vector<128x128xf32> to vector<8x128xf32>
    %slice3A_903 = vector.extract_strided_slice %dot_general3A_893 {offsets = [72, 0], sizes = [8, 128], strides = [1, 1]} : vector<128x128xf32> to vector<8x128xf32>
    %slice3A_904 = vector.extract_strided_slice %dot_general3A_893 {offsets = [80, 0], sizes = [8, 128], strides = [1, 1]} : vector<128x128xf32> to vector<8x128xf32>
    %slice3A_905 = vector.extract_strided_slice %dot_general3A_893 {offsets = [88, 0], sizes = [8, 128], strides = [1, 1]} : vector<128x128xf32> to vector<8x128xf32>
    %slice3A_906 = vector.extract_strided_slice %dot_general3A_893 {offsets = [96, 0], sizes = [8, 128], strides = [1, 1]} : vector<128x128xf32> to vector<8x128xf32>
    %slice3A_907 = vector.extract_strided_slice %dot_general3A_893 {offsets = [104, 0], sizes = [8, 128], strides = [1, 1]} : vector<128x128xf32> to vector<8x128xf32>
    %slice3A_908 = vector.extract_strided_slice %dot_general3A_893 {offsets = [112, 0], sizes = [8, 128], strides = [1, 1]} : vector<128x128xf32> to vector<8x128xf32>
    %slice3A_909 = vector.extract_strided_slice %dot_general3A_893 {offsets = [120, 0], sizes = [8, 128], strides = [1, 1]} : vector<128x128xf32> to vector<8x128xf32>
    %concatenate3A_910 = tpu.concatenate %slice3A_894, %slice3A_895, %slice3A_896, %slice3A_897, %slice3A_898, %slice3A_899, %slice3A_900, %slice3A_901, %slice3A_902, %slice3A_903, %slice3A_904, %slice3A_905, %slice3A_906, %slice3A_907, %slice3A_908, %slice3A_909 in 1 : vector<8x128xf32>, vector<8x128xf32>, vector<8x128xf32>, vector<8x128xf32>, vector<8x128xf32>, vector<8x128xf32>, vector<8x128xf32>, vector<8x128xf32>, vector<8x128xf32>, vector<8x128xf32>, vector<8x128xf32>, vector<8x128xf32>, vector<8x128xf32>, vector<8x128xf32>, vector<8x128xf32>, vector<8x128xf32> -> vector<8x2048xf32>
    %slice3A_911 = vector.extract_strided_slice %convert_element_type3A {offsets = [0, 8448], sizes = [16, 256], strides = [1, 1]} : vector<16x12800xbf16> to vector<16x256xbf16>
    %broadcast_in_dim3A_912 = vector.shape_cast %slice3A_911 : vector<16x256xbf16> to vector<16x1x256xbf16>
    %broadcast_in_dim3A_913 = vector.shape_cast %broadcast_in_dim3A_912 : vector<16x1x256xbf16> to vector<16x1x256xbf16>
    %broadcast_in_dim3A_914 = vector.broadcast %broadcast_in_dim3A_913 : vector<16x1x256xbf16> to vector<16x8x256xbf16>
    %reshape3A_915 = vector.shape_cast %broadcast_in_dim3A_914 : vector<16x8x256xbf16> to vector<128x256xbf16>
    %mul3A_916 = arith.mulf %reshape3A_915, %get3A_54 : vector<128x256xbf16>
    %slice3A_917 = vector.extract_strided_slice %convert_element_type3A_51 {offsets = [8448, 0], sizes = [256, 128], strides = [1, 1]} : vector<12800x128xbf16> to vector<256x128xbf16>
    %dot_general3A_918 = arith.constant dense<0.000000e+00> : vector<128x128xf32>
    %dot_general3A_919 = tpu.matmul %mul3A_916, %slice3A_917, %dot_general3A_918 {dimension_numbers = #tpu.dot_dimension_numbers<[1], [0], [0], [1], [0, 0, 1, 1], [], []>, transpose_lhs_hint = false} : vector<128x256xbf16>, vector<256x128xbf16>, vector<128x128xf32> -> vector<128x128xf32>
    %slice3A_920 = vector.extract_strided_slice %dot_general3A_919 {offsets = [0, 0], sizes = [8, 128], strides = [1, 1]} : vector<128x128xf32> to vector<8x128xf32>
    %slice3A_921 = vector.extract_strided_slice %dot_general3A_919 {offsets = [8, 0], sizes = [8, 128], strides = [1, 1]} : vector<128x128xf32> to vector<8x128xf32>
    %slice3A_922 = vector.extract_strided_slice %dot_general3A_919 {offsets = [16, 0], sizes = [8, 128], strides = [1, 1]} : vector<128x128xf32> to vector<8x128xf32>
    %slice3A_923 = vector.extract_strided_slice %dot_general3A_919 {offsets = [24, 0], sizes = [8, 128], strides = [1, 1]} : vector<128x128xf32> to vector<8x128xf32>
    %slice3A_924 = vector.extract_strided_slice %dot_general3A_919 {offsets = [32, 0], sizes = [8, 128], strides = [1, 1]} : vector<128x128xf32> to vector<8x128xf32>
    %slice3A_925 = vector.extract_strided_slice %dot_general3A_919 {offsets = [40, 0], sizes = [8, 128], strides = [1, 1]} : vector<128x128xf32> to vector<8x128xf32>
    %slice3A_926 = vector.extract_strided_slice %dot_general3A_919 {offsets = [48, 0], sizes = [8, 128], strides = [1, 1]} : vector<128x128xf32> to vector<8x128xf32>
    %slice3A_927 = vector.extract_strided_slice %dot_general3A_919 {offsets = [56, 0], sizes = [8, 128], strides = [1, 1]} : vector<128x128xf32> to vector<8x128xf32>
    %slice3A_928 = vector.extract_strided_slice %dot_general3A_919 {offsets = [64, 0], sizes = [8, 128], strides = [1, 1]} : vector<128x128xf32> to vector<8x128xf32>
    %slice3A_929 = vector.extract_strided_slice %dot_general3A_919 {offsets = [72, 0], sizes = [8, 128], strides = [1, 1]} : vector<128x128xf32> to vector<8x128xf32>
    %slice3A_930 = vector.extract_strided_slice %dot_general3A_919 {offsets = [80, 0], sizes = [8, 128], strides = [1, 1]} : vector<128x128xf32> to vector<8x128xf32>
    %slice3A_931 = vector.extract_strided_slice %dot_general3A_919 {offsets = [88, 0], sizes = [8, 128], strides = [1, 1]} : vector<128x128xf32> to vector<8x128xf32>
    %slice3A_932 = vector.extract_strided_slice %dot_general3A_919 {offsets = [96, 0], sizes = [8, 128], strides = [1, 1]} : vector<128x128xf32> to vector<8x128xf32>
    %slice3A_933 = vector.extract_strided_slice %dot_general3A_919 {offsets = [104, 0], sizes = [8, 128], strides = [1, 1]} : vector<128x128xf32> to vector<8x128xf32>
    %slice3A_934 = vector.extract_strided_slice %dot_general3A_919 {offsets = [112, 0], sizes = [8, 128], strides = [1, 1]} : vector<128x128xf32> to vector<8x128xf32>
    %slice3A_935 = vector.extract_strided_slice %dot_general3A_919 {offsets = [120, 0], sizes = [8, 128], strides = [1, 1]} : vector<128x128xf32> to vector<8x128xf32>
    %concatenate3A_936 = tpu.concatenate %slice3A_920, %slice3A_921, %slice3A_922, %slice3A_923, %slice3A_924, %slice3A_925, %slice3A_926, %slice3A_927, %slice3A_928, %slice3A_929, %slice3A_930, %slice3A_931, %slice3A_932, %slice3A_933, %slice3A_934, %slice3A_935 in 1 : vector<8x128xf32>, vector<8x128xf32>, vector<8x128xf32>, vector<8x128xf32>, vector<8x128xf32>, vector<8x128xf32>, vector<8x128xf32>, vector<8x128xf32>, vector<8x128xf32>, vector<8x128xf32>, vector<8x128xf32>, vector<8x128xf32>, vector<8x128xf32>, vector<8x128xf32>, vector<8x128xf32>, vector<8x128xf32> -> vector<8x2048xf32>
    %slice3A_937 = vector.extract_strided_slice %convert_element_type3A {offsets = [0, 8704], sizes = [16, 256], strides = [1, 1]} : vector<16x12800xbf16> to vector<16x256xbf16>
    %broadcast_in_dim3A_938 = vector.shape_cast %slice3A_937 : vector<16x256xbf16> to vector<16x1x256xbf16>
    %broadcast_in_dim3A_939 = vector.shape_cast %broadcast_in_dim3A_938 : vector<16x1x256xbf16> to vector<16x1x256xbf16>
    %broadcast_in_dim3A_940 = vector.broadcast %broadcast_in_dim3A_939 : vector<16x1x256xbf16> to vector<16x8x256xbf16>
    %reshape3A_941 = vector.shape_cast %broadcast_in_dim3A_940 : vector<16x8x256xbf16> to vector<128x256xbf16>
    %mul3A_942 = arith.mulf %reshape3A_941, %get3A_54 : vector<128x256xbf16>
    %slice3A_943 = vector.extract_strided_slice %convert_element_type3A_51 {offsets = [8704, 0], sizes = [256, 128], strides = [1, 1]} : vector<12800x128xbf16> to vector<256x128xbf16>
    %dot_general3A_944 = arith.constant dense<0.000000e+00> : vector<128x128xf32>
    %dot_general3A_945 = tpu.matmul %mul3A_942, %slice3A_943, %dot_general3A_944 {dimension_numbers = #tpu.dot_dimension_numbers<[1], [0], [0], [1], [0, 0, 1, 1], [], []>, transpose_lhs_hint = false} : vector<128x256xbf16>, vector<256x128xbf16>, vector<128x128xf32> -> vector<128x128xf32>
    %slice3A_946 = vector.extract_strided_slice %dot_general3A_945 {offsets = [0, 0], sizes = [8, 128], strides = [1, 1]} : vector<128x128xf32> to vector<8x128xf32>
    %slice3A_947 = vector.extract_strided_slice %dot_general3A_945 {offsets = [8, 0], sizes = [8, 128], strides = [1, 1]} : vector<128x128xf32> to vector<8x128xf32>
    %slice3A_948 = vector.extract_strided_slice %dot_general3A_945 {offsets = [16, 0], sizes = [8, 128], strides = [1, 1]} : vector<128x128xf32> to vector<8x128xf32>
    %slice3A_949 = vector.extract_strided_slice %dot_general3A_945 {offsets = [24, 0], sizes = [8, 128], strides = [1, 1]} : vector<128x128xf32> to vector<8x128xf32>
    %slice3A_950 = vector.extract_strided_slice %dot_general3A_945 {offsets = [32, 0], sizes = [8, 128], strides = [1, 1]} : vector<128x128xf32> to vector<8x128xf32>
    %slice3A_951 = vector.extract_strided_slice %dot_general3A_945 {offsets = [40, 0], sizes = [8, 128], strides = [1, 1]} : vector<128x128xf32> to vector<8x128xf32>
    %slice3A_952 = vector.extract_strided_slice %dot_general3A_945 {offsets = [48, 0], sizes = [8, 128], strides = [1, 1]} : vector<128x128xf32> to vector<8x128xf32>
    %slice3A_953 = vector.extract_strided_slice %dot_general3A_945 {offsets = [56, 0], sizes = [8, 128], strides = [1, 1]} : vector<128x128xf32> to vector<8x128xf32>
    %slice3A_954 = vector.extract_strided_slice %dot_general3A_945 {offsets = [64, 0], sizes = [8, 128], strides = [1, 1]} : vector<128x128xf32> to vector<8x128xf32>
    %slice3A_955 = vector.extract_strided_slice %dot_general3A_945 {offsets = [72, 0], sizes = [8, 128], strides = [1, 1]} : vector<128x128xf32> to vector<8x128xf32>
    %slice3A_956 = vector.extract_strided_slice %dot_general3A_945 {offsets = [80, 0], sizes = [8, 128], strides = [1, 1]} : vector<128x128xf32> to vector<8x128xf32>
    %slice3A_957 = vector.extract_strided_slice %dot_general3A_945 {offsets = [88, 0], sizes = [8, 128], strides = [1, 1]} : vector<128x128xf32> to vector<8x128xf32>
    %slice3A_958 = vector.extract_strided_slice %dot_general3A_945 {offsets = [96, 0], sizes = [8, 128], strides = [1, 1]} : vector<128x128xf32> to vector<8x128xf32>
    %slice3A_959 = vector.extract_strided_slice %dot_general3A_945 {offsets = [104, 0], sizes = [8, 128], strides = [1, 1]} : vector<128x128xf32> to vector<8x128xf32>
    %slice3A_960 = vector.extract_strided_slice %dot_general3A_945 {offsets = [112, 0], sizes = [8, 128], strides = [1, 1]} : vector<128x128xf32> to vector<8x128xf32>
    %slice3A_961 = vector.extract_strided_slice %dot_general3A_945 {offsets = [120, 0], sizes = [8, 128], strides = [1, 1]} : vector<128x128xf32> to vector<8x128xf32>
    %concatenate3A_962 = tpu.concatenate %slice3A_946, %slice3A_947, %slice3A_948, %slice3A_949, %slice3A_950, %slice3A_951, %slice3A_952, %slice3A_953, %slice3A_954, %slice3A_955, %slice3A_956, %slice3A_957, %slice3A_958, %slice3A_959, %slice3A_960, %slice3A_961 in 1 : vector<8x128xf32>, vector<8x128xf32>, vector<8x128xf32>, vector<8x128xf32>, vector<8x128xf32>, vector<8x128xf32>, vector<8x128xf32>, vector<8x128xf32>, vector<8x128xf32>, vector<8x128xf32>, vector<8x128xf32>, vector<8x128xf32>, vector<8x128xf32>, vector<8x128xf32>, vector<8x128xf32>, vector<8x128xf32> -> vector<8x2048xf32>
    %slice3A_963 = vector.extract_strided_slice %convert_element_type3A {offsets = [0, 8960], sizes = [16, 256], strides = [1, 1]} : vector<16x12800xbf16> to vector<16x256xbf16>
    %broadcast_in_dim3A_964 = vector.shape_cast %slice3A_963 : vector<16x256xbf16> to vector<16x1x256xbf16>
    %broadcast_in_dim3A_965 = vector.shape_cast %broadcast_in_dim3A_964 : vector<16x1x256xbf16> to vector<16x1x256xbf16>
    %broadcast_in_dim3A_966 = vector.broadcast %broadcast_in_dim3A_965 : vector<16x1x256xbf16> to vector<16x8x256xbf16>
    %reshape3A_967 = vector.shape_cast %broadcast_in_dim3A_966 : vector<16x8x256xbf16> to vector<128x256xbf16>
    %mul3A_968 = arith.mulf %reshape3A_967, %get3A_54 : vector<128x256xbf16>
    %slice3A_969 = vector.extract_strided_slice %convert_element_type3A_51 {offsets = [8960, 0], sizes = [256, 128], strides = [1, 1]} : vector<12800x128xbf16> to vector<256x128xbf16>
    %dot_general3A_970 = arith.constant dense<0.000000e+00> : vector<128x128xf32>
    %dot_general3A_971 = tpu.matmul %mul3A_968, %slice3A_969, %dot_general3A_970 {dimension_numbers = #tpu.dot_dimension_numbers<[1], [0], [0], [1], [0, 0, 1, 1], [], []>, transpose_lhs_hint = false} : vector<128x256xbf16>, vector<256x128xbf16>, vector<128x128xf32> -> vector<128x128xf32>
    %slice3A_972 = vector.extract_strided_slice %dot_general3A_971 {offsets = [0, 0], sizes = [8, 128], strides = [1, 1]} : vector<128x128xf32> to vector<8x128xf32>
    %slice3A_973 = vector.extract_strided_slice %dot_general3A_971 {offsets = [8, 0], sizes = [8, 128], strides = [1, 1]} : vector<128x128xf32> to vector<8x128xf32>
    %slice3A_974 = vector.extract_strided_slice %dot_general3A_971 {offsets = [16, 0], sizes = [8, 128], strides = [1, 1]} : vector<128x128xf32> to vector<8x128xf32>
    %slice3A_975 = vector.extract_strided_slice %dot_general3A_971 {offsets = [24, 0], sizes = [8, 128], strides = [1, 1]} : vector<128x128xf32> to vector<8x128xf32>
    %slice3A_976 = vector.extract_strided_slice %dot_general3A_971 {offsets = [32, 0], sizes = [8, 128], strides = [1, 1]} : vector<128x128xf32> to vector<8x128xf32>
    %slice3A_977 = vector.extract_strided_slice %dot_general3A_971 {offsets = [40, 0], sizes = [8, 128], strides = [1, 1]} : vector<128x128xf32> to vector<8x128xf32>
    %slice3A_978 = vector.extract_strided_slice %dot_general3A_971 {offsets = [48, 0], sizes = [8, 128], strides = [1, 1]} : vector<128x128xf32> to vector<8x128xf32>
    %slice3A_979 = vector.extract_strided_slice %dot_general3A_971 {offsets = [56, 0], sizes = [8, 128], strides = [1, 1]} : vector<128x128xf32> to vector<8x128xf32>
    %slice3A_980 = vector.extract_strided_slice %dot_general3A_971 {offsets = [64, 0], sizes = [8, 128], strides = [1, 1]} : vector<128x128xf32> to vector<8x128xf32>
    %slice3A_981 = vector.extract_strided_slice %dot_general3A_971 {offsets = [72, 0], sizes = [8, 128], strides = [1, 1]} : vector<128x128xf32> to vector<8x128xf32>
    %slice3A_982 = vector.extract_strided_slice %dot_general3A_971 {offsets = [80, 0], sizes = [8, 128], strides = [1, 1]} : vector<128x128xf32> to vector<8x128xf32>
    %slice3A_983 = vector.extract_strided_slice %dot_general3A_971 {offsets = [88, 0], sizes = [8, 128], strides = [1, 1]} : vector<128x128xf32> to vector<8x128xf32>
    %slice3A_984 = vector.extract_strided_slice %dot_general3A_971 {offsets = [96, 0], sizes = [8, 128], strides = [1, 1]} : vector<128x128xf32> to vector<8x128xf32>
    %slice3A_985 = vector.extract_strided_slice %dot_general3A_971 {offsets = [104, 0], sizes = [8, 128], strides = [1, 1]} : vector<128x128xf32> to vector<8x128xf32>
    %slice3A_986 = vector.extract_strided_slice %dot_general3A_971 {offsets = [112, 0], sizes = [8, 128], strides = [1, 1]} : vector<128x128xf32> to vector<8x128xf32>
    %slice3A_987 = vector.extract_strided_slice %dot_general3A_971 {offsets = [120, 0], sizes = [8, 128], strides = [1, 1]} : vector<128x128xf32> to vector<8x128xf32>
    %concatenate3A_988 = tpu.concatenate %slice3A_972, %slice3A_973, %slice3A_974, %slice3A_975, %slice3A_976, %slice3A_977, %slice3A_978, %slice3A_979, %slice3A_980, %slice3A_981, %slice3A_982, %slice3A_983, %slice3A_984, %slice3A_985, %slice3A_986, %slice3A_987 in 1 : vector<8x128xf32>, vector<8x128xf32>, vector<8x128xf32>, vector<8x128xf32>, vector<8x128xf32>, vector<8x128xf32>, vector<8x128xf32>, vector<8x128xf32>, vector<8x128xf32>, vector<8x128xf32>, vector<8x128xf32>, vector<8x128xf32>, vector<8x128xf32>, vector<8x128xf32>, vector<8x128xf32>, vector<8x128xf32> -> vector<8x2048xf32>
    %slice3A_989 = vector.extract_strided_slice %convert_element_type3A {offsets = [0, 9216], sizes = [16, 256], strides = [1, 1]} : vector<16x12800xbf16> to vector<16x256xbf16>
    %broadcast_in_dim3A_990 = vector.shape_cast %slice3A_989 : vector<16x256xbf16> to vector<16x1x256xbf16>
    %broadcast_in_dim3A_991 = vector.shape_cast %broadcast_in_dim3A_990 : vector<16x1x256xbf16> to vector<16x1x256xbf16>
    %broadcast_in_dim3A_992 = vector.broadcast %broadcast_in_dim3A_991 : vector<16x1x256xbf16> to vector<16x8x256xbf16>
    %reshape3A_993 = vector.shape_cast %broadcast_in_dim3A_992 : vector<16x8x256xbf16> to vector<128x256xbf16>
    %mul3A_994 = arith.mulf %reshape3A_993, %get3A_54 : vector<128x256xbf16>
    %slice3A_995 = vector.extract_strided_slice %convert_element_type3A_51 {offsets = [9216, 0], sizes = [256, 128], strides = [1, 1]} : vector<12800x128xbf16> to vector<256x128xbf16>
    %dot_general3A_996 = arith.constant dense<0.000000e+00> : vector<128x128xf32>
    %dot_general3A_997 = tpu.matmul %mul3A_994, %slice3A_995, %dot_general3A_996 {dimension_numbers = #tpu.dot_dimension_numbers<[1], [0], [0], [1], [0, 0, 1, 1], [], []>, transpose_lhs_hint = false} : vector<128x256xbf16>, vector<256x128xbf16>, vector<128x128xf32> -> vector<128x128xf32>
    %slice3A_998 = vector.extract_strided_slice %dot_general3A_997 {offsets = [0, 0], sizes = [8, 128], strides = [1, 1]} : vector<128x128xf32> to vector<8x128xf32>
    %slice3A_999 = vector.extract_strided_slice %dot_general3A_997 {offsets = [8, 0], sizes = [8, 128], strides = [1, 1]} : vector<128x128xf32> to vector<8x128xf32>
    %slice3A_1000 = vector.extract_strided_slice %dot_general3A_997 {offsets = [16, 0], sizes = [8, 128], strides = [1, 1]} : vector<128x128xf32> to vector<8x128xf32>
    %slice3A_1001 = vector.extract_strided_slice %dot_general3A_997 {offsets = [24, 0], sizes = [8, 128], strides = [1, 1]} : vector<128x128xf32> to vector<8x128xf32>
    %slice3A_1002 = vector.extract_strided_slice %dot_general3A_997 {offsets = [32, 0], sizes = [8, 128], strides = [1, 1]} : vector<128x128xf32> to vector<8x128xf32>
    %slice3A_1003 = vector.extract_strided_slice %dot_general3A_997 {offsets = [40, 0], sizes = [8, 128], strides = [1, 1]} : vector<128x128xf32> to vector<8x128xf32>
    %slice3A_1004 = vector.extract_strided_slice %dot_general3A_997 {offsets = [48, 0], sizes = [8, 128], strides = [1, 1]} : vector<128x128xf32> to vector<8x128xf32>
    %slice3A_1005 = vector.extract_strided_slice %dot_general3A_997 {offsets = [56, 0], sizes = [8, 128], strides = [1, 1]} : vector<128x128xf32> to vector<8x128xf32>
    %slice3A_1006 = vector.extract_strided_slice %dot_general3A_997 {offsets = [64, 0], sizes = [8, 128], strides = [1, 1]} : vector<128x128xf32> to vector<8x128xf32>
    %slice3A_1007 = vector.extract_strided_slice %dot_general3A_997 {offsets = [72, 0], sizes = [8, 128], strides = [1, 1]} : vector<128x128xf32> to vector<8x128xf32>
    %slice3A_1008 = vector.extract_strided_slice %dot_general3A_997 {offsets = [80, 0], sizes = [8, 128], strides = [1, 1]} : vector<128x128xf32> to vector<8x128xf32>
    %slice3A_1009 = vector.extract_strided_slice %dot_general3A_997 {offsets = [88, 0], sizes = [8, 128], strides = [1, 1]} : vector<128x128xf32> to vector<8x128xf32>
    %slice3A_1010 = vector.extract_strided_slice %dot_general3A_997 {offsets = [96, 0], sizes = [8, 128], strides = [1, 1]} : vector<128x128xf32> to vector<8x128xf32>
    %slice3A_1011 = vector.extract_strided_slice %dot_general3A_997 {offsets = [104, 0], sizes = [8, 128], strides = [1, 1]} : vector<128x128xf32> to vector<8x128xf32>
    %slice3A_1012 = vector.extract_strided_slice %dot_general3A_997 {offsets = [112, 0], sizes = [8, 128], strides = [1, 1]} : vector<128x128xf32> to vector<8x128xf32>
    %slice3A_1013 = vector.extract_strided_slice %dot_general3A_997 {offsets = [120, 0], sizes = [8, 128], strides = [1, 1]} : vector<128x128xf32> to vector<8x128xf32>
    %concatenate3A_1014 = tpu.concatenate %slice3A_998, %slice3A_999, %slice3A_1000, %slice3A_1001, %slice3A_1002, %slice3A_1003, %slice3A_1004, %slice3A_1005, %slice3A_1006, %slice3A_1007, %slice3A_1008, %slice3A_1009, %slice3A_1010, %slice3A_1011, %slice3A_1012, %slice3A_1013 in 1 : vector<8x128xf32>, vector<8x128xf32>, vector<8x128xf32>, vector<8x128xf32>, vector<8x128xf32>, vector<8x128xf32>, vector<8x128xf32>, vector<8x128xf32>, vector<8x128xf32>, vector<8x128xf32>, vector<8x128xf32>, vector<8x128xf32>, vector<8x128xf32>, vector<8x128xf32>, vector<8x128xf32>, vector<8x128xf32> -> vector<8x2048xf32>
    %slice3A_1015 = vector.extract_strided_slice %convert_element_type3A {offsets = [0, 9472], sizes = [16, 256], strides = [1, 1]} : vector<16x12800xbf16> to vector<16x256xbf16>
    %broadcast_in_dim3A_1016 = vector.shape_cast %slice3A_1015 : vector<16x256xbf16> to vector<16x1x256xbf16>
    %broadcast_in_dim3A_1017 = vector.shape_cast %broadcast_in_dim3A_1016 : vector<16x1x256xbf16> to vector<16x1x256xbf16>
    %broadcast_in_dim3A_1018 = vector.broadcast %broadcast_in_dim3A_1017 : vector<16x1x256xbf16> to vector<16x8x256xbf16>
    %reshape3A_1019 = vector.shape_cast %broadcast_in_dim3A_1018 : vector<16x8x256xbf16> to vector<128x256xbf16>
    %mul3A_1020 = arith.mulf %reshape3A_1019, %get3A_54 : vector<128x256xbf16>
    %slice3A_1021 = vector.extract_strided_slice %convert_element_type3A_51 {offsets = [9472, 0], sizes = [256, 128], strides = [1, 1]} : vector<12800x128xbf16> to vector<256x128xbf16>
    %dot_general3A_1022 = arith.constant dense<0.000000e+00> : vector<128x128xf32>
    %dot_general3A_1023 = tpu.matmul %mul3A_1020, %slice3A_1021, %dot_general3A_1022 {dimension_numbers = #tpu.dot_dimension_numbers<[1], [0], [0], [1], [0, 0, 1, 1], [], []>, transpose_lhs_hint = false} : vector<128x256xbf16>, vector<256x128xbf16>, vector<128x128xf32> -> vector<128x128xf32>
    %slice3A_1024 = vector.extract_strided_slice %dot_general3A_1023 {offsets = [0, 0], sizes = [8, 128], strides = [1, 1]} : vector<128x128xf32> to vector<8x128xf32>
    %slice3A_1025 = vector.extract_strided_slice %dot_general3A_1023 {offsets = [8, 0], sizes = [8, 128], strides = [1, 1]} : vector<128x128xf32> to vector<8x128xf32>
    %slice3A_1026 = vector.extract_strided_slice %dot_general3A_1023 {offsets = [16, 0], sizes = [8, 128], strides = [1, 1]} : vector<128x128xf32> to vector<8x128xf32>
    %slice3A_1027 = vector.extract_strided_slice %dot_general3A_1023 {offsets = [24, 0], sizes = [8, 128], strides = [1, 1]} : vector<128x128xf32> to vector<8x128xf32>
    %slice3A_1028 = vector.extract_strided_slice %dot_general3A_1023 {offsets = [32, 0], sizes = [8, 128], strides = [1, 1]} : vector<128x128xf32> to vector<8x128xf32>
    %slice3A_1029 = vector.extract_strided_slice %dot_general3A_1023 {offsets = [40, 0], sizes = [8, 128], strides = [1, 1]} : vector<128x128xf32> to vector<8x128xf32>
    %slice3A_1030 = vector.extract_strided_slice %dot_general3A_1023 {offsets = [48, 0], sizes = [8, 128], strides = [1, 1]} : vector<128x128xf32> to vector<8x128xf32>
    %slice3A_1031 = vector.extract_strided_slice %dot_general3A_1023 {offsets = [56, 0], sizes = [8, 128], strides = [1, 1]} : vector<128x128xf32> to vector<8x128xf32>
    %slice3A_1032 = vector.extract_strided_slice %dot_general3A_1023 {offsets = [64, 0], sizes = [8, 128], strides = [1, 1]} : vector<128x128xf32> to vector<8x128xf32>
    %slice3A_1033 = vector.extract_strided_slice %dot_general3A_1023 {offsets = [72, 0], sizes = [8, 128], strides = [1, 1]} : vector<128x128xf32> to vector<8x128xf32>
    %slice3A_1034 = vector.extract_strided_slice %dot_general3A_1023 {offsets = [80, 0], sizes = [8, 128], strides = [1, 1]} : vector<128x128xf32> to vector<8x128xf32>
    %slice3A_1035 = vector.extract_strided_slice %dot_general3A_1023 {offsets = [88, 0], sizes = [8, 128], strides = [1, 1]} : vector<128x128xf32> to vector<8x128xf32>
    %slice3A_1036 = vector.extract_strided_slice %dot_general3A_1023 {offsets = [96, 0], sizes = [8, 128], strides = [1, 1]} : vector<128x128xf32> to vector<8x128xf32>
    %slice3A_1037 = vector.extract_strided_slice %dot_general3A_1023 {offsets = [104, 0], sizes = [8, 128], strides = [1, 1]} : vector<128x128xf32> to vector<8x128xf32>
    %slice3A_1038 = vector.extract_strided_slice %dot_general3A_1023 {offsets = [112, 0], sizes = [8, 128], strides = [1, 1]} : vector<128x128xf32> to vector<8x128xf32>
    %slice3A_1039 = vector.extract_strided_slice %dot_general3A_1023 {offsets = [120, 0], sizes = [8, 128], strides = [1, 1]} : vector<128x128xf32> to vector<8x128xf32>
    %concatenate3A_1040 = tpu.concatenate %slice3A_1024, %slice3A_1025, %slice3A_1026, %slice3A_1027, %slice3A_1028, %slice3A_1029, %slice3A_1030, %slice3A_1031, %slice3A_1032, %slice3A_1033, %slice3A_1034, %slice3A_1035, %slice3A_1036, %slice3A_1037, %slice3A_1038, %slice3A_1039 in 1 : vector<8x128xf32>, vector<8x128xf32>, vector<8x128xf32>, vector<8x128xf32>, vector<8x128xf32>, vector<8x128xf32>, vector<8x128xf32>, vector<8x128xf32>, vector<8x128xf32>, vector<8x128xf32>, vector<8x128xf32>, vector<8x128xf32>, vector<8x128xf32>, vector<8x128xf32>, vector<8x128xf32>, vector<8x128xf32> -> vector<8x2048xf32>
    %slice3A_1041 = vector.extract_strided_slice %convert_element_type3A {offsets = [0, 9728], sizes = [16, 256], strides = [1, 1]} : vector<16x12800xbf16> to vector<16x256xbf16>
    %broadcast_in_dim3A_1042 = vector.shape_cast %slice3A_1041 : vector<16x256xbf16> to vector<16x1x256xbf16>
    %broadcast_in_dim3A_1043 = vector.shape_cast %broadcast_in_dim3A_1042 : vector<16x1x256xbf16> to vector<16x1x256xbf16>
    %broadcast_in_dim3A_1044 = vector.broadcast %broadcast_in_dim3A_1043 : vector<16x1x256xbf16> to vector<16x8x256xbf16>
    %reshape3A_1045 = vector.shape_cast %broadcast_in_dim3A_1044 : vector<16x8x256xbf16> to vector<128x256xbf16>
    %mul3A_1046 = arith.mulf %reshape3A_1045, %get3A_54 : vector<128x256xbf16>
    %slice3A_1047 = vector.extract_strided_slice %convert_element_type3A_51 {offsets = [9728, 0], sizes = [256, 128], strides = [1, 1]} : vector<12800x128xbf16> to vector<256x128xbf16>
    %dot_general3A_1048 = arith.constant dense<0.000000e+00> : vector<128x128xf32>
    %dot_general3A_1049 = tpu.matmul %mul3A_1046, %slice3A_1047, %dot_general3A_1048 {dimension_numbers = #tpu.dot_dimension_numbers<[1], [0], [0], [1], [0, 0, 1, 1], [], []>, transpose_lhs_hint = false} : vector<128x256xbf16>, vector<256x128xbf16>, vector<128x128xf32> -> vector<128x128xf32>
    %slice3A_1050 = vector.extract_strided_slice %dot_general3A_1049 {offsets = [0, 0], sizes = [8, 128], strides = [1, 1]} : vector<128x128xf32> to vector<8x128xf32>
    %slice3A_1051 = vector.extract_strided_slice %dot_general3A_1049 {offsets = [8, 0], sizes = [8, 128], strides = [1, 1]} : vector<128x128xf32> to vector<8x128xf32>
    %slice3A_1052 = vector.extract_strided_slice %dot_general3A_1049 {offsets = [16, 0], sizes = [8, 128], strides = [1, 1]} : vector<128x128xf32> to vector<8x128xf32>
    %slice3A_1053 = vector.extract_strided_slice %dot_general3A_1049 {offsets = [24, 0], sizes = [8, 128], strides = [1, 1]} : vector<128x128xf32> to vector<8x128xf32>
    %slice3A_1054 = vector.extract_strided_slice %dot_general3A_1049 {offsets = [32, 0], sizes = [8, 128], strides = [1, 1]} : vector<128x128xf32> to vector<8x128xf32>
    %slice3A_1055 = vector.extract_strided_slice %dot_general3A_1049 {offsets = [40, 0], sizes = [8, 128], strides = [1, 1]} : vector<128x128xf32> to vector<8x128xf32>
    %slice3A_1056 = vector.extract_strided_slice %dot_general3A_1049 {offsets = [48, 0], sizes = [8, 128], strides = [1, 1]} : vector<128x128xf32> to vector<8x128xf32>
    %slice3A_1057 = vector.extract_strided_slice %dot_general3A_1049 {offsets = [56, 0], sizes = [8, 128], strides = [1, 1]} : vector<128x128xf32> to vector<8x128xf32>
    %slice3A_1058 = vector.extract_strided_slice %dot_general3A_1049 {offsets = [64, 0], sizes = [8, 128], strides = [1, 1]} : vector<128x128xf32> to vector<8x128xf32>
    %slice3A_1059 = vector.extract_strided_slice %dot_general3A_1049 {offsets = [72, 0], sizes = [8, 128], strides = [1, 1]} : vector<128x128xf32> to vector<8x128xf32>
    %slice3A_1060 = vector.extract_strided_slice %dot_general3A_1049 {offsets = [80, 0], sizes = [8, 128], strides = [1, 1]} : vector<128x128xf32> to vector<8x128xf32>
    %slice3A_1061 = vector.extract_strided_slice %dot_general3A_1049 {offsets = [88, 0], sizes = [8, 128], strides = [1, 1]} : vector<128x128xf32> to vector<8x128xf32>
    %slice3A_1062 = vector.extract_strided_slice %dot_general3A_1049 {offsets = [96, 0], sizes = [8, 128], strides = [1, 1]} : vector<128x128xf32> to vector<8x128xf32>
    %slice3A_1063 = vector.extract_strided_slice %dot_general3A_1049 {offsets = [104, 0], sizes = [8, 128], strides = [1, 1]} : vector<128x128xf32> to vector<8x128xf32>
    %slice3A_1064 = vector.extract_strided_slice %dot_general3A_1049 {offsets = [112, 0], sizes = [8, 128], strides = [1, 1]} : vector<128x128xf32> to vector<8x128xf32>
    %slice3A_1065 = vector.extract_strided_slice %dot_general3A_1049 {offsets = [120, 0], sizes = [8, 128], strides = [1, 1]} : vector<128x128xf32> to vector<8x128xf32>
    %concatenate3A_1066 = tpu.concatenate %slice3A_1050, %slice3A_1051, %slice3A_1052, %slice3A_1053, %slice3A_1054, %slice3A_1055, %slice3A_1056, %slice3A_1057, %slice3A_1058, %slice3A_1059, %slice3A_1060, %slice3A_1061, %slice3A_1062, %slice3A_1063, %slice3A_1064, %slice3A_1065 in 1 : vector<8x128xf32>, vector<8x128xf32>, vector<8x128xf32>, vector<8x128xf32>, vector<8x128xf32>, vector<8x128xf32>, vector<8x128xf32>, vector<8x128xf32>, vector<8x128xf32>, vector<8x128xf32>, vector<8x128xf32>, vector<8x128xf32>, vector<8x128xf32>, vector<8x128xf32>, vector<8x128xf32>, vector<8x128xf32> -> vector<8x2048xf32>
    %slice3A_1067 = vector.extract_strided_slice %convert_element_type3A {offsets = [0, 9984], sizes = [16, 256], strides = [1, 1]} : vector<16x12800xbf16> to vector<16x256xbf16>
    %broadcast_in_dim3A_1068 = vector.shape_cast %slice3A_1067 : vector<16x256xbf16> to vector<16x1x256xbf16>
    %broadcast_in_dim3A_1069 = vector.shape_cast %broadcast_in_dim3A_1068 : vector<16x1x256xbf16> to vector<16x1x256xbf16>
    %broadcast_in_dim3A_1070 = vector.broadcast %broadcast_in_dim3A_1069 : vector<16x1x256xbf16> to vector<16x8x256xbf16>
    %reshape3A_1071 = vector.shape_cast %broadcast_in_dim3A_1070 : vector<16x8x256xbf16> to vector<128x256xbf16>
    %mul3A_1072 = arith.mulf %reshape3A_1071, %get3A_54 : vector<128x256xbf16>
    %slice3A_1073 = vector.extract_strided_slice %convert_element_type3A_51 {offsets = [9984, 0], sizes = [256, 128], strides = [1, 1]} : vector<12800x128xbf16> to vector<256x128xbf16>
    %dot_general3A_1074 = arith.constant dense<0.000000e+00> : vector<128x128xf32>
    %dot_general3A_1075 = tpu.matmul %mul3A_1072, %slice3A_1073, %dot_general3A_1074 {dimension_numbers = #tpu.dot_dimension_numbers<[1], [0], [0], [1], [0, 0, 1, 1], [], []>, transpose_lhs_hint = false} : vector<128x256xbf16>, vector<256x128xbf16>, vector<128x128xf32> -> vector<128x128xf32>
    %slice3A_1076 = vector.extract_strided_slice %dot_general3A_1075 {offsets = [0, 0], sizes = [8, 128], strides = [1, 1]} : vector<128x128xf32> to vector<8x128xf32>
    %slice3A_1077 = vector.extract_strided_slice %dot_general3A_1075 {offsets = [8, 0], sizes = [8, 128], strides = [1, 1]} : vector<128x128xf32> to vector<8x128xf32>
    %slice3A_1078 = vector.extract_strided_slice %dot_general3A_1075 {offsets = [16, 0], sizes = [8, 128], strides = [1, 1]} : vector<128x128xf32> to vector<8x128xf32>
    %slice3A_1079 = vector.extract_strided_slice %dot_general3A_1075 {offsets = [24, 0], sizes = [8, 128], strides = [1, 1]} : vector<128x128xf32> to vector<8x128xf32>
    %slice3A_1080 = vector.extract_strided_slice %dot_general3A_1075 {offsets = [32, 0], sizes = [8, 128], strides = [1, 1]} : vector<128x128xf32> to vector<8x128xf32>
    %slice3A_1081 = vector.extract_strided_slice %dot_general3A_1075 {offsets = [40, 0], sizes = [8, 128], strides = [1, 1]} : vector<128x128xf32> to vector<8x128xf32>
    %slice3A_1082 = vector.extract_strided_slice %dot_general3A_1075 {offsets = [48, 0], sizes = [8, 128], strides = [1, 1]} : vector<128x128xf32> to vector<8x128xf32>
    %slice3A_1083 = vector.extract_strided_slice %dot_general3A_1075 {offsets = [56, 0], sizes = [8, 128], strides = [1, 1]} : vector<128x128xf32> to vector<8x128xf32>
    %slice3A_1084 = vector.extract_strided_slice %dot_general3A_1075 {offsets = [64, 0], sizes = [8, 128], strides = [1, 1]} : vector<128x128xf32> to vector<8x128xf32>
    %slice3A_1085 = vector.extract_strided_slice %dot_general3A_1075 {offsets = [72, 0], sizes = [8, 128], strides = [1, 1]} : vector<128x128xf32> to vector<8x128xf32>
    %slice3A_1086 = vector.extract_strided_slice %dot_general3A_1075 {offsets = [80, 0], sizes = [8, 128], strides = [1, 1]} : vector<128x128xf32> to vector<8x128xf32>
    %slice3A_1087 = vector.extract_strided_slice %dot_general3A_1075 {offsets = [88, 0], sizes = [8, 128], strides = [1, 1]} : vector<128x128xf32> to vector<8x128xf32>
    %slice3A_1088 = vector.extract_strided_slice %dot_general3A_1075 {offsets = [96, 0], sizes = [8, 128], strides = [1, 1]} : vector<128x128xf32> to vector<8x128xf32>
    %slice3A_1089 = vector.extract_strided_slice %dot_general3A_1075 {offsets = [104, 0], sizes = [8, 128], strides = [1, 1]} : vector<128x128xf32> to vector<8x128xf32>
    %slice3A_1090 = vector.extract_strided_slice %dot_general3A_1075 {offsets = [112, 0], sizes = [8, 128], strides = [1, 1]} : vector<128x128xf32> to vector<8x128xf32>
    %slice3A_1091 = vector.extract_strided_slice %dot_general3A_1075 {offsets = [120, 0], sizes = [8, 128], strides = [1, 1]} : vector<128x128xf32> to vector<8x128xf32>
    %concatenate3A_1092 = tpu.concatenate %slice3A_1076, %slice3A_1077, %slice3A_1078, %slice3A_1079, %slice3A_1080, %slice3A_1081, %slice3A_1082, %slice3A_1083, %slice3A_1084, %slice3A_1085, %slice3A_1086, %slice3A_1087, %slice3A_1088, %slice3A_1089, %slice3A_1090, %slice3A_1091 in 1 : vector<8x128xf32>, vector<8x128xf32>, vector<8x128xf32>, vector<8x128xf32>, vector<8x128xf32>, vector<8x128xf32>, vector<8x128xf32>, vector<8x128xf32>, vector<8x128xf32>, vector<8x128xf32>, vector<8x128xf32>, vector<8x128xf32>, vector<8x128xf32>, vector<8x128xf32>, vector<8x128xf32>, vector<8x128xf32> -> vector<8x2048xf32>
    %slice3A_1093 = vector.extract_strided_slice %convert_element_type3A {offsets = [0, 10240], sizes = [16, 256], strides = [1, 1]} : vector<16x12800xbf16> to vector<16x256xbf16>
    %broadcast_in_dim3A_1094 = vector.shape_cast %slice3A_1093 : vector<16x256xbf16> to vector<16x1x256xbf16>
    %broadcast_in_dim3A_1095 = vector.shape_cast %broadcast_in_dim3A_1094 : vector<16x1x256xbf16> to vector<16x1x256xbf16>
    %broadcast_in_dim3A_1096 = vector.broadcast %broadcast_in_dim3A_1095 : vector<16x1x256xbf16> to vector<16x8x256xbf16>
    %reshape3A_1097 = vector.shape_cast %broadcast_in_dim3A_1096 : vector<16x8x256xbf16> to vector<128x256xbf16>
    %mul3A_1098 = arith.mulf %reshape3A_1097, %get3A_54 : vector<128x256xbf16>
    %slice3A_1099 = vector.extract_strided_slice %convert_element_type3A_51 {offsets = [10240, 0], sizes = [256, 128], strides = [1, 1]} : vector<12800x128xbf16> to vector<256x128xbf16>
    %dot_general3A_1100 = arith.constant dense<0.000000e+00> : vector<128x128xf32>
    %dot_general3A_1101 = tpu.matmul %mul3A_1098, %slice3A_1099, %dot_general3A_1100 {dimension_numbers = #tpu.dot_dimension_numbers<[1], [0], [0], [1], [0, 0, 1, 1], [], []>, transpose_lhs_hint = false} : vector<128x256xbf16>, vector<256x128xbf16>, vector<128x128xf32> -> vector<128x128xf32>
    %slice3A_1102 = vector.extract_strided_slice %dot_general3A_1101 {offsets = [0, 0], sizes = [8, 128], strides = [1, 1]} : vector<128x128xf32> to vector<8x128xf32>
    %slice3A_1103 = vector.extract_strided_slice %dot_general3A_1101 {offsets = [8, 0], sizes = [8, 128], strides = [1, 1]} : vector<128x128xf32> to vector<8x128xf32>
    %slice3A_1104 = vector.extract_strided_slice %dot_general3A_1101 {offsets = [16, 0], sizes = [8, 128], strides = [1, 1]} : vector<128x128xf32> to vector<8x128xf32>
    %slice3A_1105 = vector.extract_strided_slice %dot_general3A_1101 {offsets = [24, 0], sizes = [8, 128], strides = [1, 1]} : vector<128x128xf32> to vector<8x128xf32>
    %slice3A_1106 = vector.extract_strided_slice %dot_general3A_1101 {offsets = [32, 0], sizes = [8, 128], strides = [1, 1]} : vector<128x128xf32> to vector<8x128xf32>
    %slice3A_1107 = vector.extract_strided_slice %dot_general3A_1101 {offsets = [40, 0], sizes = [8, 128], strides = [1, 1]} : vector<128x128xf32> to vector<8x128xf32>
    %slice3A_1108 = vector.extract_strided_slice %dot_general3A_1101 {offsets = [48, 0], sizes = [8, 128], strides = [1, 1]} : vector<128x128xf32> to vector<8x128xf32>
    %slice3A_1109 = vector.extract_strided_slice %dot_general3A_1101 {offsets = [56, 0], sizes = [8, 128], strides = [1, 1]} : vector<128x128xf32> to vector<8x128xf32>
    %slice3A_1110 = vector.extract_strided_slice %dot_general3A_1101 {offsets = [64, 0], sizes = [8, 128], strides = [1, 1]} : vector<128x128xf32> to vector<8x128xf32>
    %slice3A_1111 = vector.extract_strided_slice %dot_general3A_1101 {offsets = [72, 0], sizes = [8, 128], strides = [1, 1]} : vector<128x128xf32> to vector<8x128xf32>
    %slice3A_1112 = vector.extract_strided_slice %dot_general3A_1101 {offsets = [80, 0], sizes = [8, 128], strides = [1, 1]} : vector<128x128xf32> to vector<8x128xf32>
    %slice3A_1113 = vector.extract_strided_slice %dot_general3A_1101 {offsets = [88, 0], sizes = [8, 128], strides = [1, 1]} : vector<128x128xf32> to vector<8x128xf32>
    %slice3A_1114 = vector.extract_strided_slice %dot_general3A_1101 {offsets = [96, 0], sizes = [8, 128], strides = [1, 1]} : vector<128x128xf32> to vector<8x128xf32>
    %slice3A_1115 = vector.extract_strided_slice %dot_general3A_1101 {offsets = [104, 0], sizes = [8, 128], strides = [1, 1]} : vector<128x128xf32> to vector<8x128xf32>
    %slice3A_1116 = vector.extract_strided_slice %dot_general3A_1101 {offsets = [112, 0], sizes = [8, 128], strides = [1, 1]} : vector<128x128xf32> to vector<8x128xf32>
    %slice3A_1117 = vector.extract_strided_slice %dot_general3A_1101 {offsets = [120, 0], sizes = [8, 128], strides = [1, 1]} : vector<128x128xf32> to vector<8x128xf32>
    %concatenate3A_1118 = tpu.concatenate %slice3A_1102, %slice3A_1103, %slice3A_1104, %slice3A_1105, %slice3A_1106, %slice3A_1107, %slice3A_1108, %slice3A_1109, %slice3A_1110, %slice3A_1111, %slice3A_1112, %slice3A_1113, %slice3A_1114, %slice3A_1115, %slice3A_1116, %slice3A_1117 in 1 : vector<8x128xf32>, vector<8x128xf32>, vector<8x128xf32>, vector<8x128xf32>, vector<8x128xf32>, vector<8x128xf32>, vector<8x128xf32>, vector<8x128xf32>, vector<8x128xf32>, vector<8x128xf32>, vector<8x128xf32>, vector<8x128xf32>, vector<8x128xf32>, vector<8x128xf32>, vector<8x128xf32>, vector<8x128xf32> -> vector<8x2048xf32>
    %slice3A_1119 = vector.extract_strided_slice %convert_element_type3A {offsets = [0, 10496], sizes = [16, 256], strides = [1, 1]} : vector<16x12800xbf16> to vector<16x256xbf16>
    %broadcast_in_dim3A_1120 = vector.shape_cast %slice3A_1119 : vector<16x256xbf16> to vector<16x1x256xbf16>
    %broadcast_in_dim3A_1121 = vector.shape_cast %broadcast_in_dim3A_1120 : vector<16x1x256xbf16> to vector<16x1x256xbf16>
    %broadcast_in_dim3A_1122 = vector.broadcast %broadcast_in_dim3A_1121 : vector<16x1x256xbf16> to vector<16x8x256xbf16>
    %reshape3A_1123 = vector.shape_cast %broadcast_in_dim3A_1122 : vector<16x8x256xbf16> to vector<128x256xbf16>
    %mul3A_1124 = arith.mulf %reshape3A_1123, %get3A_54 : vector<128x256xbf16>
    %slice3A_1125 = vector.extract_strided_slice %convert_element_type3A_51 {offsets = [10496, 0], sizes = [256, 128], strides = [1, 1]} : vector<12800x128xbf16> to vector<256x128xbf16>
    %dot_general3A_1126 = arith.constant dense<0.000000e+00> : vector<128x128xf32>
    %dot_general3A_1127 = tpu.matmul %mul3A_1124, %slice3A_1125, %dot_general3A_1126 {dimension_numbers = #tpu.dot_dimension_numbers<[1], [0], [0], [1], [0, 0, 1, 1], [], []>, transpose_lhs_hint = false} : vector<128x256xbf16>, vector<256x128xbf16>, vector<128x128xf32> -> vector<128x128xf32>
    %slice3A_1128 = vector.extract_strided_slice %dot_general3A_1127 {offsets = [0, 0], sizes = [8, 128], strides = [1, 1]} : vector<128x128xf32> to vector<8x128xf32>
    %slice3A_1129 = vector.extract_strided_slice %dot_general3A_1127 {offsets = [8, 0], sizes = [8, 128], strides = [1, 1]} : vector<128x128xf32> to vector<8x128xf32>
    %slice3A_1130 = vector.extract_strided_slice %dot_general3A_1127 {offsets = [16, 0], sizes = [8, 128], strides = [1, 1]} : vector<128x128xf32> to vector<8x128xf32>
    %slice3A_1131 = vector.extract_strided_slice %dot_general3A_1127 {offsets = [24, 0], sizes = [8, 128], strides = [1, 1]} : vector<128x128xf32> to vector<8x128xf32>
    %slice3A_1132 = vector.extract_strided_slice %dot_general3A_1127 {offsets = [32, 0], sizes = [8, 128], strides = [1, 1]} : vector<128x128xf32> to vector<8x128xf32>
    %slice3A_1133 = vector.extract_strided_slice %dot_general3A_1127 {offsets = [40, 0], sizes = [8, 128], strides = [1, 1]} : vector<128x128xf32> to vector<8x128xf32>
    %slice3A_1134 = vector.extract_strided_slice %dot_general3A_1127 {offsets = [48, 0], sizes = [8, 128], strides = [1, 1]} : vector<128x128xf32> to vector<8x128xf32>
    %slice3A_1135 = vector.extract_strided_slice %dot_general3A_1127 {offsets = [56, 0], sizes = [8, 128], strides = [1, 1]} : vector<128x128xf32> to vector<8x128xf32>
    %slice3A_1136 = vector.extract_strided_slice %dot_general3A_1127 {offsets = [64, 0], sizes = [8, 128], strides = [1, 1]} : vector<128x128xf32> to vector<8x128xf32>
    %slice3A_1137 = vector.extract_strided_slice %dot_general3A_1127 {offsets = [72, 0], sizes = [8, 128], strides = [1, 1]} : vector<128x128xf32> to vector<8x128xf32>
    %slice3A_1138 = vector.extract_strided_slice %dot_general3A_1127 {offsets = [80, 0], sizes = [8, 128], strides = [1, 1]} : vector<128x128xf32> to vector<8x128xf32>
    %slice3A_1139 = vector.extract_strided_slice %dot_general3A_1127 {offsets = [88, 0], sizes = [8, 128], strides = [1, 1]} : vector<128x128xf32> to vector<8x128xf32>
    %slice3A_1140 = vector.extract_strided_slice %dot_general3A_1127 {offsets = [96, 0], sizes = [8, 128], strides = [1, 1]} : vector<128x128xf32> to vector<8x128xf32>
    %slice3A_1141 = vector.extract_strided_slice %dot_general3A_1127 {offsets = [104, 0], sizes = [8, 128], strides = [1, 1]} : vector<128x128xf32> to vector<8x128xf32>
    %slice3A_1142 = vector.extract_strided_slice %dot_general3A_1127 {offsets = [112, 0], sizes = [8, 128], strides = [1, 1]} : vector<128x128xf32> to vector<8x128xf32>
    %slice3A_1143 = vector.extract_strided_slice %dot_general3A_1127 {offsets = [120, 0], sizes = [8, 128], strides = [1, 1]} : vector<128x128xf32> to vector<8x128xf32>
    %concatenate3A_1144 = tpu.concatenate %slice3A_1128, %slice3A_1129, %slice3A_1130, %slice3A_1131, %slice3A_1132, %slice3A_1133, %slice3A_1134, %slice3A_1135, %slice3A_1136, %slice3A_1137, %slice3A_1138, %slice3A_1139, %slice3A_1140, %slice3A_1141, %slice3A_1142, %slice3A_1143 in 1 : vector<8x128xf32>, vector<8x128xf32>, vector<8x128xf32>, vector<8x128xf32>, vector<8x128xf32>, vector<8x128xf32>, vector<8x128xf32>, vector<8x128xf32>, vector<8x128xf32>, vector<8x128xf32>, vector<8x128xf32>, vector<8x128xf32>, vector<8x128xf32>, vector<8x128xf32>, vector<8x128xf32>, vector<8x128xf32> -> vector<8x2048xf32>
    %slice3A_1145 = vector.extract_strided_slice %convert_element_type3A {offsets = [0, 10752], sizes = [16, 256], strides = [1, 1]} : vector<16x12800xbf16> to vector<16x256xbf16>
    %broadcast_in_dim3A_1146 = vector.shape_cast %slice3A_1145 : vector<16x256xbf16> to vector<16x1x256xbf16>
    %broadcast_in_dim3A_1147 = vector.shape_cast %broadcast_in_dim3A_1146 : vector<16x1x256xbf16> to vector<16x1x256xbf16>
    %broadcast_in_dim3A_1148 = vector.broadcast %broadcast_in_dim3A_1147 : vector<16x1x256xbf16> to vector<16x8x256xbf16>
    %reshape3A_1149 = vector.shape_cast %broadcast_in_dim3A_1148 : vector<16x8x256xbf16> to vector<128x256xbf16>
    %mul3A_1150 = arith.mulf %reshape3A_1149, %get3A_54 : vector<128x256xbf16>
    %slice3A_1151 = vector.extract_strided_slice %convert_element_type3A_51 {offsets = [10752, 0], sizes = [256, 128], strides = [1, 1]} : vector<12800x128xbf16> to vector<256x128xbf16>
    %dot_general3A_1152 = arith.constant dense<0.000000e+00> : vector<128x128xf32>
    %dot_general3A_1153 = tpu.matmul %mul3A_1150, %slice3A_1151, %dot_general3A_1152 {dimension_numbers = #tpu.dot_dimension_numbers<[1], [0], [0], [1], [0, 0, 1, 1], [], []>, transpose_lhs_hint = false} : vector<128x256xbf16>, vector<256x128xbf16>, vector<128x128xf32> -> vector<128x128xf32>
    %slice3A_1154 = vector.extract_strided_slice %dot_general3A_1153 {offsets = [0, 0], sizes = [8, 128], strides = [1, 1]} : vector<128x128xf32> to vector<8x128xf32>
    %slice3A_1155 = vector.extract_strided_slice %dot_general3A_1153 {offsets = [8, 0], sizes = [8, 128], strides = [1, 1]} : vector<128x128xf32> to vector<8x128xf32>
    %slice3A_1156 = vector.extract_strided_slice %dot_general3A_1153 {offsets = [16, 0], sizes = [8, 128], strides = [1, 1]} : vector<128x128xf32> to vector<8x128xf32>
    %slice3A_1157 = vector.extract_strided_slice %dot_general3A_1153 {offsets = [24, 0], sizes = [8, 128], strides = [1, 1]} : vector<128x128xf32> to vector<8x128xf32>
    %slice3A_1158 = vector.extract_strided_slice %dot_general3A_1153 {offsets = [32, 0], sizes = [8, 128], strides = [1, 1]} : vector<128x128xf32> to vector<8x128xf32>
    %slice3A_1159 = vector.extract_strided_slice %dot_general3A_1153 {offsets = [40, 0], sizes = [8, 128], strides = [1, 1]} : vector<128x128xf32> to vector<8x128xf32>
    %slice3A_1160 = vector.extract_strided_slice %dot_general3A_1153 {offsets = [48, 0], sizes = [8, 128], strides = [1, 1]} : vector<128x128xf32> to vector<8x128xf32>
    %slice3A_1161 = vector.extract_strided_slice %dot_general3A_1153 {offsets = [56, 0], sizes = [8, 128], strides = [1, 1]} : vector<128x128xf32> to vector<8x128xf32>
    %slice3A_1162 = vector.extract_strided_slice %dot_general3A_1153 {offsets = [64, 0], sizes = [8, 128], strides = [1, 1]} : vector<128x128xf32> to vector<8x128xf32>
    %slice3A_1163 = vector.extract_strided_slice %dot_general3A_1153 {offsets = [72, 0], sizes = [8, 128], strides = [1, 1]} : vector<128x128xf32> to vector<8x128xf32>
    %slice3A_1164 = vector.extract_strided_slice %dot_general3A_1153 {offsets = [80, 0], sizes = [8, 128], strides = [1, 1]} : vector<128x128xf32> to vector<8x128xf32>
    %slice3A_1165 = vector.extract_strided_slice %dot_general3A_1153 {offsets = [88, 0], sizes = [8, 128], strides = [1, 1]} : vector<128x128xf32> to vector<8x128xf32>
    %slice3A_1166 = vector.extract_strided_slice %dot_general3A_1153 {offsets = [96, 0], sizes = [8, 128], strides = [1, 1]} : vector<128x128xf32> to vector<8x128xf32>
    %slice3A_1167 = vector.extract_strided_slice %dot_general3A_1153 {offsets = [104, 0], sizes = [8, 128], strides = [1, 1]} : vector<128x128xf32> to vector<8x128xf32>
    %slice3A_1168 = vector.extract_strided_slice %dot_general3A_1153 {offsets = [112, 0], sizes = [8, 128], strides = [1, 1]} : vector<128x128xf32> to vector<8x128xf32>
    %slice3A_1169 = vector.extract_strided_slice %dot_general3A_1153 {offsets = [120, 0], sizes = [8, 128], strides = [1, 1]} : vector<128x128xf32> to vector<8x128xf32>
    %concatenate3A_1170 = tpu.concatenate %slice3A_1154, %slice3A_1155, %slice3A_1156, %slice3A_1157, %slice3A_1158, %slice3A_1159, %slice3A_1160, %slice3A_1161, %slice3A_1162, %slice3A_1163, %slice3A_1164, %slice3A_1165, %slice3A_1166, %slice3A_1167, %slice3A_1168, %slice3A_1169 in 1 : vector<8x128xf32>, vector<8x128xf32>, vector<8x128xf32>, vector<8x128xf32>, vector<8x128xf32>, vector<8x128xf32>, vector<8x128xf32>, vector<8x128xf32>, vector<8x128xf32>, vector<8x128xf32>, vector<8x128xf32>, vector<8x128xf32>, vector<8x128xf32>, vector<8x128xf32>, vector<8x128xf32>, vector<8x128xf32> -> vector<8x2048xf32>
    %slice3A_1171 = vector.extract_strided_slice %convert_element_type3A {offsets = [0, 11008], sizes = [16, 256], strides = [1, 1]} : vector<16x12800xbf16> to vector<16x256xbf16>
    %broadcast_in_dim3A_1172 = vector.shape_cast %slice3A_1171 : vector<16x256xbf16> to vector<16x1x256xbf16>
    %broadcast_in_dim3A_1173 = vector.shape_cast %broadcast_in_dim3A_1172 : vector<16x1x256xbf16> to vector<16x1x256xbf16>
    %broadcast_in_dim3A_1174 = vector.broadcast %broadcast_in_dim3A_1173 : vector<16x1x256xbf16> to vector<16x8x256xbf16>
    %reshape3A_1175 = vector.shape_cast %broadcast_in_dim3A_1174 : vector<16x8x256xbf16> to vector<128x256xbf16>
    %mul3A_1176 = arith.mulf %reshape3A_1175, %get3A_54 : vector<128x256xbf16>
    %slice3A_1177 = vector.extract_strided_slice %convert_element_type3A_51 {offsets = [11008, 0], sizes = [256, 128], strides = [1, 1]} : vector<12800x128xbf16> to vector<256x128xbf16>
    %dot_general3A_1178 = arith.constant dense<0.000000e+00> : vector<128x128xf32>
    %dot_general3A_1179 = tpu.matmul %mul3A_1176, %slice3A_1177, %dot_general3A_1178 {dimension_numbers = #tpu.dot_dimension_numbers<[1], [0], [0], [1], [0, 0, 1, 1], [], []>, transpose_lhs_hint = false} : vector<128x256xbf16>, vector<256x128xbf16>, vector<128x128xf32> -> vector<128x128xf32>
    %slice3A_1180 = vector.extract_strided_slice %dot_general3A_1179 {offsets = [0, 0], sizes = [8, 128], strides = [1, 1]} : vector<128x128xf32> to vector<8x128xf32>
    %slice3A_1181 = vector.extract_strided_slice %dot_general3A_1179 {offsets = [8, 0], sizes = [8, 128], strides = [1, 1]} : vector<128x128xf32> to vector<8x128xf32>
    %slice3A_1182 = vector.extract_strided_slice %dot_general3A_1179 {offsets = [16, 0], sizes = [8, 128], strides = [1, 1]} : vector<128x128xf32> to vector<8x128xf32>
    %slice3A_1183 = vector.extract_strided_slice %dot_general3A_1179 {offsets = [24, 0], sizes = [8, 128], strides = [1, 1]} : vector<128x128xf32> to vector<8x128xf32>
    %slice3A_1184 = vector.extract_strided_slice %dot_general3A_1179 {offsets = [32, 0], sizes = [8, 128], strides = [1, 1]} : vector<128x128xf32> to vector<8x128xf32>
    %slice3A_1185 = vector.extract_strided_slice %dot_general3A_1179 {offsets = [40, 0], sizes = [8, 128], strides = [1, 1]} : vector<128x128xf32> to vector<8x128xf32>
    %slice3A_1186 = vector.extract_strided_slice %dot_general3A_1179 {offsets = [48, 0], sizes = [8, 128], strides = [1, 1]} : vector<128x128xf32> to vector<8x128xf32>
    %slice3A_1187 = vector.extract_strided_slice %dot_general3A_1179 {offsets = [56, 0], sizes = [8, 128], strides = [1, 1]} : vector<128x128xf32> to vector<8x128xf32>
    %slice3A_1188 = vector.extract_strided_slice %dot_general3A_1179 {offsets = [64, 0], sizes = [8, 128], strides = [1, 1]} : vector<128x128xf32> to vector<8x128xf32>
    %slice3A_1189 = vector.extract_strided_slice %dot_general3A_1179 {offsets = [72, 0], sizes = [8, 128], strides = [1, 1]} : vector<128x128xf32> to vector<8x128xf32>
    %slice3A_1190 = vector.extract_strided_slice %dot_general3A_1179 {offsets = [80, 0], sizes = [8, 128], strides = [1, 1]} : vector<128x128xf32> to vector<8x128xf32>
    %slice3A_1191 = vector.extract_strided_slice %dot_general3A_1179 {offsets = [88, 0], sizes = [8, 128], strides = [1, 1]} : vector<128x128xf32> to vector<8x128xf32>
    %slice3A_1192 = vector.extract_strided_slice %dot_general3A_1179 {offsets = [96, 0], sizes = [8, 128], strides = [1, 1]} : vector<128x128xf32> to vector<8x128xf32>
    %slice3A_1193 = vector.extract_strided_slice %dot_general3A_1179 {offsets = [104, 0], sizes = [8, 128], strides = [1, 1]} : vector<128x128xf32> to vector<8x128xf32>
    %slice3A_1194 = vector.extract_strided_slice %dot_general3A_1179 {offsets = [112, 0], sizes = [8, 128], strides = [1, 1]} : vector<128x128xf32> to vector<8x128xf32>
    %slice3A_1195 = vector.extract_strided_slice %dot_general3A_1179 {offsets = [120, 0], sizes = [8, 128], strides = [1, 1]} : vector<128x128xf32> to vector<8x128xf32>
    %concatenate3A_1196 = tpu.concatenate %slice3A_1180, %slice3A_1181, %slice3A_1182, %slice3A_1183, %slice3A_1184, %slice3A_1185, %slice3A_1186, %slice3A_1187, %slice3A_1188, %slice3A_1189, %slice3A_1190, %slice3A_1191, %slice3A_1192, %slice3A_1193, %slice3A_1194, %slice3A_1195 in 1 : vector<8x128xf32>, vector<8x128xf32>, vector<8x128xf32>, vector<8x128xf32>, vector<8x128xf32>, vector<8x128xf32>, vector<8x128xf32>, vector<8x128xf32>, vector<8x128xf32>, vector<8x128xf32>, vector<8x128xf32>, vector<8x128xf32>, vector<8x128xf32>, vector<8x128xf32>, vector<8x128xf32>, vector<8x128xf32> -> vector<8x2048xf32>
    %slice3A_1197 = vector.extract_strided_slice %convert_element_type3A {offsets = [0, 11264], sizes = [16, 256], strides = [1, 1]} : vector<16x12800xbf16> to vector<16x256xbf16>
    %broadcast_in_dim3A_1198 = vector.shape_cast %slice3A_1197 : vector<16x256xbf16> to vector<16x1x256xbf16>
    %broadcast_in_dim3A_1199 = vector.shape_cast %broadcast_in_dim3A_1198 : vector<16x1x256xbf16> to vector<16x1x256xbf16>
    %broadcast_in_dim3A_1200 = vector.broadcast %broadcast_in_dim3A_1199 : vector<16x1x256xbf16> to vector<16x8x256xbf16>
    %reshape3A_1201 = vector.shape_cast %broadcast_in_dim3A_1200 : vector<16x8x256xbf16> to vector<128x256xbf16>
    %mul3A_1202 = arith.mulf %reshape3A_1201, %get3A_54 : vector<128x256xbf16>
    %slice3A_1203 = vector.extract_strided_slice %convert_element_type3A_51 {offsets = [11264, 0], sizes = [256, 128], strides = [1, 1]} : vector<12800x128xbf16> to vector<256x128xbf16>
    %dot_general3A_1204 = arith.constant dense<0.000000e+00> : vector<128x128xf32>
    %dot_general3A_1205 = tpu.matmul %mul3A_1202, %slice3A_1203, %dot_general3A_1204 {dimension_numbers = #tpu.dot_dimension_numbers<[1], [0], [0], [1], [0, 0, 1, 1], [], []>, transpose_lhs_hint = false} : vector<128x256xbf16>, vector<256x128xbf16>, vector<128x128xf32> -> vector<128x128xf32>
    %slice3A_1206 = vector.extract_strided_slice %dot_general3A_1205 {offsets = [0, 0], sizes = [8, 128], strides = [1, 1]} : vector<128x128xf32> to vector<8x128xf32>
    %slice3A_1207 = vector.extract_strided_slice %dot_general3A_1205 {offsets = [8, 0], sizes = [8, 128], strides = [1, 1]} : vector<128x128xf32> to vector<8x128xf32>
    %slice3A_1208 = vector.extract_strided_slice %dot_general3A_1205 {offsets = [16, 0], sizes = [8, 128], strides = [1, 1]} : vector<128x128xf32> to vector<8x128xf32>
    %slice3A_1209 = vector.extract_strided_slice %dot_general3A_1205 {offsets = [24, 0], sizes = [8, 128], strides = [1, 1]} : vector<128x128xf32> to vector<8x128xf32>
    %slice3A_1210 = vector.extract_strided_slice %dot_general3A_1205 {offsets = [32, 0], sizes = [8, 128], strides = [1, 1]} : vector<128x128xf32> to vector<8x128xf32>
    %slice3A_1211 = vector.extract_strided_slice %dot_general3A_1205 {offsets = [40, 0], sizes = [8, 128], strides = [1, 1]} : vector<128x128xf32> to vector<8x128xf32>
    %slice3A_1212 = vector.extract_strided_slice %dot_general3A_1205 {offsets = [48, 0], sizes = [8, 128], strides = [1, 1]} : vector<128x128xf32> to vector<8x128xf32>
    %slice3A_1213 = vector.extract_strided_slice %dot_general3A_1205 {offsets = [56, 0], sizes = [8, 128], strides = [1, 1]} : vector<128x128xf32> to vector<8x128xf32>
    %slice3A_1214 = vector.extract_strided_slice %dot_general3A_1205 {offsets = [64, 0], sizes = [8, 128], strides = [1, 1]} : vector<128x128xf32> to vector<8x128xf32>
    %slice3A_1215 = vector.extract_strided_slice %dot_general3A_1205 {offsets = [72, 0], sizes = [8, 128], strides = [1, 1]} : vector<128x128xf32> to vector<8x128xf32>
    %slice3A_1216 = vector.extract_strided_slice %dot_general3A_1205 {offsets = [80, 0], sizes = [8, 128], strides = [1, 1]} : vector<128x128xf32> to vector<8x128xf32>
    %slice3A_1217 = vector.extract_strided_slice %dot_general3A_1205 {offsets = [88, 0], sizes = [8, 128], strides = [1, 1]} : vector<128x128xf32> to vector<8x128xf32>
    %slice3A_1218 = vector.extract_strided_slice %dot_general3A_1205 {offsets = [96, 0], sizes = [8, 128], strides = [1, 1]} : vector<128x128xf32> to vector<8x128xf32>
    %slice3A_1219 = vector.extract_strided_slice %dot_general3A_1205 {offsets = [104, 0], sizes = [8, 128], strides = [1, 1]} : vector<128x128xf32> to vector<8x128xf32>
    %slice3A_1220 = vector.extract_strided_slice %dot_general3A_1205 {offsets = [112, 0], sizes = [8, 128], strides = [1, 1]} : vector<128x128xf32> to vector<8x128xf32>
    %slice3A_1221 = vector.extract_strided_slice %dot_general3A_1205 {offsets = [120, 0], sizes = [8, 128], strides = [1, 1]} : vector<128x128xf32> to vector<8x128xf32>
    %concatenate3A_1222 = tpu.concatenate %slice3A_1206, %slice3A_1207, %slice3A_1208, %slice3A_1209, %slice3A_1210, %slice3A_1211, %slice3A_1212, %slice3A_1213, %slice3A_1214, %slice3A_1215, %slice3A_1216, %slice3A_1217, %slice3A_1218, %slice3A_1219, %slice3A_1220, %slice3A_1221 in 1 : vector<8x128xf32>, vector<8x128xf32>, vector<8x128xf32>, vector<8x128xf32>, vector<8x128xf32>, vector<8x128xf32>, vector<8x128xf32>, vector<8x128xf32>, vector<8x128xf32>, vector<8x128xf32>, vector<8x128xf32>, vector<8x128xf32>, vector<8x128xf32>, vector<8x128xf32>, vector<8x128xf32>, vector<8x128xf32> -> vector<8x2048xf32>
    %slice3A_1223 = vector.extract_strided_slice %convert_element_type3A {offsets = [0, 11520], sizes = [16, 256], strides = [1, 1]} : vector<16x12800xbf16> to vector<16x256xbf16>
    %broadcast_in_dim3A_1224 = vector.shape_cast %slice3A_1223 : vector<16x256xbf16> to vector<16x1x256xbf16>
    %broadcast_in_dim3A_1225 = vector.shape_cast %broadcast_in_dim3A_1224 : vector<16x1x256xbf16> to vector<16x1x256xbf16>
    %broadcast_in_dim3A_1226 = vector.broadcast %broadcast_in_dim3A_1225 : vector<16x1x256xbf16> to vector<16x8x256xbf16>
    %reshape3A_1227 = vector.shape_cast %broadcast_in_dim3A_1226 : vector<16x8x256xbf16> to vector<128x256xbf16>
    %mul3A_1228 = arith.mulf %reshape3A_1227, %get3A_54 : vector<128x256xbf16>
    %slice3A_1229 = vector.extract_strided_slice %convert_element_type3A_51 {offsets = [11520, 0], sizes = [256, 128], strides = [1, 1]} : vector<12800x128xbf16> to vector<256x128xbf16>
    %dot_general3A_1230 = arith.constant dense<0.000000e+00> : vector<128x128xf32>
    %dot_general3A_1231 = tpu.matmul %mul3A_1228, %slice3A_1229, %dot_general3A_1230 {dimension_numbers = #tpu.dot_dimension_numbers<[1], [0], [0], [1], [0, 0, 1, 1], [], []>, transpose_lhs_hint = false} : vector<128x256xbf16>, vector<256x128xbf16>, vector<128x128xf32> -> vector<128x128xf32>
    %slice3A_1232 = vector.extract_strided_slice %dot_general3A_1231 {offsets = [0, 0], sizes = [8, 128], strides = [1, 1]} : vector<128x128xf32> to vector<8x128xf32>
    %slice3A_1233 = vector.extract_strided_slice %dot_general3A_1231 {offsets = [8, 0], sizes = [8, 128], strides = [1, 1]} : vector<128x128xf32> to vector<8x128xf32>
    %slice3A_1234 = vector.extract_strided_slice %dot_general3A_1231 {offsets = [16, 0], sizes = [8, 128], strides = [1, 1]} : vector<128x128xf32> to vector<8x128xf32>
    %slice3A_1235 = vector.extract_strided_slice %dot_general3A_1231 {offsets = [24, 0], sizes = [8, 128], strides = [1, 1]} : vector<128x128xf32> to vector<8x128xf32>
    %slice3A_1236 = vector.extract_strided_slice %dot_general3A_1231 {offsets = [32, 0], sizes = [8, 128], strides = [1, 1]} : vector<128x128xf32> to vector<8x128xf32>
    %slice3A_1237 = vector.extract_strided_slice %dot_general3A_1231 {offsets = [40, 0], sizes = [8, 128], strides = [1, 1]} : vector<128x128xf32> to vector<8x128xf32>
    %slice3A_1238 = vector.extract_strided_slice %dot_general3A_1231 {offsets = [48, 0], sizes = [8, 128], strides = [1, 1]} : vector<128x128xf32> to vector<8x128xf32>
    %slice3A_1239 = vector.extract_strided_slice %dot_general3A_1231 {offsets = [56, 0], sizes = [8, 128], strides = [1, 1]} : vector<128x128xf32> to vector<8x128xf32>
    %slice3A_1240 = vector.extract_strided_slice %dot_general3A_1231 {offsets = [64, 0], sizes = [8, 128], strides = [1, 1]} : vector<128x128xf32> to vector<8x128xf32>
    %slice3A_1241 = vector.extract_strided_slice %dot_general3A_1231 {offsets = [72, 0], sizes = [8, 128], strides = [1, 1]} : vector<128x128xf32> to vector<8x128xf32>
    %slice3A_1242 = vector.extract_strided_slice %dot_general3A_1231 {offsets = [80, 0], sizes = [8, 128], strides = [1, 1]} : vector<128x128xf32> to vector<8x128xf32>
    %slice3A_1243 = vector.extract_strided_slice %dot_general3A_1231 {offsets = [88, 0], sizes = [8, 128], strides = [1, 1]} : vector<128x128xf32> to vector<8x128xf32>
    %slice3A_1244 = vector.extract_strided_slice %dot_general3A_1231 {offsets = [96, 0], sizes = [8, 128], strides = [1, 1]} : vector<128x128xf32> to vector<8x128xf32>
    %slice3A_1245 = vector.extract_strided_slice %dot_general3A_1231 {offsets = [104, 0], sizes = [8, 128], strides = [1, 1]} : vector<128x128xf32> to vector<8x128xf32>
    %slice3A_1246 = vector.extract_strided_slice %dot_general3A_1231 {offsets = [112, 0], sizes = [8, 128], strides = [1, 1]} : vector<128x128xf32> to vector<8x128xf32>
    %slice3A_1247 = vector.extract_strided_slice %dot_general3A_1231 {offsets = [120, 0], sizes = [8, 128], strides = [1, 1]} : vector<128x128xf32> to vector<8x128xf32>
    %concatenate3A_1248 = tpu.concatenate %slice3A_1232, %slice3A_1233, %slice3A_1234, %slice3A_1235, %slice3A_1236, %slice3A_1237, %slice3A_1238, %slice3A_1239, %slice3A_1240, %slice3A_1241, %slice3A_1242, %slice3A_1243, %slice3A_1244, %slice3A_1245, %slice3A_1246, %slice3A_1247 in 1 : vector<8x128xf32>, vector<8x128xf32>, vector<8x128xf32>, vector<8x128xf32>, vector<8x128xf32>, vector<8x128xf32>, vector<8x128xf32>, vector<8x128xf32>, vector<8x128xf32>, vector<8x128xf32>, vector<8x128xf32>, vector<8x128xf32>, vector<8x128xf32>, vector<8x128xf32>, vector<8x128xf32>, vector<8x128xf32> -> vector<8x2048xf32>
    %slice3A_1249 = vector.extract_strided_slice %convert_element_type3A {offsets = [0, 11776], sizes = [16, 256], strides = [1, 1]} : vector<16x12800xbf16> to vector<16x256xbf16>
    %broadcast_in_dim3A_1250 = vector.shape_cast %slice3A_1249 : vector<16x256xbf16> to vector<16x1x256xbf16>
    %broadcast_in_dim3A_1251 = vector.shape_cast %broadcast_in_dim3A_1250 : vector<16x1x256xbf16> to vector<16x1x256xbf16>
    %broadcast_in_dim3A_1252 = vector.broadcast %broadcast_in_dim3A_1251 : vector<16x1x256xbf16> to vector<16x8x256xbf16>
    %reshape3A_1253 = vector.shape_cast %broadcast_in_dim3A_1252 : vector<16x8x256xbf16> to vector<128x256xbf16>
    %mul3A_1254 = arith.mulf %reshape3A_1253, %get3A_54 : vector<128x256xbf16>
    %slice3A_1255 = vector.extract_strided_slice %convert_element_type3A_51 {offsets = [11776, 0], sizes = [256, 128], strides = [1, 1]} : vector<12800x128xbf16> to vector<256x128xbf16>
    %dot_general3A_1256 = arith.constant dense<0.000000e+00> : vector<128x128xf32>
    %dot_general3A_1257 = tpu.matmul %mul3A_1254, %slice3A_1255, %dot_general3A_1256 {dimension_numbers = #tpu.dot_dimension_numbers<[1], [0], [0], [1], [0, 0, 1, 1], [], []>, transpose_lhs_hint = false} : vector<128x256xbf16>, vector<256x128xbf16>, vector<128x128xf32> -> vector<128x128xf32>
    %slice3A_1258 = vector.extract_strided_slice %dot_general3A_1257 {offsets = [0, 0], sizes = [8, 128], strides = [1, 1]} : vector<128x128xf32> to vector<8x128xf32>
    %slice3A_1259 = vector.extract_strided_slice %dot_general3A_1257 {offsets = [8, 0], sizes = [8, 128], strides = [1, 1]} : vector<128x128xf32> to vector<8x128xf32>
    %slice3A_1260 = vector.extract_strided_slice %dot_general3A_1257 {offsets = [16, 0], sizes = [8, 128], strides = [1, 1]} : vector<128x128xf32> to vector<8x128xf32>
    %slice3A_1261 = vector.extract_strided_slice %dot_general3A_1257 {offsets = [24, 0], sizes = [8, 128], strides = [1, 1]} : vector<128x128xf32> to vector<8x128xf32>
    %slice3A_1262 = vector.extract_strided_slice %dot_general3A_1257 {offsets = [32, 0], sizes = [8, 128], strides = [1, 1]} : vector<128x128xf32> to vector<8x128xf32>
    %slice3A_1263 = vector.extract_strided_slice %dot_general3A_1257 {offsets = [40, 0], sizes = [8, 128], strides = [1, 1]} : vector<128x128xf32> to vector<8x128xf32>
    %slice3A_1264 = vector.extract_strided_slice %dot_general3A_1257 {offsets = [48, 0], sizes = [8, 128], strides = [1, 1]} : vector<128x128xf32> to vector<8x128xf32>
    %slice3A_1265 = vector.extract_strided_slice %dot_general3A_1257 {offsets = [56, 0], sizes = [8, 128], strides = [1, 1]} : vector<128x128xf32> to vector<8x128xf32>
    %slice3A_1266 = vector.extract_strided_slice %dot_general3A_1257 {offsets = [64, 0], sizes = [8, 128], strides = [1, 1]} : vector<128x128xf32> to vector<8x128xf32>
    %slice3A_1267 = vector.extract_strided_slice %dot_general3A_1257 {offsets = [72, 0], sizes = [8, 128], strides = [1, 1]} : vector<128x128xf32> to vector<8x128xf32>
    %slice3A_1268 = vector.extract_strided_slice %dot_general3A_1257 {offsets = [80, 0], sizes = [8, 128], strides = [1, 1]} : vector<128x128xf32> to vector<8x128xf32>
    %slice3A_1269 = vector.extract_strided_slice %dot_general3A_1257 {offsets = [88, 0], sizes = [8, 128], strides = [1, 1]} : vector<128x128xf32> to vector<8x128xf32>
    %slice3A_1270 = vector.extract_strided_slice %dot_general3A_1257 {offsets = [96, 0], sizes = [8, 128], strides = [1, 1]} : vector<128x128xf32> to vector<8x128xf32>
    %slice3A_1271 = vector.extract_strided_slice %dot_general3A_1257 {offsets = [104, 0], sizes = [8, 128], strides = [1, 1]} : vector<128x128xf32> to vector<8x128xf32>
    %slice3A_1272 = vector.extract_strided_slice %dot_general3A_1257 {offsets = [112, 0], sizes = [8, 128], strides = [1, 1]} : vector<128x128xf32> to vector<8x128xf32>
    %slice3A_1273 = vector.extract_strided_slice %dot_general3A_1257 {offsets = [120, 0], sizes = [8, 128], strides = [1, 1]} : vector<128x128xf32> to vector<8x128xf32>
    %concatenate3A_1274 = tpu.concatenate %slice3A_1258, %slice3A_1259, %slice3A_1260, %slice3A_1261, %slice3A_1262, %slice3A_1263, %slice3A_1264, %slice3A_1265, %slice3A_1266, %slice3A_1267, %slice3A_1268, %slice3A_1269, %slice3A_1270, %slice3A_1271, %slice3A_1272, %slice3A_1273 in 1 : vector<8x128xf32>, vector<8x128xf32>, vector<8x128xf32>, vector<8x128xf32>, vector<8x128xf32>, vector<8x128xf32>, vector<8x128xf32>, vector<8x128xf32>, vector<8x128xf32>, vector<8x128xf32>, vector<8x128xf32>, vector<8x128xf32>, vector<8x128xf32>, vector<8x128xf32>, vector<8x128xf32>, vector<8x128xf32> -> vector<8x2048xf32>
    %slice3A_1275 = vector.extract_strided_slice %convert_element_type3A {offsets = [0, 12032], sizes = [16, 256], strides = [1, 1]} : vector<16x12800xbf16> to vector<16x256xbf16>
    %broadcast_in_dim3A_1276 = vector.shape_cast %slice3A_1275 : vector<16x256xbf16> to vector<16x1x256xbf16>
    %broadcast_in_dim3A_1277 = vector.shape_cast %broadcast_in_dim3A_1276 : vector<16x1x256xbf16> to vector<16x1x256xbf16>
    %broadcast_in_dim3A_1278 = vector.broadcast %broadcast_in_dim3A_1277 : vector<16x1x256xbf16> to vector<16x8x256xbf16>
    %reshape3A_1279 = vector.shape_cast %broadcast_in_dim3A_1278 : vector<16x8x256xbf16> to vector<128x256xbf16>
    %mul3A_1280 = arith.mulf %reshape3A_1279, %get3A_54 : vector<128x256xbf16>
    %slice3A_1281 = vector.extract_strided_slice %convert_element_type3A_51 {offsets = [12032, 0], sizes = [256, 128], strides = [1, 1]} : vector<12800x128xbf16> to vector<256x128xbf16>
    %dot_general3A_1282 = arith.constant dense<0.000000e+00> : vector<128x128xf32>
    %dot_general3A_1283 = tpu.matmul %mul3A_1280, %slice3A_1281, %dot_general3A_1282 {dimension_numbers = #tpu.dot_dimension_numbers<[1], [0], [0], [1], [0, 0, 1, 1], [], []>, transpose_lhs_hint = false} : vector<128x256xbf16>, vector<256x128xbf16>, vector<128x128xf32> -> vector<128x128xf32>
    %slice3A_1284 = vector.extract_strided_slice %dot_general3A_1283 {offsets = [0, 0], sizes = [8, 128], strides = [1, 1]} : vector<128x128xf32> to vector<8x128xf32>
    %slice3A_1285 = vector.extract_strided_slice %dot_general3A_1283 {offsets = [8, 0], sizes = [8, 128], strides = [1, 1]} : vector<128x128xf32> to vector<8x128xf32>
    %slice3A_1286 = vector.extract_strided_slice %dot_general3A_1283 {offsets = [16, 0], sizes = [8, 128], strides = [1, 1]} : vector<128x128xf32> to vector<8x128xf32>
    %slice3A_1287 = vector.extract_strided_slice %dot_general3A_1283 {offsets = [24, 0], sizes = [8, 128], strides = [1, 1]} : vector<128x128xf32> to vector<8x128xf32>
    %slice3A_1288 = vector.extract_strided_slice %dot_general3A_1283 {offsets = [32, 0], sizes = [8, 128], strides = [1, 1]} : vector<128x128xf32> to vector<8x128xf32>
    %slice3A_1289 = vector.extract_strided_slice %dot_general3A_1283 {offsets = [40, 0], sizes = [8, 128], strides = [1, 1]} : vector<128x128xf32> to vector<8x128xf32>
    %slice3A_1290 = vector.extract_strided_slice %dot_general3A_1283 {offsets = [48, 0], sizes = [8, 128], strides = [1, 1]} : vector<128x128xf32> to vector<8x128xf32>
    %slice3A_1291 = vector.extract_strided_slice %dot_general3A_1283 {offsets = [56, 0], sizes = [8, 128], strides = [1, 1]} : vector<128x128xf32> to vector<8x128xf32>
    %slice3A_1292 = vector.extract_strided_slice %dot_general3A_1283 {offsets = [64, 0], sizes = [8, 128], strides = [1, 1]} : vector<128x128xf32> to vector<8x128xf32>
    %slice3A_1293 = vector.extract_strided_slice %dot_general3A_1283 {offsets = [72, 0], sizes = [8, 128], strides = [1, 1]} : vector<128x128xf32> to vector<8x128xf32>
    %slice3A_1294 = vector.extract_strided_slice %dot_general3A_1283 {offsets = [80, 0], sizes = [8, 128], strides = [1, 1]} : vector<128x128xf32> to vector<8x128xf32>
    %slice3A_1295 = vector.extract_strided_slice %dot_general3A_1283 {offsets = [88, 0], sizes = [8, 128], strides = [1, 1]} : vector<128x128xf32> to vector<8x128xf32>
    %slice3A_1296 = vector.extract_strided_slice %dot_general3A_1283 {offsets = [96, 0], sizes = [8, 128], strides = [1, 1]} : vector<128x128xf32> to vector<8x128xf32>
    %slice3A_1297 = vector.extract_strided_slice %dot_general3A_1283 {offsets = [104, 0], sizes = [8, 128], strides = [1, 1]} : vector<128x128xf32> to vector<8x128xf32>
    %slice3A_1298 = vector.extract_strided_slice %dot_general3A_1283 {offsets = [112, 0], sizes = [8, 128], strides = [1, 1]} : vector<128x128xf32> to vector<8x128xf32>
    %slice3A_1299 = vector.extract_strided_slice %dot_general3A_1283 {offsets = [120, 0], sizes = [8, 128], strides = [1, 1]} : vector<128x128xf32> to vector<8x128xf32>
    %concatenate3A_1300 = tpu.concatenate %slice3A_1284, %slice3A_1285, %slice3A_1286, %slice3A_1287, %slice3A_1288, %slice3A_1289, %slice3A_1290, %slice3A_1291, %slice3A_1292, %slice3A_1293, %slice3A_1294, %slice3A_1295, %slice3A_1296, %slice3A_1297, %slice3A_1298, %slice3A_1299 in 1 : vector<8x128xf32>, vector<8x128xf32>, vector<8x128xf32>, vector<8x128xf32>, vector<8x128xf32>, vector<8x128xf32>, vector<8x128xf32>, vector<8x128xf32>, vector<8x128xf32>, vector<8x128xf32>, vector<8x128xf32>, vector<8x128xf32>, vector<8x128xf32>, vector<8x128xf32>, vector<8x128xf32>, vector<8x128xf32> -> vector<8x2048xf32>
    %slice3A_1301 = vector.extract_strided_slice %convert_element_type3A {offsets = [0, 12288], sizes = [16, 256], strides = [1, 1]} : vector<16x12800xbf16> to vector<16x256xbf16>
    %broadcast_in_dim3A_1302 = vector.shape_cast %slice3A_1301 : vector<16x256xbf16> to vector<16x1x256xbf16>
    %broadcast_in_dim3A_1303 = vector.shape_cast %broadcast_in_dim3A_1302 : vector<16x1x256xbf16> to vector<16x1x256xbf16>
    %broadcast_in_dim3A_1304 = vector.broadcast %broadcast_in_dim3A_1303 : vector<16x1x256xbf16> to vector<16x8x256xbf16>
    %reshape3A_1305 = vector.shape_cast %broadcast_in_dim3A_1304 : vector<16x8x256xbf16> to vector<128x256xbf16>
    %mul3A_1306 = arith.mulf %reshape3A_1305, %get3A_54 : vector<128x256xbf16>
    %slice3A_1307 = vector.extract_strided_slice %convert_element_type3A_51 {offsets = [12288, 0], sizes = [256, 128], strides = [1, 1]} : vector<12800x128xbf16> to vector<256x128xbf16>
    %dot_general3A_1308 = arith.constant dense<0.000000e+00> : vector<128x128xf32>
    %dot_general3A_1309 = tpu.matmul %mul3A_1306, %slice3A_1307, %dot_general3A_1308 {dimension_numbers = #tpu.dot_dimension_numbers<[1], [0], [0], [1], [0, 0, 1, 1], [], []>, transpose_lhs_hint = false} : vector<128x256xbf16>, vector<256x128xbf16>, vector<128x128xf32> -> vector<128x128xf32>
    %slice3A_1310 = vector.extract_strided_slice %dot_general3A_1309 {offsets = [0, 0], sizes = [8, 128], strides = [1, 1]} : vector<128x128xf32> to vector<8x128xf32>
    %slice3A_1311 = vector.extract_strided_slice %dot_general3A_1309 {offsets = [8, 0], sizes = [8, 128], strides = [1, 1]} : vector<128x128xf32> to vector<8x128xf32>
    %slice3A_1312 = vector.extract_strided_slice %dot_general3A_1309 {offsets = [16, 0], sizes = [8, 128], strides = [1, 1]} : vector<128x128xf32> to vector<8x128xf32>
    %slice3A_1313 = vector.extract_strided_slice %dot_general3A_1309 {offsets = [24, 0], sizes = [8, 128], strides = [1, 1]} : vector<128x128xf32> to vector<8x128xf32>
    %slice3A_1314 = vector.extract_strided_slice %dot_general3A_1309 {offsets = [32, 0], sizes = [8, 128], strides = [1, 1]} : vector<128x128xf32> to vector<8x128xf32>
    %slice3A_1315 = vector.extract_strided_slice %dot_general3A_1309 {offsets = [40, 0], sizes = [8, 128], strides = [1, 1]} : vector<128x128xf32> to vector<8x128xf32>
    %slice3A_1316 = vector.extract_strided_slice %dot_general3A_1309 {offsets = [48, 0], sizes = [8, 128], strides = [1, 1]} : vector<128x128xf32> to vector<8x128xf32>
    %slice3A_1317 = vector.extract_strided_slice %dot_general3A_1309 {offsets = [56, 0], sizes = [8, 128], strides = [1, 1]} : vector<128x128xf32> to vector<8x128xf32>
    %slice3A_1318 = vector.extract_strided_slice %dot_general3A_1309 {offsets = [64, 0], sizes = [8, 128], strides = [1, 1]} : vector<128x128xf32> to vector<8x128xf32>
    %slice3A_1319 = vector.extract_strided_slice %dot_general3A_1309 {offsets = [72, 0], sizes = [8, 128], strides = [1, 1]} : vector<128x128xf32> to vector<8x128xf32>
    %slice3A_1320 = vector.extract_strided_slice %dot_general3A_1309 {offsets = [80, 0], sizes = [8, 128], strides = [1, 1]} : vector<128x128xf32> to vector<8x128xf32>
    %slice3A_1321 = vector.extract_strided_slice %dot_general3A_1309 {offsets = [88, 0], sizes = [8, 128], strides = [1, 1]} : vector<128x128xf32> to vector<8x128xf32>
    %slice3A_1322 = vector.extract_strided_slice %dot_general3A_1309 {offsets = [96, 0], sizes = [8, 128], strides = [1, 1]} : vector<128x128xf32> to vector<8x128xf32>
    %slice3A_1323 = vector.extract_strided_slice %dot_general3A_1309 {offsets = [104, 0], sizes = [8, 128], strides = [1, 1]} : vector<128x128xf32> to vector<8x128xf32>
    %slice3A_1324 = vector.extract_strided_slice %dot_general3A_1309 {offsets = [112, 0], sizes = [8, 128], strides = [1, 1]} : vector<128x128xf32> to vector<8x128xf32>
    %slice3A_1325 = vector.extract_strided_slice %dot_general3A_1309 {offsets = [120, 0], sizes = [8, 128], strides = [1, 1]} : vector<128x128xf32> to vector<8x128xf32>
    %concatenate3A_1326 = tpu.concatenate %slice3A_1310, %slice3A_1311, %slice3A_1312, %slice3A_1313, %slice3A_1314, %slice3A_1315, %slice3A_1316, %slice3A_1317, %slice3A_1318, %slice3A_1319, %slice3A_1320, %slice3A_1321, %slice3A_1322, %slice3A_1323, %slice3A_1324, %slice3A_1325 in 1 : vector<8x128xf32>, vector<8x128xf32>, vector<8x128xf32>, vector<8x128xf32>, vector<8x128xf32>, vector<8x128xf32>, vector<8x128xf32>, vector<8x128xf32>, vector<8x128xf32>, vector<8x128xf32>, vector<8x128xf32>, vector<8x128xf32>, vector<8x128xf32>, vector<8x128xf32>, vector<8x128xf32>, vector<8x128xf32> -> vector<8x2048xf32>
    %slice3A_1327 = vector.extract_strided_slice %convert_element_type3A {offsets = [0, 12544], sizes = [16, 256], strides = [1, 1]} : vector<16x12800xbf16> to vector<16x256xbf16>
    %broadcast_in_dim3A_1328 = vector.shape_cast %slice3A_1327 : vector<16x256xbf16> to vector<16x1x256xbf16>
    %broadcast_in_dim3A_1329 = vector.shape_cast %broadcast_in_dim3A_1328 : vector<16x1x256xbf16> to vector<16x1x256xbf16>
    %broadcast_in_dim3A_1330 = vector.broadcast %broadcast_in_dim3A_1329 : vector<16x1x256xbf16> to vector<16x8x256xbf16>
    %reshape3A_1331 = vector.shape_cast %broadcast_in_dim3A_1330 : vector<16x8x256xbf16> to vector<128x256xbf16>
    %mul3A_1332 = arith.mulf %reshape3A_1331, %get3A_54 : vector<128x256xbf16>
    %slice3A_1333 = vector.extract_strided_slice %convert_element_type3A_51 {offsets = [12544, 0], sizes = [256, 128], strides = [1, 1]} : vector<12800x128xbf16> to vector<256x128xbf16>
    %dot_general3A_1334 = arith.constant dense<0.000000e+00> : vector<128x128xf32>
    %dot_general3A_1335 = tpu.matmul %mul3A_1332, %slice3A_1333, %dot_general3A_1334 {dimension_numbers = #tpu.dot_dimension_numbers<[1], [0], [0], [1], [0, 0, 1, 1], [], []>, transpose_lhs_hint = false} : vector<128x256xbf16>, vector<256x128xbf16>, vector<128x128xf32> -> vector<128x128xf32>
    %slice3A_1336 = vector.extract_strided_slice %dot_general3A_1335 {offsets = [0, 0], sizes = [8, 128], strides = [1, 1]} : vector<128x128xf32> to vector<8x128xf32>
    %slice3A_1337 = vector.extract_strided_slice %dot_general3A_1335 {offsets = [8, 0], sizes = [8, 128], strides = [1, 1]} : vector<128x128xf32> to vector<8x128xf32>
    %slice3A_1338 = vector.extract_strided_slice %dot_general3A_1335 {offsets = [16, 0], sizes = [8, 128], strides = [1, 1]} : vector<128x128xf32> to vector<8x128xf32>
    %slice3A_1339 = vector.extract_strided_slice %dot_general3A_1335 {offsets = [24, 0], sizes = [8, 128], strides = [1, 1]} : vector<128x128xf32> to vector<8x128xf32>
    %slice3A_1340 = vector.extract_strided_slice %dot_general3A_1335 {offsets = [32, 0], sizes = [8, 128], strides = [1, 1]} : vector<128x128xf32> to vector<8x128xf32>
    %slice3A_1341 = vector.extract_strided_slice %dot_general3A_1335 {offsets = [40, 0], sizes = [8, 128], strides = [1, 1]} : vector<128x128xf32> to vector<8x128xf32>
    %slice3A_1342 = vector.extract_strided_slice %dot_general3A_1335 {offsets = [48, 0], sizes = [8, 128], strides = [1, 1]} : vector<128x128xf32> to vector<8x128xf32>
    %slice3A_1343 = vector.extract_strided_slice %dot_general3A_1335 {offsets = [56, 0], sizes = [8, 128], strides = [1, 1]} : vector<128x128xf32> to vector<8x128xf32>
    %slice3A_1344 = vector.extract_strided_slice %dot_general3A_1335 {offsets = [64, 0], sizes = [8, 128], strides = [1, 1]} : vector<128x128xf32> to vector<8x128xf32>
    %slice3A_1345 = vector.extract_strided_slice %dot_general3A_1335 {offsets = [72, 0], sizes = [8, 128], strides = [1, 1]} : vector<128x128xf32> to vector<8x128xf32>
    %slice3A_1346 = vector.extract_strided_slice %dot_general3A_1335 {offsets = [80, 0], sizes = [8, 128], strides = [1, 1]} : vector<128x128xf32> to vector<8x128xf32>
    %slice3A_1347 = vector.extract_strided_slice %dot_general3A_1335 {offsets = [88, 0], sizes = [8, 128], strides = [1, 1]} : vector<128x128xf32> to vector<8x128xf32>
    %slice3A_1348 = vector.extract_strided_slice %dot_general3A_1335 {offsets = [96, 0], sizes = [8, 128], strides = [1, 1]} : vector<128x128xf32> to vector<8x128xf32>
    %slice3A_1349 = vector.extract_strided_slice %dot_general3A_1335 {offsets = [104, 0], sizes = [8, 128], strides = [1, 1]} : vector<128x128xf32> to vector<8x128xf32>
    %slice3A_1350 = vector.extract_strided_slice %dot_general3A_1335 {offsets = [112, 0], sizes = [8, 128], strides = [1, 1]} : vector<128x128xf32> to vector<8x128xf32>
    %slice3A_1351 = vector.extract_strided_slice %dot_general3A_1335 {offsets = [120, 0], sizes = [8, 128], strides = [1, 1]} : vector<128x128xf32> to vector<8x128xf32>
    %concatenate3A_1352 = tpu.concatenate %slice3A_1336, %slice3A_1337, %slice3A_1338, %slice3A_1339, %slice3A_1340, %slice3A_1341, %slice3A_1342, %slice3A_1343, %slice3A_1344, %slice3A_1345, %slice3A_1346, %slice3A_1347, %slice3A_1348, %slice3A_1349, %slice3A_1350, %slice3A_1351 in 1 : vector<8x128xf32>, vector<8x128xf32>, vector<8x128xf32>, vector<8x128xf32>, vector<8x128xf32>, vector<8x128xf32>, vector<8x128xf32>, vector<8x128xf32>, vector<8x128xf32>, vector<8x128xf32>, vector<8x128xf32>, vector<8x128xf32>, vector<8x128xf32>, vector<8x128xf32>, vector<8x128xf32>, vector<8x128xf32> -> vector<8x2048xf32>
    %concatenate3A_1353 = tpu.concatenate %concatenate3A, %concatenate3A_104, %concatenate3A_130, %concatenate3A_156, %concatenate3A_182, %concatenate3A_208, %concatenate3A_234, %concatenate3A_260, %concatenate3A_286, %concatenate3A_312, %concatenate3A_338, %concatenate3A_364, %concatenate3A_390, %concatenate3A_416, %concatenate3A_442, %concatenate3A_468, %concatenate3A_494, %concatenate3A_520, %concatenate3A_546, %concatenate3A_572, %concatenate3A_598, %concatenate3A_624, %concatenate3A_650, %concatenate3A_676, %concatenate3A_702, %concatenate3A_728, %concatenate3A_754, %concatenate3A_780, %concatenate3A_806, %concatenate3A_832, %concatenate3A_858, %concatenate3A_884, %concatenate3A_910, %concatenate3A_936, %concatenate3A_962, %concatenate3A_988, %concatenate3A_1014, %concatenate3A_1040, %concatenate3A_1066, %concatenate3A_1092, %concatenate3A_1118, %concatenate3A_1144, %concatenate3A_1170, %concatenate3A_1196, %concatenate3A_1222, %concatenate3A_1248, %concatenate3A_1274, %concatenate3A_1300, %concatenate3A_1326, %concatenate3A_1352 in 0 : vector<8x2048xf32>, vector<8x2048xf32>, vector<8x2048xf32>, vector<8x2048xf32>, vector<8x2048xf32>, vector<8x2048xf32>, vector<8x2048xf32>, vector<8x2048xf32>, vector<8x2048xf32>, vector<8x2048xf32>, vector<8x2048xf32>, vector<8x2048xf32>, vector<8x2048xf32>, vector<8x2048xf32>, vector<8x2048xf32>, vector<8x2048xf32>, vector<8x2048xf32>, vector<8x2048xf32>, vector<8x2048xf32>, vector<8x2048xf32>, vector<8x2048xf32>, vector<8x2048xf32>, vector<8x2048xf32>, vector<8x2048xf32>, vector<8x2048xf32>, vector<8x2048xf32>, vector<8x2048xf32>, vector<8x2048xf32>, vector<8x2048xf32>, vector<8x2048xf32>, vector<8x2048xf32>, vector<8x2048xf32>, vector<8x2048xf32>, vector<8x2048xf32>, vector<8x2048xf32>, vector<8x2048xf32>, vector<8x2048xf32>, vector<8x2048xf32>, vector<8x2048xf32>, vector<8x2048xf32>, vector<8x2048xf32>, vector<8x2048xf32>, vector<8x2048xf32>, vector<8x2048xf32>, vector<8x2048xf32>, vector<8x2048xf32>, vector<8x2048xf32>, vector<8x2048xf32>, vector<8x2048xf32>, vector<8x2048xf32> -> vector<400x2048xf32>
    %get3A_1354 = arith.constant 0 : index
    %get3A_1355 = arith.constant 0 : index
    %get3A_1356 = vector.load %arg5[%get3A_1354, %get3A_1355] : memref<2048x128xf32, #tpu.memory_space<vmem>>, vector<2048x128xf32>
    %dot_general3A_1357 = arith.constant dense<0.000000e+00> : vector<400x128xf32>
    %dot_general3A_1358 = tpu.matmul %concatenate3A_1353, %get3A_1356, %dot_general3A_1357 {dimension_numbers = #tpu.dot_dimension_numbers<[1], [0], [0], [1], [0, 0, 1, 1], [], []>, transpose_lhs_hint = false} : vector<400x2048xf32>, vector<2048x128xf32>, vector<400x128xf32> -> vector<400x128xf32>
    %reshape3A_1359 = vector.shape_cast %get3A_10 : vector<12800x128xf32> to vector<400x32x128xf32>
    %reduce_sum3A = arith.constant dense<0.000000e+00> : vector<400x32xf32>
    %reduce_sum3A_1360 = vector.multi_reduction <add>, %reshape3A_1359, %reduce_sum3A [2] : vector<400x32x128xf32> to vector<400x32xf32>
    %gt3A = arith.constant 0.000000e+00 : f32
    %gt3A_1361 = vector.broadcast %gt3A : f32 to vector<400x32xf32>
    %gt3A_1362 = arith.cmpf ogt, %reduce_sum3A_1360, %gt3A_1361 : vector<400x32xf32>
    %convert_element_type3A_1363 = arith.extui %gt3A_1362 : vector<400x32xi1> to vector<400x32xi32>
    %convert_element_type3A_1364 = arith.sitofp %convert_element_type3A_1363 : vector<400x32xi32> to vector<400x32xf32>
    %reduce_sum3A_1365 = arith.constant dense<0.000000e+00> : vector<400xf32>
    %reduce_sum3A_1366 = vector.multi_reduction <add>, %convert_element_type3A_1364, %reduce_sum3A_1365 [1] : vector<400x32xf32> to vector<400xf32>
    %broadcast_in_dim3A_1367 = vector.shape_cast %reduce_sum3A_1366 : vector<400xf32> to vector<400x1xf32>
    %max3A_1368 = arith.constant 1.000000e+00 : f32
    %max3A_1369 = vector.broadcast %max3A_1368 : f32 to vector<400x1xf32>
    %max3A_1370 = arith.maximumf %broadcast_in_dim3A_1367, %max3A_1369 : vector<400x1xf32>
    %div3A = vector.broadcast %max3A_1370 : vector<400x1xf32> to vector<400x128xf32>
    %div3A_1371 = arith.divf %dot_general3A_1358, %div3A : vector<400x128xf32>
    %swap3A = arith.constant 0 : index
    %swap3A_1372 = arith.constant 0 : index
    %swap3A_1373 = vector.load %arg7[%swap3A, %swap3A_1372] : memref<400x128xf32, #tpu.memory_space<vmem>>, vector<400x128xf32>
    tpu.vector_store %arg7[%swap3A, %swap3A_1372], %div3A_1371 {strides = array<i32>} : memref<400x128xf32, #tpu.memory_space<vmem>>, vector<400x128xf32>,
    return
  }
  func.func @transform_0(%arg0: i32) -> (i32, i32) {
    %c0_i32 = arith.constant 0 : i32
    %c0_i32_0 = arith.constant 0 : i32
    return %arg0, %c0_i32 : i32, i32
  }
  func.func @transform_1(%arg0: i32) -> (i32, i32) {
    %c0_i32 = arith.constant 0 : i32
    %c0_i32_0 = arith.constant 0 : i32
    return %arg0, %c0_i32 : i32, i32
  }
  func.func @transform_2(%arg0: i32) -> (i32, i32) {
    %c0_i32 = arith.constant 0 : i32
    %c0_i32_0 = arith.constant 0 : i32
    return %arg0, %c0_i32 : i32, i32
  }
  func.func @transform_3(%arg0: i32) -> (i32, i32) {
    %c0_i32 = arith.constant 0 : i32
    %c0_i32_0 = arith.constant 0 : i32
    %c0_i32_1 = arith.constant 0 : i32
    return %c0_i32, %c0_i32_0 : i32, i32
  }
  func.func @transform_4(%arg0: i32) -> (i32, i32) {
    %c0_i32 = arith.constant 0 : i32
    %c0_i32_0 = arith.constant 0 : i32
    %c0_i32_1 = arith.constant 0 : i32
    return %c0_i32, %c0_i32_0 : i32, i32
  }
  func.func @transform_5(%arg0: i32) -> (i32, i32) {
    %c0_i32 = arith.constant 0 : i32
    %c0_i32_0 = arith.constant 0 : i32
    %c0_i32_1 = arith.constant 0 : i32
    return %c0_i32, %c0_i32_0 : i32, i32
  }
  func.func @transform_6(%arg0: i32) -> (i32, i32) {
    %c0_i32 = arith.constant 0 : i32
    %c0_i32_0 = arith.constant 0 : i32
    return %arg0, %c0_i32 : i32, i32
  }
}

</mosaic_0001>

<sc_bundles>
// kernel: kernel.4.cloned.1.call-start
scs
__scs_entry_jumppad:
0x0: {  	(pc) =	sbr.rel $0x88, $3  }
0x1: {  	(tag) =	ssettag $0x0;
	lr =	simm.s32 $0x1  }
0x2: {  	[smem:$0x3F9B] =	sst lr;
	_ =	strace $0xD0000000  }
0x3: {  	_ = 	snop  }
0x4: {  	_ = 	snop  }
0x5: {  	_ = 	snop  }
0x6: {  	_ = 	snop  }
0x7: {  	_ = 	snop  }
__scs_overlays_trampoline_lowered:
0x8: {  	[smem:$0x3FAA] =	sst s0  }
0x9: {  	[smem:$0x3FAB] =	sst s1  }
0xa: {  	[smem:$0x3FAC] =	sst s2  }
0xb: {  	[smem:$0x3FAD] =	sst s3  }
0xc: {  	[smem:$0x3FAE] =	sst s4  }
0xd: {  	[smem:$0x3FAF] =	sst s5  }
0xe: {  	[smem:$0x3FB0] =	sst s6  }
0xf: {  	[smem:$0x3FB1] =	sst s7  }
0x10: {  	[smem:$0x3FB2] =	sst s8  }
0x11: {  	[smem:$0x3FB3] =	sst s9;
	s0 =	simm.s32 @!p0 $0x0  }
0x12: {  	s1 =	sld [smem:$0x3F99];
	s0 =	simm.s32 @p0 $0x1  }
0x13: {  	[smem:$0x3FB4] =	sst s0;
	s0 =	simm.s32 @!p1 $0x0  }
0x14: {  	s2 =	sld [smem:$0x3F98];
	s0 =	simm.s32 @p1 $0x1  }
0x15: {  	[smem:$0x3FB5] =	sst s0;
	s0 =	simm.s32 @!p2 $0x0  }
0x16: {  	s3 =	sld [smem:$0x3FDB];
	s0 =	simm.s32 @p2 $0x1  }
0x17: {  	s4 =	simm.s32 $0x1BF5;
	[smem:$0x3FB7] =	sst s0  }
0x18: {  	s0 =	sld [smem:$0x3F9A];
	_ =	swait.ge [sflag:s4], $0x0  }
0x19: {  	s7 =	sld [smem:$0x3F9B]  }
0x1a: {  	s8 =	sadd.s32 $0xFFFFE003, lr  }
0x1b: {  	s9 =	sadd.s32 $0xFFFFFEF7, lr;
	s5 =	simm.s32 $0xFFFFFFFF;
	p2 =	slt.u32 s8, $0xFFFFF086  }
0x1c: {  	p1 =	slt.u32 s9, $0xF7A;
	s5 =	simm.s32 @!p2 $0x0  }
0x1d: {  	s5 =	simm.s32 @p1 $0x1;
	p0 =	seq.s32 s7, s2  }
0x1e: {  	s7 =	smul.u32 @!p0 $0xF7A, s2;
	p2 =	seq.s32 @!p0 s5, $0x0  }
0x1f: {  	s9 =	smul.u32 $0xF7A, s1;
	s8 =	simm.s32 @!p0 $0x1BF5;
	p2 =	por !p2, p0  }
0x20: {  	[sflag:s8] =	ssyncset.s32 @!p0 $0xFFFFF086;
	s6 =	sadd.s32 @!p0 s3, s7;
	s7 =	simm.s32 @!p0 $0x108  }
0x21: {  	s3 =	sadd.s32 s3, s9;
	s6 =	sadd.s32 @!p0 $0x88, s6;
	s7 =	simm.s32 @p2 $0x1082  }
0x22: {  	[simem:s7], [sflag:s8] =	dma.local @!p0 [hbm:s6], $0xF7A  }
0x23: {  	s9 =	sor.u32 $0xD0000000, s2;
	s6 =	simm.s32 $0x108;
	_ =	swait.ge @!p0 [sflag:s8], $0x0  }
0x24: {  	s3 =	sadd.s32 $0x88, s3;
	s6 =	simm.s32 @!p1 $0x1082;
	[sflag:s4] =	ssyncset.s32 $0xFFFFF086  }
0x25: {  	[simem:s6], [sflag:s4] =	dma.local [hbm:s3], $0xF7A  }
0x26: {  	[smem:$0x3F9B] =	sst s1;
	(tag) =	ssettag s2;
	_ =	strace s9  }
0x27: {  	s1 =	sld [smem:$0x3FAB]  }
0x28: {  	s2 =	sld [smem:$0x3FAC]  }
0x29: {  	s4 =	sld [smem:$0x3FAE]  }
0x2a: {  	p0 =	seq.s32 s5, $0x0;
	s5 =	sld [smem:$0x3FAF]  }
0x2b: {  	s6 =	sld [smem:$0x3FB0]  }
0x2c: {  	s7 =	sld [smem:$0x3FB1]  }
0x2d: {  	s3 =	simm.s32 $0x108;
	s8 =	sld [smem:$0x3FB2]  }
0x2e: {  	s3 =	simm.s32 @!p0 $0x1082;
	s9 =	sld [smem:$0x3FB3]  }
0x2f: {  	lr =	sadd.s32 s0, s3;
	s0 =	sld [smem:$0x3FAA]  }
0x30: {  	s3 =	sld [smem:$0x3FAD]  }
0x31: {  	[smem:$0x3FB6] =	sst s10  }
0x32: {  	s10 =	sld [smem:$0x3FB4];
	_ =	sdelay $0x3  }
0x33: {  	p0 =	seq.s32 s10, $0x1;
	s10 =	sld [smem:$0x3FB6];
	_ =	sdelay $0x3  }
0x34: {  	[smem:$0x3FB6] =	sst s10  }
0x35: {  	s10 =	sld [smem:$0x3FB5];
	_ =	sdelay $0x3  }
0x36: {  	p1 =	seq.s32 s10, $0x1;
	s10 =	sld [smem:$0x3FB6];
	_ =	sdelay $0x3  }
0x37: {  	[smem:$0x3FB6] =	sst s10  }
0x38: {  	s10 =	sld [smem:$0x3FB7]  }
0x39: {  	_ = 	snop;
	(pc) =	sbr.ind lr, $3  }
0x3a: {  	_ = 	snop  }
0x3b: {  	_ = 	snop  }
0x3c: {  	p2 =	seq.s32 s10, $0x1;
	s10 =	sld [smem:$0x3FB6]  }
0x3d: {  	_ =	shalt  }
0x3e: {  	_ =	shalt  }
0x3f: {  	_ =	shalt  }
0x40: {  	_ =	shalt  }
0x41: {  	_ =	shalt  }
0x42: {  	_ =	shalt  }
0x43: {  	_ =	shalt  }
0x44: {  	_ =	shalt  }
0x45: {  	_ =	shalt  }
0x46: {  	_ =	shalt  }
0x47: {  	_ =	shalt  }
0x48: {  	_ =	shalt  }
0x49: {  	_ =	shalt  }
0x4a: {  	_ =	shalt  }
0x4b: {  	_ =	shalt  }
0x4c: {  	_ =	shalt  }
0x4d: {  	_ =	shalt  }
0x4e: {  	_ =	shalt  }
0x4f: {  	_ =	shalt  }
0x50: {  	_ =	shalt  }
0x51: {  	_ =	shalt  }
0x52: {  	_ =	shalt  }
0x53: {  	_ =	shalt  }
0x54: {  	_ =	shalt  }
0x55: {  	_ =	shalt  }
0x56: {  	_ =	shalt  }
0x57: {  	_ =	shalt  }
0x58: {  	_ =	shalt  }
0x59: {  	_ =	shalt  }
0x5a: {  	_ =	shalt  }
0x5b: {  	_ =	shalt  }
0x5c: {  	_ =	shalt  }
0x5d: {  	_ =	shalt  }
0x5e: {  	_ =	shalt  }
0x5f: {  	_ =	shalt  }
0x60: {  	_ =	shalt  }
0x61: {  	_ =	shalt  }
0x62: {  	_ =	shalt  }
0x63: {  	_ =	shalt  }
0x64: {  	_ =	shalt  }
0x65: {  	_ =	shalt  }
0x66: {  	_ =	shalt  }
0x67: {  	_ =	shalt  }
0x68: {  	_ =	shalt  }
0x69: {  	_ =	shalt  }
0x6a: {  	_ =	shalt  }
0x6b: {  	_ =	shalt  }
0x6c: {  	_ =	shalt  }
0x6d: {  	_ =	shalt  }
0x6e: {  	_ =	shalt  }
0x6f: {  	_ =	shalt  }
0x70: {  	_ =	shalt  }
0x71: {  	_ =	shalt  }
0x72: {  	_ =	shalt  }
0x73: {  	_ =	shalt  }
0x74: {  	_ =	shalt  }
0x75: {  	_ =	shalt  }
0x76: {  	_ =	shalt  }
0x77: {  	_ =	shalt  }
0x78: {  	_ =	shalt  }
0x79: {  	_ =	shalt  }
0x7a: {  	_ =	shalt  }
0x7b: {  	_ =	shalt  }
0x7c: {  	_ =	shalt  }
0x7d: {  	_ =	shalt  }
0x7e: {  	_ =	shalt  }
0x7f: {  	_ =	shalt  }
0x80: {  	_ =	shalt  }
0x81: {  	_ =	shalt  }
0x82: {  	_ =	shalt  }
0x83: {  	_ =	shalt  }
0x84: {  	_ =	shalt  }
0x85: {  	_ =	shalt  }
0x86: {  	_ =	shalt  }
0x87: {  	_ =	shalt  }
.Lfunc_end0:
.L_simem_size_0:
called_computation_lowered:
.L_overlay_start_0:
0x88: {  	s2 =	sld [smem:$0x3FD9]  }
0x89: {  	s3 =	sld [smem:$0x3FFE];
	_ =	sdelay $0x1  }
0x8a: {  	s1 =	srdreg.scid  }
0x8b: {  	s0 =	sand.u32 $0x1, s1  }
0x8c: {  	s17 =	sshll.u32 s0, $0xA;
	s2 =	sadd.s32 s3, s2  }
0x8d: {  	s2 =	sadd.s32 s2, s17  }
0x8e: {  	[smem:$0x3FC2] =	sst s2  }
0x8f: {  	_ = 	snop  }
0x90: {  	s2 =	sld [smem:$0x3FC6]  }
0x91: {  	s18 =	sld [smem:$0x3FD0];
	(tm) =	ssettm $0x1  }
0x92: {  	s4 =	sld [smem:$0x3FFB];
	_ =	sdelay $0x3  }
0x93: {  	_ =	strace s4  }
0x94: {  	s4 =	sld [smem:$0x3FFC];
	_ =	sdelay $0x3  }
0x95: {  	_ =	strace s4  }
0x96: {  	s4 =	sld [smem:$0x3FFD];
	_ =	sdelay $0x3  }
0x97: {  	_ =	strace s4  }
0x98: {  	_ =	strace $0x8FFFFFFF  }
0x99: {  	s19 =	sld [smem:$0x3FDB];
	_ =	sdelay $0x1  }
0x9a: {  	s5 =	simm.s32 $_scs_section_size  }
0x9b: {  	s6 =	simm.s32 $_size__tile_overlayer_lowered;
	s7 =	simm.s32 $_tile_overlayer_lowered  }
0x9c: {  	s22 =	simm.s32 $0x1BFF;
	s21 =	sshll.u32 s7, $0x1;
	s4 =	sadd.s32 s5, s19  }
0x9d: {  	s8 =	simm.s32 $0x0;
	s20 =	sshll.u32 s6, $0x1;
	s6 =	sadd.s32 s21, s4  }
0x9e: {  	[timem:s8], [sflag:s22] =	dma.local [hbm:s6], s20  }
0x9f: {  	_ =	swait.ge [sflag:s22], s20  }
0xa0: {  	s5 =	ssub.s32 $0x0, s20;
	[sflag:s22] =	ssyncset.done $0x0  }
0xa1: {  	[sflag:s22] =	ssyncadd.s32 s5;
	_ =	sdelay $0x1  }
0xa2: {  	s23 =	simm.s32 $0x1B8B  }
0xa3: {  	_ =	swait.ge [sflag:s23], $0x1  }
0xa4: {  	[sflag:s23] =	ssyncset.done $0x0  }
0xa5: {  	s25 =	simm.s32 $0x1B8E;
	s24 =	sld [smem:$0x3FFE];
	[sflag:s23] =	ssyncadd.s32 $0xFFFFFFFF  }
0xa6: {  	s26 =	simm.s32 $execute0_lowered;
	[smem:$0x3FD2] =	sst s25  }
0xa7: {  	s6 =	sshll.u32 s26, $0x1;
	_ =	strace $0x80000046;
	[dreg:$0x1] =	wrdreg $0xFFFFFFFF  }
0xa8: {  	s28 =	simm.s32 $_size_execute0_lowered;
	s4 =	sadd.s32 s4, s6;
	[dreg:$0x0] =	wrdreg $0x0  }
0xa9: {  	s6 =	sshll.u32 s28, $0x1;
	[dreg:$0x2] =	wrdreg s4  }
0xaa: {  	[dreg:$0x3] =	wrdreg s6  }
0xab: {  	[dreg:$0x4] =	wrdreg $0xC0  }
0xac: {  	_ =	task [dreg:s8], $0x5FFFF  }
0xad: {  	[dreg:$0x1] =	wrdreg $0xFFFFFFFF  }
0xae: {  	[dreg:$0x0] =	wrdreg $0x60  }
0xaf: {  	[dreg:$0x2] =	wrdreg s2  }
0xb0: {  	[dreg:$0x3] =	wrdreg s24  }
0xb1: {  	[dreg:$0x4] =	wrdreg s18  }
0xb2: {  	[dreg:$0x5] =	wrdreg $0x9  }
0xb3: {  	_ =	task.clear_ibuf [dreg:s8], $0x6FFFF;
	_ =	strace $0x90000046  }
0xb4: {  	s29 =	simm.s32 $0x9;
	_ =	strace $0x80000048  }
0xb5: {  	_ =	swait.ge [sflag:s29], $0x1  }
0xb6: {  	[sflag:s29] =	ssyncadd.s32 $0xFFFFFFFF  }
0xb7: {  	_ =	strace $0x90000048  }
0xb8: {  	_ =	sfence  }
0xb9: {  	s30 =	sld [smem:$0x0];
	_ =	sdelay $0x2  }
0xba: {  	s31 =	sshll.u32 s1, $0xD;
	s1 =	sshrl.u32 s1, $0x2  }
0xbb: {  	s3 =	sand.u32 $0x4000, s31;
	s1 =	sadd.s32 s1, s30  }
0xbc: {  	s0 =	sor.u32 s3, s0;
	s1 =	sshll.u32 s1, $0x11  }
0xbd: {  	s0 =	sor.u32 s1, s0  }
0xbe: {  	s0 =	sadd.s32 $0x8F2B, s0  }
0xbf: {  	[sflag:s0] =	ssyncadd.remote.s32 $0x1  }
0xc0: {  	_ =	sfence.sel $0xFFFF  }
0xc1: {  	[dreg:$0x0] =	wrdreg $0xFFFFFFFF;
	(pc) =	sbr.abs _section_cstart, $3  }
0xc2: {  	[dreg:$0x1] =	wrdreg $0xFFFFFFFF  }
0xc3: {  	_ =	task.clear_ibuf [dreg:s8], $0x2FFFF;
	_ =	strace $0x9FFFFFFF  }
0xc4: {  	(tm) =	ssettm $0x7FFFFFFF  }
0xc5: {  	_ =	shalt  }
tec
execute0_lowered:
.L_overlay_start_1:
0x0: {  	(tag) =	ssettag $0x1  }
0x1: {  	s1 =	rddreg [dreg:$0x0]  }
0x2: {  	s0 =	rddreg [dreg:$0x1]  }
0x3: {  	s2 =	rddreg [dreg:$0x2];
	s13 =	stileid.u32  }
0x4: {  	s4 =	srdreg.scid;
	s3 =	simm.s32 $0x0;
	s16 =	smul.u32 $0x4E20, s13  }
0x5: {  	s28 =	simm.s32 $0x5;
	s5 =	sand.u32 $0x1, s4;
	s22 =	smul.u32 $0x9C40, s13  }
0x6: {  	s29 =	simm.s32 $0x7;
	s30 =	simm.s32 $0x6;
	s18 =	smul.u32 $0x2710, s5  }
0x7: {  	s31 =	simm.s32 $0x8;
	s25 =	sshll.u32 s13, $0x1;
	s23 =	smul.u32 $0x4E20, s5  }
0x8: {  	[smem:$0x7FF] =	sst s3;
	s4 =	sor.u32 s5, s25;
	s25 =	smul.u32 $0x4E200, s13  }
0x9: {  	s7 =	sadd.s32 $0xA2200, s0;
	s8 =	ssub.s32 $0x2, s5;
	s5 =	smul.u32 $0x27100, s5  }
0xa: {  	_ =	strace $0x80000047;
	s6 =	smul.u32 $0x2710, s4;
	s9 =	sshrl.u32 s8, $0x1  }
0xb: {  	s4 =	sadd.s32 $0xE00, s0;
	s0 =	sadd.s32 $0x5E00, s0;
	s8 =	ssub.s32 s8, s9  }
0xc: {  	s20 =	sadd.s32 s18, s16;
	s18 =	simm.s32 $0x50;
	s10 =	sadd.s32 $0x26C0, s6  }
0xd: {  	s26 =	sshrl.u32 s6, $0x3;
	s15 =	sadd.s32 $0x2620, s6;
	s8 =	smax.u32 s8, $0x1  }
0xe: {  	s6 =	sadd.s32 $0x2670, s6;
	s21 =	sadd.s32 $0x50, s20;
	s20 =	simm.s32 $0x7710  }
0xf: {  	s11 =	sshll.u32 s10, $0x4;
	s2 =	sadd.s32 s2, s26;
	s14 =	sshll.u32 s10, $0x1  }
0x10: {  	[dreg:$0x7] =	wrdreg s8;
	s17 =	sshll.u32 s15, $0x4;
	s19 =	sshll.u32 s6, $0x4  }
0x11: {  	s6 =	sshll.u32 s6, $0x1;
	s26 =	sadd.s32 s25, s7;
	s25 =	simm.s32 $0x2  }
0x12: {  	[dreg:$0x4] =	wrdreg s2;
	s12 =	sadd.s32 s7, s11;
	s2 =	sadd.s32 s0, s14  }
0x13: {  	s8 =	sadd.s32 s7, s17;
	s16 =	sadd.s32 s5, s26;
	[dreg:$0x5] =	wrdreg s12  }
0x14: {  	s17 =	simm.s32 $0x9;
	[dreg:$0x6] =	wrdreg s2;
	s2 =	sshll.u32 s15, $0x1  }
0x15: {  	s26 =	simm.s32 $0x4;
	[dreg:$0x8] =	wrdreg s8;
	s2 =	sadd.s32 s0, s2  }
0x16: {  	s12 =	sadd.s32 s0, s6;
	[dreg:$0x9] =	wrdreg s2;
	s2 =	sadd.s32 s7, s19  }
0x17: {  	s19 =	simm.s32 $0x2710;
	[dreg:$0xa] =	wrdreg s2;
	s2 =	sshrl.u32 s21, $0x4  }
0x18: {  	s21 =	simm.s32 $0x4F10;
	s24 =	sshll.u32 s2, $0x5;
	s2 =	sshll.u32 s2, $0x8  }
0x19: {  	s13 =	sadd.s32 s24, s0;
	s14 =	sadd.s32 s2, s7;
	s0 =	sadd.s32 s22, s0  }
0x1a: {  	s22 =	simm.s32 $0x7C10;
	s24 =	simm.s32 $0x3;
	s2 =	simm.s32 $0x0  }
0x1b: {  	s15 =	sadd.s32 s23, s0;
	s23 =	simm.s32 $0x1;
	s0 =	simm.s32 $0x26C0  }
.LBB2_1:
0x1c: {  	s5 =	rddreg [dreg:$0x4]  }
0x1d: {  	[tilespmem:s3], [sflag:$0x9] =	stream.linear.gather [hbm4b:s5+s3], $0x2710, $0x38;
	[tilespmem:$0x8110] =	vst v63  }
0x1e: {  	_ =	swait.ge [sflag:s17], $0x2710  }
0x1f: {  	[sflag:s17] =	ssyncset.done $0x0  }
0x20: {  	[sflag:s17] =	ssyncadd.s32 $0xFFFFD8F0  }
0x21: {  	[tilespmem:s19], [sflag:$0x1] =	stream.indirect.gather [hbm4b:s1+s18], $0x80, s3, s18, $0xb8;
	[tilespmem:$0x8110] =	vst v63  }
0x22: {  	_ = 	snop  }
0x23: {  	[tilespmem:s20], [sflag:$0x3] =	stream.indirect.gather [hbm4b:s4+s18], $0x10, s3, s18, $0xb8;
	[tilespmem:$0x8110] =	vst v63  }
0x24: {  	_ = 	snop  }
0x25: {  	[tilespmem:s21], [sflag:$0x2] =	stream.indirect.gather [hbm4b:s1+s18], $0x80, s18, s18, $0xb8;
	[tilespmem:$0x8110] =	vst v63  }
0x26: {  	_ = 	snop  }
0x27: {  	[tilespmem:s22], [sflag:$0x4] =	stream.indirect.gather [hbm4b:s4+s18], $0x10, s18, s18, $0xb8;
	[tilespmem:$0x8110] =	vst v63  }
0x28: {  	_ =	swait.ge [sflag:s23], $0x2800  }
0x29: {  	[sflag:s23] =	ssyncset.done $0x0  }
0x2a: {  	[sflag:s23] =	ssyncadd.s32 $0xFFFFD800  }
0x2b: {  	_ =	swait.ge [sflag:s24], $0x500  }
0x2c: {  	[sflag:s24] =	ssyncset.done $0x0  }
0x2d: {  	[sflag:s24] =	ssyncadd.s32 $0xFFFFFB00  }
0x2e: {  	[hbm4b:s16+s3] =	stream.linear.scatter [tilespmem:s19], [sflag:$0x5], $0x2800, $0x38;
	[tilespmem:$0x8110] =	vst v63  }
0x2f: {  	_ = 	snop  }
0x30: {  	[hbm4b:s15+s3] =	stream.linear.scatter [tilespmem:s20], [sflag:$0x7], $0x500, $0x38;
	[tilespmem:$0x8110] =	vst v63  }
0x31: {  	_ =	swait.ge [sflag:s25], $0x2800  }
0x32: {  	[sflag:s25] =	ssyncset.done $0x0  }
0x33: {  	[sflag:s25] =	ssyncadd.s32 $0xFFFFD800  }
0x34: {  	_ =	swait.ge [sflag:s26], $0x500  }
0x35: {  	[sflag:s26] =	ssyncset.done $0x0  }
0x36: {  	[sflag:s26] =	ssyncadd.s32 $0xFFFFFB00  }
0x37: {  	[hbm4b:s14+s3] =	stream.linear.scatter [tilespmem:s21], [sflag:$0x6], $0x2800, $0x38;
	[tilespmem:$0x8110] =	vst v63  }
0x38: {  	_ = 	snop  }
0x39: {  	[hbm4b:s13+s3] =	stream.linear.scatter [tilespmem:s22], [sflag:$0x8], $0x500, $0x38;
	[tilespmem:$0x8110] =	vst v63  }
0x3a: {  	_ =	swait.ge [sflag:s28], $0x2800  }
0x3b: {  	[sflag:s28] =	ssyncset.done $0x0  }
0x3c: {  	[sflag:s28] =	ssyncadd.s32 $0xFFFFD800  }
0x3d: {  	_ =	swait.ge [sflag:s29], $0x500  }
0x3e: {  	[sflag:s29] =	ssyncset.done $0x0  }
0x3f: {  	s11 =	simm.s32 $0xA0;
	[sflag:s29] =	ssyncadd.s32 $0xFFFFFB00  }
0x40: {  	[tilespmem:s19], [sflag:$0x1] =	stream.indirect.gather [hbm4b:s1+s18], $0x80, s11, s18, $0xb8;
	[tilespmem:$0x8110] =	vst v63  }
0x41: {  	_ = 	snop  }
0x42: {  	[tilespmem:s20], [sflag:$0x3] =	stream.indirect.gather [hbm4b:s4+s18], $0x10, s11, s18, $0xb8;
	[tilespmem:$0x8110] =	vst v63  }
0x43: {  	_ =	swait.ge [sflag:s30], $0x2800  }
0x44: {  	[sflag:s30] =	ssyncset.done $0x0  }
0x45: {  	[sflag:s30] =	ssyncadd.s32 $0xFFFFD800  }
0x46: {  	s10 =	simm.s32 $0xF0;
	s6 =	sadd.s32 $0xA00, s16;
	_ =	swait.ge [sflag:s31], $0x500  }
0x47: {  	s7 =	sadd.s32 $0x140, s13;
	s8 =	sadd.s32 $0xA00, s14;
	[sflag:s31] =	ssyncset.done $0x0  }
0x48: {  	s9 =	sadd.s32 $0x140, s15;
	s5 =	simm.s32 $0x280;
	[sflag:s31] =	ssyncadd.s32 $0xFFFFFB00  }
0x49: {  	[tilespmem:s21], [sflag:$0x2] =	stream.indirect.gather [hbm4b:s1+s18], $0x80, s10, s18, $0xb8;
	[tilespmem:$0x8110] =	vst v63  }
.LBB2_2:
0x4a: {  	[tilespmem:s22], [sflag:$0x4] =	stream.indirect.gather [hbm4b:s4+s18], $0x10, s10, s18, $0xb8;
	[tilespmem:$0x8110] =	vst v63  }
0x4b: {  	s10 =	smov.u32 s5  }
0x4c: {  	p0 =	sne.s32 s5, $0x9600;
	s5 =	sadd.s32 $0x280, s5;
	_ =	swait.ge [sflag:s23], $0x2800  }
0x4d: {  	[sflag:s23] =	ssyncset.done $0x0  }
0x4e: {  	[sflag:s23] =	ssyncadd.s32 $0xFFFFD800  }
0x4f: {  	_ =	swait.ge [sflag:s24], $0x500  }
0x50: {  	[sflag:s24] =	ssyncset.done $0x0  }
0x51: {  	[sflag:s24] =	ssyncadd.s32 $0xFFFFFB00  }
0x52: {  	[hbm4b:s6+s3] =	stream.linear.scatter [tilespmem:s19], [sflag:$0x5], $0x2800, $0x38;
	[tilespmem:$0x8110] =	vst v63  }
0x53: {  	_ = 	snop  }
0x54: {  	[hbm4b:s9+s3] =	stream.linear.scatter [tilespmem:s20], [sflag:$0x7], $0x500, $0x38;
	[tilespmem:$0x8110] =	vst v63  }
0x55: {  	_ =	swait.ge [sflag:s25], $0x2800  }
0x56: {  	[sflag:s25] =	ssyncset.done $0x0  }
0x57: {  	[sflag:s25] =	ssyncadd.s32 $0xFFFFD800  }
0x58: {  	_ =	swait.ge [sflag:s26], $0x500  }
0x59: {  	[sflag:s26] =	ssyncset.done $0x0  }
0x5a: {  	[sflag:s26] =	ssyncadd.s32 $0xFFFFFB00  }
0x5b: {  	[hbm4b:s8+s3] =	stream.linear.scatter [tilespmem:s21], [sflag:$0x6], $0x2800, $0x38;
	[tilespmem:$0x8110] =	vst v63  }
0x5c: {  	_ = 	snop  }
0x5d: {  	[hbm4b:s7+s3] =	stream.linear.scatter [tilespmem:s22], [sflag:$0x8], $0x500, $0x38;
	[tilespmem:$0x8110] =	vst v63  }
0x5e: {  	_ =	swait.ge [sflag:s28], $0x2800  }
0x5f: {  	[sflag:s28] =	ssyncset.done $0x0  }
0x60: {  	[sflag:s28] =	ssyncadd.s32 $0xFFFFD800  }
0x61: {  	_ =	swait.ge [sflag:s29], $0x500  }
0x62: {  	s10 =	sshra.s32 s10, $0x2;
	[sflag:s29] =	ssyncset.done $0x0  }
0x63: {  	s11 =	sadd.s32 $0xA0, s10;
	[sflag:s29] =	ssyncadd.s32 $0xFFFFFB00  }
0x64: {  	[tilespmem:s19], [sflag:$0x1] =	stream.indirect.gather [hbm4b:s1+s18], $0x80, s11, s18, $0xb8;
	[tilespmem:$0x8110] =	vst v63  }
0x65: {  	_ = 	snop  }
0x66: {  	[tilespmem:s20], [sflag:$0x3] =	stream.indirect.gather [hbm4b:s4+s18], $0x10, s11, s18, $0xb8;
	[tilespmem:$0x8110] =	vst v63  }
0x67: {  	_ =	swait.ge [sflag:s30], $0x2800  }
0x68: {  	[sflag:s30] =	ssyncset.done $0x0  }
0x69: {  	[sflag:s30] =	ssyncadd.s32 $0xFFFFD800  }
.Ltmp0:
0x6a: {  	_ =	swait.ge [sflag:s31], $0x500;
	(pc) =	sbr.rel @p0 .LBB2_2-.Ltmp0, $4  }
0x6b: {  	[sflag:s31] =	ssyncset.done $0x0  }
0x6c: {  	s10 =	sadd.s32 $0xF0, s10;
	s6 =	sadd.s32 $0xA00, s6;
	[sflag:s31] =	ssyncadd.s32 $0xFFFFFB00  }
0x6d: {  	[tilespmem:s21], [sflag:$0x2] =	stream.indirect.gather [hbm4b:s1+s18], $0x80, s10, s18, $0xb8;
	[tilespmem:$0x8110] =	vst v63  }
0x6e: {  	s9 =	sadd.s32 $0x140, s9;
	s8 =	sadd.s32 $0xA00, s8;
	s7 =	sadd.s32 $0x140, s7  }
0x6f: {  	[tilespmem:s22], [sflag:$0x4] =	stream.indirect.gather [hbm4b:s4+s18], $0x10, s10, s18, $0xb8;
	[tilespmem:$0x8110] =	vst v63  }
0x70: {  	_ =	swait.ge [sflag:s23], $0x2800  }
0x71: {  	[sflag:s23] =	ssyncset.done $0x0  }
0x72: {  	[sflag:s23] =	ssyncadd.s32 $0xFFFFD800  }
0x73: {  	_ =	swait.ge [sflag:s24], $0x500  }
0x74: {  	[sflag:s24] =	ssyncset.done $0x0  }
0x75: {  	s5 =	rddreg [dreg:$0x8];
	[sflag:s24] =	ssyncadd.s32 $0xFFFFFB00  }
0x76: {  	[hbm4b:s5+s3] =	stream.linear.scatter [tilespmem:s19], [sflag:$0x5], $0x2800, $0x38;
	[tilespmem:$0x8110] =	vst v63  }
0x77: {  	s7 =	rddreg [dreg:$0x9]  }
0x78: {  	[hbm4b:s7+s3] =	stream.linear.scatter [tilespmem:s20], [sflag:$0x7], $0x500, $0x38;
	[tilespmem:$0x8110] =	vst v63  }
0x79: {  	_ =	swait.ge [sflag:s25], $0x2800  }
0x7a: {  	[sflag:s25] =	ssyncset.done $0x0  }
0x7b: {  	[sflag:s25] =	ssyncadd.s32 $0xFFFFD800  }
0x7c: {  	_ =	swait.ge [sflag:s26], $0x500  }
0x7d: {  	[sflag:s26] =	ssyncset.done $0x0  }
0x7e: {  	s8 =	rddreg [dreg:$0xa];
	[sflag:s26] =	ssyncadd.s32 $0xFFFFFB00  }
0x7f: {  	[hbm4b:s8+s3] =	stream.linear.scatter [tilespmem:s21], [sflag:$0x6], $0x2800, $0x38;
	[tilespmem:$0x8110] =	vst v63  }
0x80: {  	_ = 	snop  }
0x81: {  	[hbm4b:s12+s3] =	stream.linear.scatter [tilespmem:s22], [sflag:$0x8], $0x500, $0x38;
	[tilespmem:$0x8110] =	vst v63  }
0x82: {  	_ =	swait.ge [sflag:s28], $0x2800  }
0x83: {  	[sflag:s28] =	ssyncset.done $0x0  }
0x84: {  	[sflag:s28] =	ssyncadd.s32 $0xFFFFD800  }
0x85: {  	_ =	swait.ge [sflag:s29], $0x500  }
0x86: {  	[sflag:s29] =	ssyncset.done $0x0  }
0x87: {  	[sflag:s29] =	ssyncadd.s32 $0xFFFFFB00  }
0x88: {  	[tilespmem:s19], [sflag:$0x1] =	stream.indirect.gather [hbm4b:s1+s18], $0x80, s0, s18, $0xb8;
	[tilespmem:$0x8110] =	vst v63  }
0x89: {  	_ = 	snop  }
0x8a: {  	[tilespmem:s20], [sflag:$0x3] =	stream.indirect.gather [hbm4b:s4+s18], $0x10, s0, s18, $0xb8;
	[tilespmem:$0x8110] =	vst v63  }
0x8b: {  	_ =	swait.ge [sflag:s23], $0x2800  }
0x8c: {  	[sflag:s23] =	ssyncset.done $0x0  }
0x8d: {  	[sflag:s23] =	ssyncadd.s32 $0xFFFFD800  }
0x8e: {  	_ =	swait.ge [sflag:s24], $0x500  }
0x8f: {  	[sflag:s24] =	ssyncset.done $0x0  }
0x90: {  	[sflag:s24] =	ssyncadd.s32 $0xFFFFFB00  }
0x91: {  	_ =	swait.ge [sflag:s30], $0x2800  }
0x92: {  	[sflag:s30] =	ssyncset.done $0x0  }
0x93: {  	[sflag:s30] =	ssyncadd.s32 $0xFFFFD800  }
0x94: {  	_ =	swait.ge [sflag:s31], $0x500  }
0x95: {  	[sflag:s31] =	ssyncset.done $0x0  }
0x96: {  	s9 =	rddreg [dreg:$0x5];
	[sflag:s31] =	ssyncadd.s32 $0xFFFFFB00  }
0x97: {  	[hbm4b:s9+s3] =	stream.linear.scatter [tilespmem:s19], [sflag:$0x5], $0x2800, $0x38;
	[tilespmem:$0x8110] =	vst v63  }
0x98: {  	s10 =	rddreg [dreg:$0x6]  }
0x99: {  	[hbm4b:s10+s3] =	stream.linear.scatter [tilespmem:s20], [sflag:$0x7], $0x500, $0x38;
	[tilespmem:$0x8110] =	vst v63  }
0x9a: {  	_ =	swait.ge [sflag:s28], $0x2800  }
0x9b: {  	[sflag:s28] =	ssyncset.done $0x0  }
0x9c: {  	[sflag:s28] =	ssyncadd.s32 $0xFFFFD800  }
0x9d: {  	_ =	swait.ge [sflag:s29], $0x500  }
0x9e: {  	s2 =	sadd.s32 $0x1, s2;
	s11 =	rddreg [dreg:$0x7]  }
0x9f: {  	p0 =	sne.s32 s2, s11  }
.Ltmp1:
0xa0: {  	_ = 	snop;
	(pc) =	sbr.rel @p0 .LBB2_1-.Ltmp1, $3  }
0xa1: {  	_ =	sdelay $0x1  }
0xa2: {  	[sflag:s29] =	ssyncset.done $0x0  }
0xa3: {  	[sflag:s29] =	ssyncadd.s32 $0xFFFFFB00  }
0xa4: {  	_ =	sfence.sel $0x180000  }
0xa5: {  	[bflag:$0x0] =	sbarrier.arrive $0xFFFF  }
0xa6: {  	_ =	strace $0x90000047  }
0xa7: {  	s0 =	stileid.u32;
	[bflag:$0x2] =	sbarrier.arrive $0xFFFF  }
0xa8: {  	p0 =	sne.s32 s0, $0x0;
	s0 =	rddreg [dreg:$0x3]  }
0xa9: {  	s0 =	sadd.s32 @!p0 $0x100000, s0  }
0xaa: {  	[sflag:s0] =	ssyncadd.tile.s32 @!p0 $0x1;
	_ =	shalt  }
.Lfunc_end2:
_tile_overlayer_lowered:
.L_overlay_start_2:
0xab: {  	(tag) =	ssettag $0x2  }
0xac: {  	s0 =	rddreg [dreg:$0x0];
	s2 =	stileid.u32  }
0xad: {  	s1 =	rddreg [dreg:$0x1];
	p0 =	sne.s32 s2, $0x0  }
0xae: {  	s3 =	rddreg [dreg:$0x2];
	[bflag:$0x3] =	sbarrier.arrive $0xFFFF;
	s2 =	simm.s32 @!p0 $0x1C09  }
0xaf: {  	[timem:s3], [sflag:s2] =	dma.local @!p0 [hbm:s0], s1  }
0xb0: {  	s0 =	simm.s32 @!p0 $0x9  }
0xb1: {  	_ =	swait.ge @!p0 [sflag:s0], s1  }
0xb2: {  	s1 =	ssub.s32 @!p0 $0x0, s1;
	[sflag:s0] =	ssyncset.done @!p0 $0x0  }
0xb3: {  	[sflag:s0] =	ssyncadd.s32 @!p0 s1  }
0xb4: {  	[bflag:$0x3] =	sbarrier.arrive $0xFFFF  }
0xb5: {  	_ =	shalt  }

</sc_bundles>
